<compile_context>
chip_gen: v7x
topology: tpu7x:2x2x1
jax: 0.10.2.dev20260603
libtpu: 0.0.44.dev20260713+nightly
codegen_flags: <defaults>
</compile_context>

<pallas_src>
import functools

import jax
import jax.numpy as jnp
from jax import lax
from jax.experimental import pallas as pl
from jax.experimental.pallas import tpu as pltpu
from jax.experimental.pallas import tpu_sc as plsc

VOCAB = 100000
VPAD = 100096
D = 64
C = 4
B = 4096
S = 200

NC, NS, L = 2, 16, 16
NW = NC * NS
NPAIR = C // 2
NBLK = NW // NPAIR
ROWS_PER_W = B // NBLK
UNROLL = 8
RS0 = 96
RS1 = S - RS0

VB = 25088


def _fold_body(et_ref, w_ref, b_ref, out_ref):
    t = lax.dot_general(
        w_ref[...], et_ref[...], (((1,), (0,)), ((), ())),
        preferred_element_type=jnp.float32,
    )
    rows = []
    for c in range(C):
        rows.append((t[c : c + 1, :] + b_ref[c]) * (1.0 / S))
    bb = [
        (u + jnp.uint32(0x7FFF) + ((u >> jnp.uint32(16)) & jnp.uint32(1)))
        >> jnp.uint32(16)
        for u in (lax.bitcast_convert_type(r, jnp.uint32) for r in rows)
    ]
    packed = jnp.concatenate(
        [bb[0] | (bb[1] << jnp.uint32(16)), bb[2] | (bb[3] << jnp.uint32(16))],
        axis=0,
    )
    out_ref[...] = lax.bitcast_convert_type(packed, jnp.int32)


def _fold_table(embedding_t, fc_w, fc_b):
    return pl.pallas_call(
        _fold_body,
        grid=(pl.cdiv(VOCAB, VB),),
        in_specs=[
            pl.BlockSpec((D, VB), lambda i: (0, i)),
            pl.BlockSpec((C, D), lambda i: (0, 0)),
            pl.BlockSpec(memory_space=pltpu.SMEM),
        ],
        out_specs=pl.BlockSpec((NPAIR, VB), lambda i: (0, i)),
        out_shape=jax.ShapeDtypeStruct((NPAIR, VPAD), jnp.int32),
    )(embedding_t, fc_w, fc_b)


_sc_mesh = plsc.VectorSubcoreMesh(core_axis_name="c", subcore_axis_name="s")


@functools.partial(
    pl.kernel,
    out_type=jax.ShapeDtypeStruct((C, B), jnp.float32),
    mesh=_sc_mesh,
    compiler_params=pltpu.CompilerParams(needs_layout_passes=False),
    scratch_types=[
        pltpu.VMEM((VPAD,), jnp.int32),
        pltpu.VMEM((RS0, 128), jnp.int32),
        pltpu.VMEM((RS1, 128), jnp.int32),
        pltpu.VMEM((2 * ROWS_PER_W,), jnp.float32),
        pltpu.SemaphoreType.DMA,
        pltpu.SemaphoreType.DMA,
        pltpu.SemaphoreType.DMA,
        pltpu.SemaphoreType.DMA,
    ],
)
def _pool_kernel(
    tbl_hbm, idst_hbm, out_hbm, col_v, idxa_v, idxb_v, out_v,
    col_sem, ia_sem, ib_sem, out_sem,
):
    wid = lax.axis_index("s") * NC + lax.axis_index("c")
    pair = wid // NBLK
    blk = wid % NBLK
    NCH = 17
    CH = VPAD // NCH
    rot = wid % NCH
    col_cps = []
    for k in range(NCH):
        off = ((rot + k) % NCH) * CH
        col_cps.append(
            pltpu.async_copy(
                tbl_hbm.at[pair].at[pl.ds(off, CH)], col_v.at[pl.ds(off, CH)], col_sem
            )
        )
    b0 = blk * ROWS_PER_W
    cp_a = pltpu.async_copy(idst_hbm.at[pl.ds(0, RS0), pl.ds(b0, 128)], idxa_v, ia_sem)
    cp_b = pltpu.async_copy(idst_hbm.at[pl.ds(RS0, RS1), pl.ds(b0, 128)], idxb_v, ib_sem)
    for cp in col_cps:
        cp.wait()

    def quarter(idx_ref, nrows, g, a0, a1):
        def s_body(i, accs, _ref=idx_ref):
            q0, q1 = accs
            s0 = i * UNROLL
            for j in range(UNROLL):
                idx = _ref[s0 + j, pl.ds(pl.multiple_of(g * L, L), L)]
                packed = plsc.load_gather(col_v, [idx])
                q0 = q0 + plsc.bitcast(packed << jnp.int32(16), jnp.float32)
                q1 = q1 + plsc.bitcast(packed & jnp.int32(-65536), jnp.float32)
            return q0, q1

        return lax.fori_loop(0, nrows // UNROLL, s_body, (a0, a1))

    out_cps = []
    for slab in range(ROWS_PER_W // 128):
        cp_a.wait()
        cp_b.wait()

        def phase_a(g, carry, _slab=slab):
            zero = jnp.zeros((L,), jnp.float32)
            a0, a1 = quarter(idxa_v, RS0, g, zero, zero)
            row = pl.multiple_of(_slab * 128 + g * L, L)
            out_v[pl.ds(row, L)] = a0
            out_v[pl.ds(ROWS_PER_W + row, L)] = a1
            return carry

        lax.fori_loop(0, 128 // L, phase_a, 0)
        if slab == 0:
            cp_a = pltpu.async_copy(
                idst_hbm.at[pl.ds(0, RS0), pl.ds(b0 + 128, 128)], idxa_v, ia_sem
            )

        def phase_b(g, carry, _slab=slab):
            row = pl.multiple_of(_slab * 128 + g * L, L)
            a0 = out_v[pl.ds(row, L)]
            a1 = out_v[pl.ds(ROWS_PER_W + row, L)]
            a0, a1 = quarter(idxb_v, RS1, g, a0, a1)
            out_v[pl.ds(row, L)] = a0
            out_v[pl.ds(ROWS_PER_W + row, L)] = a1
            return carry

        lax.fori_loop(0, 128 // L, phase_b, 0)
        if slab == 0:
            cp_b = pltpu.async_copy(
                idst_hbm.at[pl.ds(RS0, RS1), pl.ds(b0 + 128, 128)], idxb_v, ib_sem
            )
        out_cps.append(
            pltpu.async_copy(
                out_v.at[pl.ds(slab * 128, 128)],
                out_hbm.at[2 * pair, pl.ds(b0 + slab * 128, 128)],
                out_sem,
            )
        )
        out_cps.append(
            pltpu.async_copy(
                out_v.at[pl.ds(ROWS_PER_W + slab * 128, 128)],
                out_hbm.at[2 * pair + 1, pl.ds(b0 + slab * 128, 128)],
                out_sem,
            )
        )
    for cp in out_cps:
        cp.wait()


def kernel(input_ids, embedding, fc_w, fc_b):
    tbl = _fold_table(embedding.T, fc_w, fc_b)
    idst = input_ids.astype(jnp.int32).T
    out_t = _pool_kernel(tbl, idst)
    return out_t.T

# --- scband reference (transcript-rebuilt; emitter-appended) ---
"""Pipeline reference for scband-recovered-news-classifier-56659208568892 (READ-ONLY COPY).

The authoritative reference and input builder live on the scoring server;
editing this copy changes nothing except your own understanding.
"""

import jax, jax.numpy as jnp
import numpy as np

VOCAB = 100000
EMBED_DIM = 64
NUM_CLASSES = 4
BATCH = 4096
SEQ = 200

def setup_inputs(seed: int = 0) -> dict:
    key = jax.random.key(seed)
    k1, k2, k3, k4 = jax.random.split(key, 4)
    input_ids = jax.random.randint(k1, (BATCH, SEQ), 0, VOCAB, dtype=jnp.int64 if jax.config.read('jax_enable_x64') else jnp.int32)
    embedding = jax.random.normal(k2, (VOCAB, EMBED_DIM), dtype=jnp.float32)
    fc_w = jax.random.normal(k3, (NUM_CLASSES, EMBED_DIM), dtype=jnp.float32) * (1.0 / np.sqrt(EMBED_DIM))
    fc_b = jax.random.normal(k4, (NUM_CLASSES,), dtype=jnp.float32) * 0.01
    return {"input_ids": input_ids, "embedding": embedding, "fc_w": fc_w, "fc_b": fc_b}

def reference(input_ids, embedding, fc_w, fc_b):
    # embeds = self.embedding(input_ids)  -> gather
    embeds = jnp.take(embedding, input_ids, axis=0)  # [B, S, D]
    # pooled = embeds.mean(dim=1)
    pooled = jnp.mean(embeds, axis=1)  # [B, D]
    # return self.fc(pooled)
    return pooled @ fc_w.T + fc_b  # [B, num_classes]

if __name__ == "__main__":
    import jax
    _d = setup_inputs()
    print(jax.jit(kernel)(*tuple(_d.values())))

</pallas_src>

<mosaic_0001>
#map = affine_map<(d0, d1) -> (0, 0)>
module attributes {stable_mosaic.version = 14 : i64} {
  func.func @_pool_kernel(%arg0: i32, %arg1: i32, %arg2: memref<2x100096xi32, #tpu.memory_space<hbm>>, %arg3: memref<200x4096xi32, #tpu.memory_space<hbm>>, %arg4: memref<4x4096xf32, #tpu.memory_space<hbm>>, %arg5: memref<100096xi32, #tpu.memory_space<vmem>>, %arg6: memref<96x128xi32, #tpu.memory_space<vmem>>, %arg7: memref<104x128xi32, #tpu.memory_space<vmem>>, %arg8: memref<512xf32, #tpu.memory_space<vmem>>, %arg9: memref<!tpu.dma_semaphore, #tpu.memory_space<semaphore_mem>>, %arg10: memref<!tpu.dma_semaphore, #tpu.memory_space<semaphore_mem>>, %arg11: memref<!tpu.dma_semaphore, #tpu.memory_space<semaphore_mem>>, %arg12: memref<!tpu.dma_semaphore, #tpu.memory_space<semaphore_mem>>) attributes {dimension_semantics = [#tpu.dimension_semantics<core_parallel>, #tpu.dimension_semantics<subcore_parallel>], iteration_bounds = array<i64: 2, 16>, scalar_prefetch = 0 : i64, scratch_operands = 8 : i64, tpu.core_type = #tpu.core_type<sc_vector_subcore>, window_params = [{transform_indices = #map}, {transform_indices = #map}, {transform_indices = #map}]} {
    %mul3A = arith.constant 2 : i32
    %mul3A_0 = arith.muli %arg1, %mul3A : i32
    %add3A = arith.addi %mul3A_0, %arg0 : i32
    %jit3A = arith.constant 16 : i32
    %div3A = arith.divsi %add3A, %jit3A : i32
    %sign3A = arith.constant 0 : i32
    %sign3A_1 = arith.cmpi sgt, %add3A, %sign3A : i32
    %sign3A_2 = arith.extui %sign3A_1 : i1 to i32
    %sign3A_3 = arith.constant 0 : i32
    %sign3A_4 = arith.cmpi slt, %add3A, %sign3A_3 : i32
    %sign3A_5 = arith.extui %sign3A_4 : i1 to i32
    %sign3A_6 = arith.subi %sign3A_2, %sign3A_5 : i32
    %sign3A_7 = arith.constant 0 : i32
    %sign3A_8 = arith.cmpi sgt, %jit3A, %sign3A_7 : i32
    %sign3A_9 = arith.extui %sign3A_8 : i1 to i32
    %sign3A_10 = arith.constant 0 : i32
    %sign3A_11 = arith.cmpi slt, %jit3A, %sign3A_10 : i32
    %sign3A_12 = arith.extui %sign3A_11 : i1 to i32
    %sign3A_13 = arith.subi %sign3A_9, %sign3A_12 : i32
    %ne3A = arith.cmpi ne, %sign3A_6, %sign3A_13 : i32
    %rem3A = arith.remsi %add3A, %jit3A : i32
    %ne3A_14 = arith.constant 0 : i32
    %ne3A_15 = arith.cmpi ne, %rem3A, %ne3A_14 : i32
    %and3A = arith.andi %ne3A, %ne3A_15 : i1
    %sub3A = arith.constant 1 : i32
    %sub3A_16 = arith.subi %div3A, %sub3A : i32
    %select_n3A = arith.select %and3A, %sub3A_16, %div3A : i32
    %jit3A_17 = arith.constant 16 : i32
    %eq3A = arith.constant 0 : i32
    %eq3A_18 = arith.cmpi eq, %jit3A_17, %eq3A : i32
    %jit3A_19 = arith.constant 1 : i32
    %select_n3A_20 = arith.select %eq3A_18, %jit3A_19, %jit3A_17 : i32
    %rem3A_21 = arith.remsi %add3A, %select_n3A_20 : i32
    %ne3A_22 = arith.constant 0 : i32
    %ne3A_23 = arith.cmpi ne, %rem3A_21, %ne3A_22 : i32
    %lt3A = arith.constant 0 : i32
    %lt3A_24 = arith.cmpi slt, %rem3A_21, %lt3A : i32
    %lt3A_25 = arith.constant 0 : i32
    %lt3A_26 = arith.cmpi slt, %select_n3A_20, %lt3A_25 : i32
    %ne3A_27 = arith.xori %lt3A_24, %lt3A_26 : i1
    %and3A_28 = arith.andi %ne3A_27, %ne3A_23 : i1
    %add3A_29 = arith.addi %rem3A_21, %select_n3A_20 : i32
    %select_n3A_30 = arith.select %and3A_28, %add3A_29, %rem3A_21 : i32
    %jit3A_31 = arith.constant 17 : i32
    %eq3A_32 = arith.constant 0 : i32
    %eq3A_33 = arith.cmpi eq, %jit3A_31, %eq3A_32 : i32
    %jit3A_34 = arith.constant 1 : i32
    %select_n3A_35 = arith.select %eq3A_33, %jit3A_34, %jit3A_31 : i32
    %rem3A_36 = arith.remsi %add3A, %select_n3A_35 : i32
    %ne3A_37 = arith.constant 0 : i32
    %ne3A_38 = arith.cmpi ne, %rem3A_36, %ne3A_37 : i32
    %lt3A_39 = arith.constant 0 : i32
    %lt3A_40 = arith.cmpi slt, %rem3A_36, %lt3A_39 : i32
    %lt3A_41 = arith.constant 0 : i32
    %lt3A_42 = arith.cmpi slt, %select_n3A_35, %lt3A_41 : i32
    %ne3A_43 = arith.xori %lt3A_40, %lt3A_42 : i1
    %and3A_44 = arith.andi %ne3A_43, %ne3A_38 : i1
    %add3A_45 = arith.addi %rem3A_36, %select_n3A_35 : i32
    %select_n3A_46 = arith.select %and3A_44, %add3A_45, %rem3A_36 : i32
    %add3A_47 = arith.constant 0 : i32
    %add3A_48 = arith.addi %select_n3A_46, %add3A_47 : i32
    %jit3A_49 = arith.constant 17 : i32
    %eq3A_50 = arith.constant 0 : i32
    %eq3A_51 = arith.cmpi eq, %jit3A_49, %eq3A_50 : i32
    %jit3A_52 = arith.constant 1 : i32
    %select_n3A_53 = arith.select %eq3A_51, %jit3A_52, %jit3A_49 : i32
    %rem3A_54 = arith.remsi %add3A_48, %select_n3A_53 : i32
    %ne3A_55 = arith.constant 0 : i32
    %ne3A_56 = arith.cmpi ne, %rem3A_54, %ne3A_55 : i32
    %lt3A_57 = arith.constant 0 : i32
    %lt3A_58 = arith.cmpi slt, %rem3A_54, %lt3A_57 : i32
    %lt3A_59 = arith.constant 0 : i32
    %lt3A_60 = arith.cmpi slt, %select_n3A_53, %lt3A_59 : i32
    %ne3A_61 = arith.xori %lt3A_58, %lt3A_60 : i1
    %and3A_62 = arith.andi %ne3A_61, %ne3A_56 : i1
    %add3A_63 = arith.addi %rem3A_54, %select_n3A_53 : i32
    %select_n3A_64 = arith.select %and3A_62, %add3A_63, %rem3A_54 : i32
    %mul3A_65 = arith.constant 5888 : i32
    %mul3A_66 = arith.muli %select_n3A_64, %mul3A_65 : i32
    %dma_start3A = tpu.memref_slice %arg5[%mul3A_66] : memref<100096xi32, #tpu.memory_space<vmem>> -> memref<5888xi32, #tpu.memory_space<vmem>>
    %dma_start3A_67 = arith.constant 0 : i32
    %dma_start3A_68 = tpu.memref_slice %arg2[%select_n3A, %dma_start3A_67] : memref<2x100096xi32, #tpu.memory_space<hbm>> -> memref<1x100096xi32, #tpu.memory_space<hbm>>
    %dma_start3A_69 = tpu.memref_squeeze %dma_start3A_68 : memref<1x100096xi32, #tpu.memory_space<hbm>> -> memref<100096xi32, #tpu.memory_space<hbm>>
    %dma_start3A_70 = tpu.memref_slice %dma_start3A_69[%mul3A_66] : memref<100096xi32, #tpu.memory_space<hbm>> -> memref<5888xi32, #tpu.memory_space<hbm>>
    %dma_start3A_71 = tpu.memref_slice %arg5[%mul3A_66] : memref<100096xi32, #tpu.memory_space<vmem>> -> memref<5888xi32, #tpu.memory_space<vmem>>
    %dma_start3A_72 = arith.constant 0 : i32
    %dma_start3A_73 = tpu.memref_slice %arg2[%select_n3A, %dma_start3A_72] : memref<2x100096xi32, #tpu.memory_space<hbm>> -> memref<1x100096xi32, #tpu.memory_space<hbm>>
    %dma_start3A_74 = tpu.memref_squeeze %dma_start3A_73 : memref<1x100096xi32, #tpu.memory_space<hbm>> -> memref<100096xi32, #tpu.memory_space<hbm>>
    %dma_start3A_75 = tpu.memref_slice %dma_start3A_74[%mul3A_66] : memref<100096xi32, #tpu.memory_space<hbm>> -> memref<5888xi32, #tpu.memory_space<hbm>>
    tpu.enqueue_dma source(%dma_start3A_75 : memref<5888xi32, #tpu.memory_space<hbm>>) target(%dma_start3A_71 : memref<5888xi32, #tpu.memory_space<vmem>>) target_semaphore(%arg9 : memref<!tpu.dma_semaphore, #tpu.memory_space<semaphore_mem>>)
    %add3A_76 = arith.constant 1 : i32
    %add3A_77 = arith.addi %select_n3A_46, %add3A_76 : i32
    %jit3A_78 = arith.constant 17 : i32
    %eq3A_79 = arith.constant 0 : i32
    %eq3A_80 = arith.cmpi eq, %jit3A_78, %eq3A_79 : i32
    %jit3A_81 = arith.constant 1 : i32
    %select_n3A_82 = arith.select %eq3A_80, %jit3A_81, %jit3A_78 : i32
    %rem3A_83 = arith.remsi %add3A_77, %select_n3A_82 : i32
    %ne3A_84 = arith.constant 0 : i32
    %ne3A_85 = arith.cmpi ne, %rem3A_83, %ne3A_84 : i32
    %lt3A_86 = arith.constant 0 : i32
    %lt3A_87 = arith.cmpi slt, %rem3A_83, %lt3A_86 : i32
    %lt3A_88 = arith.constant 0 : i32
    %lt3A_89 = arith.cmpi slt, %select_n3A_82, %lt3A_88 : i32
    %ne3A_90 = arith.xori %lt3A_87, %lt3A_89 : i1
    %and3A_91 = arith.andi %ne3A_90, %ne3A_85 : i1
    %add3A_92 = arith.addi %rem3A_83, %select_n3A_82 : i32
    %select_n3A_93 = arith.select %and3A_91, %add3A_92, %rem3A_83 : i32
    %mul3A_94 = arith.constant 5888 : i32
    %mul3A_95 = arith.muli %select_n3A_93, %mul3A_94 : i32
    %dma_start3A_96 = tpu.memref_slice %arg5[%mul3A_95] : memref<100096xi32, #tpu.memory_space<vmem>> -> memref<5888xi32, #tpu.memory_space<vmem>>
    %dma_start3A_97 = arith.constant 0 : i32
    %dma_start3A_98 = tpu.memref_slice %arg2[%select_n3A, %dma_start3A_97] : memref<2x100096xi32, #tpu.memory_space<hbm>> -> memref<1x100096xi32, #tpu.memory_space<hbm>>
    %dma_start3A_99 = tpu.memref_squeeze %dma_start3A_98 : memref<1x100096xi32, #tpu.memory_space<hbm>> -> memref<100096xi32, #tpu.memory_space<hbm>>
    %dma_start3A_100 = tpu.memref_slice %dma_start3A_99[%mul3A_95] : memref<100096xi32, #tpu.memory_space<hbm>> -> memref<5888xi32, #tpu.memory_space<hbm>>
    %dma_start3A_101 = tpu.memref_slice %arg5[%mul3A_95] : memref<100096xi32, #tpu.memory_space<vmem>> -> memref<5888xi32, #tpu.memory_space<vmem>>
    %dma_start3A_102 = arith.constant 0 : i32
    %dma_start3A_103 = tpu.memref_slice %arg2[%select_n3A, %dma_start3A_102] : memref<2x100096xi32, #tpu.memory_space<hbm>> -> memref<1x100096xi32, #tpu.memory_space<hbm>>
    %dma_start3A_104 = tpu.memref_squeeze %dma_start3A_103 : memref<1x100096xi32, #tpu.memory_space<hbm>> -> memref<100096xi32, #tpu.memory_space<hbm>>
    %dma_start3A_105 = tpu.memref_slice %dma_start3A_104[%mul3A_95] : memref<100096xi32, #tpu.memory_space<hbm>> -> memref<5888xi32, #tpu.memory_space<hbm>>
    tpu.enqueue_dma source(%dma_start3A_105 : memref<5888xi32, #tpu.memory_space<hbm>>) target(%dma_start3A_101 : memref<5888xi32, #tpu.memory_space<vmem>>) target_semaphore(%arg9 : memref<!tpu.dma_semaphore, #tpu.memory_space<semaphore_mem>>)
    %add3A_106 = arith.constant 2 : i32
    %add3A_107 = arith.addi %select_n3A_46, %add3A_106 : i32
    %jit3A_108 = arith.constant 17 : i32
    %eq3A_109 = arith.constant 0 : i32
    %eq3A_110 = arith.cmpi eq, %jit3A_108, %eq3A_109 : i32
    %jit3A_111 = arith.constant 1 : i32
    %select_n3A_112 = arith.select %eq3A_110, %jit3A_111, %jit3A_108 : i32
    %rem3A_113 = arith.remsi %add3A_107, %select_n3A_112 : i32
    %ne3A_114 = arith.constant 0 : i32
    %ne3A_115 = arith.cmpi ne, %rem3A_113, %ne3A_114 : i32
    %lt3A_116 = arith.constant 0 : i32
    %lt3A_117 = arith.cmpi slt, %rem3A_113, %lt3A_116 : i32
    %lt3A_118 = arith.constant 0 : i32
    %lt3A_119 = arith.cmpi slt, %select_n3A_112, %lt3A_118 : i32
    %ne3A_120 = arith.xori %lt3A_117, %lt3A_119 : i1
    %and3A_121 = arith.andi %ne3A_120, %ne3A_115 : i1
    %add3A_122 = arith.addi %rem3A_113, %select_n3A_112 : i32
    %select_n3A_123 = arith.select %and3A_121, %add3A_122, %rem3A_113 : i32
    %mul3A_124 = arith.constant 5888 : i32
    %mul3A_125 = arith.muli %select_n3A_123, %mul3A_124 : i32
    %dma_start3A_126 = tpu.memref_slice %arg5[%mul3A_125] : memref<100096xi32, #tpu.memory_space<vmem>> -> memref<5888xi32, #tpu.memory_space<vmem>>
    %dma_start3A_127 = arith.constant 0 : i32
    %dma_start3A_128 = tpu.memref_slice %arg2[%select_n3A, %dma_start3A_127] : memref<2x100096xi32, #tpu.memory_space<hbm>> -> memref<1x100096xi32, #tpu.memory_space<hbm>>
    %dma_start3A_129 = tpu.memref_squeeze %dma_start3A_128 : memref<1x100096xi32, #tpu.memory_space<hbm>> -> memref<100096xi32, #tpu.memory_space<hbm>>
    %dma_start3A_130 = tpu.memref_slice %dma_start3A_129[%mul3A_125] : memref<100096xi32, #tpu.memory_space<hbm>> -> memref<5888xi32, #tpu.memory_space<hbm>>
    %dma_start3A_131 = tpu.memref_slice %arg5[%mul3A_125] : memref<100096xi32, #tpu.memory_space<vmem>> -> memref<5888xi32, #tpu.memory_space<vmem>>
    %dma_start3A_132 = arith.constant 0 : i32
    %dma_start3A_133 = tpu.memref_slice %arg2[%select_n3A, %dma_start3A_132] : memref<2x100096xi32, #tpu.memory_space<hbm>> -> memref<1x100096xi32, #tpu.memory_space<hbm>>
    %dma_start3A_134 = tpu.memref_squeeze %dma_start3A_133 : memref<1x100096xi32, #tpu.memory_space<hbm>> -> memref<100096xi32, #tpu.memory_space<hbm>>
    %dma_start3A_135 = tpu.memref_slice %dma_start3A_134[%mul3A_125] : memref<100096xi32, #tpu.memory_space<hbm>> -> memref<5888xi32, #tpu.memory_space<hbm>>
    tpu.enqueue_dma source(%dma_start3A_135 : memref<5888xi32, #tpu.memory_space<hbm>>) target(%dma_start3A_131 : memref<5888xi32, #tpu.memory_space<vmem>>) target_semaphore(%arg9 : memref<!tpu.dma_semaphore, #tpu.memory_space<semaphore_mem>>)
    %add3A_136 = arith.constant 3 : i32
    %add3A_137 = arith.addi %select_n3A_46, %add3A_136 : i32
    %jit3A_138 = arith.constant 17 : i32
    %eq3A_139 = arith.constant 0 : i32
    %eq3A_140 = arith.cmpi eq, %jit3A_138, %eq3A_139 : i32
    %jit3A_141 = arith.constant 1 : i32
    %select_n3A_142 = arith.select %eq3A_140, %jit3A_141, %jit3A_138 : i32
    %rem3A_143 = arith.remsi %add3A_137, %select_n3A_142 : i32
    %ne3A_144 = arith.constant 0 : i32
    %ne3A_145 = arith.cmpi ne, %rem3A_143, %ne3A_144 : i32
    %lt3A_146 = arith.constant 0 : i32
    %lt3A_147 = arith.cmpi slt, %rem3A_143, %lt3A_146 : i32
    %lt3A_148 = arith.constant 0 : i32
    %lt3A_149 = arith.cmpi slt, %select_n3A_142, %lt3A_148 : i32
    %ne3A_150 = arith.xori %lt3A_147, %lt3A_149 : i1
    %and3A_151 = arith.andi %ne3A_150, %ne3A_145 : i1
    %add3A_152 = arith.addi %rem3A_143, %select_n3A_142 : i32
    %select_n3A_153 = arith.select %and3A_151, %add3A_152, %rem3A_143 : i32
    %mul3A_154 = arith.constant 5888 : i32
    %mul3A_155 = arith.muli %select_n3A_153, %mul3A_154 : i32
    %dma_start3A_156 = tpu.memref_slice %arg5[%mul3A_155] : memref<100096xi32, #tpu.memory_space<vmem>> -> memref<5888xi32, #tpu.memory_space<vmem>>
    %dma_start3A_157 = arith.constant 0 : i32
    %dma_start3A_158 = tpu.memref_slice %arg2[%select_n3A, %dma_start3A_157] : memref<2x100096xi32, #tpu.memory_space<hbm>> -> memref<1x100096xi32, #tpu.memory_space<hbm>>
    %dma_start3A_159 = tpu.memref_squeeze %dma_start3A_158 : memref<1x100096xi32, #tpu.memory_space<hbm>> -> memref<100096xi32, #tpu.memory_space<hbm>>
    %dma_start3A_160 = tpu.memref_slice %dma_start3A_159[%mul3A_155] : memref<100096xi32, #tpu.memory_space<hbm>> -> memref<5888xi32, #tpu.memory_space<hbm>>
    %dma_start3A_161 = tpu.memref_slice %arg5[%mul3A_155] : memref<100096xi32, #tpu.memory_space<vmem>> -> memref<5888xi32, #tpu.memory_space<vmem>>
    %dma_start3A_162 = arith.constant 0 : i32
    %dma_start3A_163 = tpu.memref_slice %arg2[%select_n3A, %dma_start3A_162] : memref<2x100096xi32, #tpu.memory_space<hbm>> -> memref<1x100096xi32, #tpu.memory_space<hbm>>
    %dma_start3A_164 = tpu.memref_squeeze %dma_start3A_163 : memref<1x100096xi32, #tpu.memory_space<hbm>> -> memref<100096xi32, #tpu.memory_space<hbm>>
    %dma_start3A_165 = tpu.memref_slice %dma_start3A_164[%mul3A_155] : memref<100096xi32, #tpu.memory_space<hbm>> -> memref<5888xi32, #tpu.memory_space<hbm>>
    tpu.enqueue_dma source(%dma_start3A_165 : memref<5888xi32, #tpu.memory_space<hbm>>) target(%dma_start3A_161 : memref<5888xi32, #tpu.memory_space<vmem>>) target_semaphore(%arg9 : memref<!tpu.dma_semaphore, #tpu.memory_space<semaphore_mem>>)
    %add3A_166 = arith.constant 4 : i32
    %add3A_167 = arith.addi %select_n3A_46, %add3A_166 : i32
    %jit3A_168 = arith.constant 17 : i32
    %eq3A_169 = arith.constant 0 : i32
    %eq3A_170 = arith.cmpi eq, %jit3A_168, %eq3A_169 : i32
    %jit3A_171 = arith.constant 1 : i32
    %select_n3A_172 = arith.select %eq3A_170, %jit3A_171, %jit3A_168 : i32
    %rem3A_173 = arith.remsi %add3A_167, %select_n3A_172 : i32
    %ne3A_174 = arith.constant 0 : i32
    %ne3A_175 = arith.cmpi ne, %rem3A_173, %ne3A_174 : i32
    %lt3A_176 = arith.constant 0 : i32
    %lt3A_177 = arith.cmpi slt, %rem3A_173, %lt3A_176 : i32
    %lt3A_178 = arith.constant 0 : i32
    %lt3A_179 = arith.cmpi slt, %select_n3A_172, %lt3A_178 : i32
    %ne3A_180 = arith.xori %lt3A_177, %lt3A_179 : i1
    %and3A_181 = arith.andi %ne3A_180, %ne3A_175 : i1
    %add3A_182 = arith.addi %rem3A_173, %select_n3A_172 : i32
    %select_n3A_183 = arith.select %and3A_181, %add3A_182, %rem3A_173 : i32
    %mul3A_184 = arith.constant 5888 : i32
    %mul3A_185 = arith.muli %select_n3A_183, %mul3A_184 : i32
    %dma_start3A_186 = tpu.memref_slice %arg5[%mul3A_185] : memref<100096xi32, #tpu.memory_space<vmem>> -> memref<5888xi32, #tpu.memory_space<vmem>>
    %dma_start3A_187 = arith.constant 0 : i32
    %dma_start3A_188 = tpu.memref_slice %arg2[%select_n3A, %dma_start3A_187] : memref<2x100096xi32, #tpu.memory_space<hbm>> -> memref<1x100096xi32, #tpu.memory_space<hbm>>
    %dma_start3A_189 = tpu.memref_squeeze %dma_start3A_188 : memref<1x100096xi32, #tpu.memory_space<hbm>> -> memref<100096xi32, #tpu.memory_space<hbm>>
    %dma_start3A_190 = tpu.memref_slice %dma_start3A_189[%mul3A_185] : memref<100096xi32, #tpu.memory_space<hbm>> -> memref<5888xi32, #tpu.memory_space<hbm>>
    %dma_start3A_191 = tpu.memref_slice %arg5[%mul3A_185] : memref<100096xi32, #tpu.memory_space<vmem>> -> memref<5888xi32, #tpu.memory_space<vmem>>
    %dma_start3A_192 = arith.constant 0 : i32
    %dma_start3A_193 = tpu.memref_slice %arg2[%select_n3A, %dma_start3A_192] : memref<2x100096xi32, #tpu.memory_space<hbm>> -> memref<1x100096xi32, #tpu.memory_space<hbm>>
    %dma_start3A_194 = tpu.memref_squeeze %dma_start3A_193 : memref<1x100096xi32, #tpu.memory_space<hbm>> -> memref<100096xi32, #tpu.memory_space<hbm>>
    %dma_start3A_195 = tpu.memref_slice %dma_start3A_194[%mul3A_185] : memref<100096xi32, #tpu.memory_space<hbm>> -> memref<5888xi32, #tpu.memory_space<hbm>>
    tpu.enqueue_dma source(%dma_start3A_195 : memref<5888xi32, #tpu.memory_space<hbm>>) target(%dma_start3A_191 : memref<5888xi32, #tpu.memory_space<vmem>>) target_semaphore(%arg9 : memref<!tpu.dma_semaphore, #tpu.memory_space<semaphore_mem>>)
    %add3A_196 = arith.constant 5 : i32
    %add3A_197 = arith.addi %select_n3A_46, %add3A_196 : i32
    %jit3A_198 = arith.constant 17 : i32
    %eq3A_199 = arith.constant 0 : i32
    %eq3A_200 = arith.cmpi eq, %jit3A_198, %eq3A_199 : i32
    %jit3A_201 = arith.constant 1 : i32
    %select_n3A_202 = arith.select %eq3A_200, %jit3A_201, %jit3A_198 : i32
    %rem3A_203 = arith.remsi %add3A_197, %select_n3A_202 : i32
    %ne3A_204 = arith.constant 0 : i32
    %ne3A_205 = arith.cmpi ne, %rem3A_203, %ne3A_204 : i32
    %lt3A_206 = arith.constant 0 : i32
    %lt3A_207 = arith.cmpi slt, %rem3A_203, %lt3A_206 : i32
    %lt3A_208 = arith.constant 0 : i32
    %lt3A_209 = arith.cmpi slt, %select_n3A_202, %lt3A_208 : i32
    %ne3A_210 = arith.xori %lt3A_207, %lt3A_209 : i1
    %and3A_211 = arith.andi %ne3A_210, %ne3A_205 : i1
    %add3A_212 = arith.addi %rem3A_203, %select_n3A_202 : i32
    %select_n3A_213 = arith.select %and3A_211, %add3A_212, %rem3A_203 : i32
    %mul3A_214 = arith.constant 5888 : i32
    %mul3A_215 = arith.muli %select_n3A_213, %mul3A_214 : i32
    %dma_start3A_216 = tpu.memref_slice %arg5[%mul3A_215] : memref<100096xi32, #tpu.memory_space<vmem>> -> memref<5888xi32, #tpu.memory_space<vmem>>
    %dma_start3A_217 = arith.constant 0 : i32
    %dma_start3A_218 = tpu.memref_slice %arg2[%select_n3A, %dma_start3A_217] : memref<2x100096xi32, #tpu.memory_space<hbm>> -> memref<1x100096xi32, #tpu.memory_space<hbm>>
    %dma_start3A_219 = tpu.memref_squeeze %dma_start3A_218 : memref<1x100096xi32, #tpu.memory_space<hbm>> -> memref<100096xi32, #tpu.memory_space<hbm>>
    %dma_start3A_220 = tpu.memref_slice %dma_start3A_219[%mul3A_215] : memref<100096xi32, #tpu.memory_space<hbm>> -> memref<5888xi32, #tpu.memory_space<hbm>>
    %dma_start3A_221 = tpu.memref_slice %arg5[%mul3A_215] : memref<100096xi32, #tpu.memory_space<vmem>> -> memref<5888xi32, #tpu.memory_space<vmem>>
    %dma_start3A_222 = arith.constant 0 : i32
    %dma_start3A_223 = tpu.memref_slice %arg2[%select_n3A, %dma_start3A_222] : memref<2x100096xi32, #tpu.memory_space<hbm>> -> memref<1x100096xi32, #tpu.memory_space<hbm>>
    %dma_start3A_224 = tpu.memref_squeeze %dma_start3A_223 : memref<1x100096xi32, #tpu.memory_space<hbm>> -> memref<100096xi32, #tpu.memory_space<hbm>>
    %dma_start3A_225 = tpu.memref_slice %dma_start3A_224[%mul3A_215] : memref<100096xi32, #tpu.memory_space<hbm>> -> memref<5888xi32, #tpu.memory_space<hbm>>
    tpu.enqueue_dma source(%dma_start3A_225 : memref<5888xi32, #tpu.memory_space<hbm>>) target(%dma_start3A_221 : memref<5888xi32, #tpu.memory_space<vmem>>) target_semaphore(%arg9 : memref<!tpu.dma_semaphore, #tpu.memory_space<semaphore_mem>>)
    %add3A_226 = arith.constant 6 : i32
    %add3A_227 = arith.addi %select_n3A_46, %add3A_226 : i32
    %jit3A_228 = arith.constant 17 : i32
    %eq3A_229 = arith.constant 0 : i32
    %eq3A_230 = arith.cmpi eq, %jit3A_228, %eq3A_229 : i32
    %jit3A_231 = arith.constant 1 : i32
    %select_n3A_232 = arith.select %eq3A_230, %jit3A_231, %jit3A_228 : i32
    %rem3A_233 = arith.remsi %add3A_227, %select_n3A_232 : i32
    %ne3A_234 = arith.constant 0 : i32
    %ne3A_235 = arith.cmpi ne, %rem3A_233, %ne3A_234 : i32
    %lt3A_236 = arith.constant 0 : i32
    %lt3A_237 = arith.cmpi slt, %rem3A_233, %lt3A_236 : i32
    %lt3A_238 = arith.constant 0 : i32
    %lt3A_239 = arith.cmpi slt, %select_n3A_232, %lt3A_238 : i32
    %ne3A_240 = arith.xori %lt3A_237, %lt3A_239 : i1
    %and3A_241 = arith.andi %ne3A_240, %ne3A_235 : i1
    %add3A_242 = arith.addi %rem3A_233, %select_n3A_232 : i32
    %select_n3A_243 = arith.select %and3A_241, %add3A_242, %rem3A_233 : i32
    %mul3A_244 = arith.constant 5888 : i32
    %mul3A_245 = arith.muli %select_n3A_243, %mul3A_244 : i32
    %dma_start3A_246 = tpu.memref_slice %arg5[%mul3A_245] : memref<100096xi32, #tpu.memory_space<vmem>> -> memref<5888xi32, #tpu.memory_space<vmem>>
    %dma_start3A_247 = arith.constant 0 : i32
    %dma_start3A_248 = tpu.memref_slice %arg2[%select_n3A, %dma_start3A_247] : memref<2x100096xi32, #tpu.memory_space<hbm>> -> memref<1x100096xi32, #tpu.memory_space<hbm>>
    %dma_start3A_249 = tpu.memref_squeeze %dma_start3A_248 : memref<1x100096xi32, #tpu.memory_space<hbm>> -> memref<100096xi32, #tpu.memory_space<hbm>>
    %dma_start3A_250 = tpu.memref_slice %dma_start3A_249[%mul3A_245] : memref<100096xi32, #tpu.memory_space<hbm>> -> memref<5888xi32, #tpu.memory_space<hbm>>
    %dma_start3A_251 = tpu.memref_slice %arg5[%mul3A_245] : memref<100096xi32, #tpu.memory_space<vmem>> -> memref<5888xi32, #tpu.memory_space<vmem>>
    %dma_start3A_252 = arith.constant 0 : i32
    %dma_start3A_253 = tpu.memref_slice %arg2[%select_n3A, %dma_start3A_252] : memref<2x100096xi32, #tpu.memory_space<hbm>> -> memref<1x100096xi32, #tpu.memory_space<hbm>>
    %dma_start3A_254 = tpu.memref_squeeze %dma_start3A_253 : memref<1x100096xi32, #tpu.memory_space<hbm>> -> memref<100096xi32, #tpu.memory_space<hbm>>
    %dma_start3A_255 = tpu.memref_slice %dma_start3A_254[%mul3A_245] : memref<100096xi32, #tpu.memory_space<hbm>> -> memref<5888xi32, #tpu.memory_space<hbm>>
    tpu.enqueue_dma source(%dma_start3A_255 : memref<5888xi32, #tpu.memory_space<hbm>>) target(%dma_start3A_251 : memref<5888xi32, #tpu.memory_space<vmem>>) target_semaphore(%arg9 : memref<!tpu.dma_semaphore, #tpu.memory_space<semaphore_mem>>)
    %add3A_256 = arith.constant 7 : i32
    %add3A_257 = arith.addi %select_n3A_46, %add3A_256 : i32
    %jit3A_258 = arith.constant 17 : i32
    %eq3A_259 = arith.constant 0 : i32
    %eq3A_260 = arith.cmpi eq, %jit3A_258, %eq3A_259 : i32
    %jit3A_261 = arith.constant 1 : i32
    %select_n3A_262 = arith.select %eq3A_260, %jit3A_261, %jit3A_258 : i32
    %rem3A_263 = arith.remsi %add3A_257, %select_n3A_262 : i32
    %ne3A_264 = arith.constant 0 : i32
    %ne3A_265 = arith.cmpi ne, %rem3A_263, %ne3A_264 : i32
    %lt3A_266 = arith.constant 0 : i32
    %lt3A_267 = arith.cmpi slt, %rem3A_263, %lt3A_266 : i32
    %lt3A_268 = arith.constant 0 : i32
    %lt3A_269 = arith.cmpi slt, %select_n3A_262, %lt3A_268 : i32
    %ne3A_270 = arith.xori %lt3A_267, %lt3A_269 : i1
    %and3A_271 = arith.andi %ne3A_270, %ne3A_265 : i1
    %add3A_272 = arith.addi %rem3A_263, %select_n3A_262 : i32
    %select_n3A_273 = arith.select %and3A_271, %add3A_272, %rem3A_263 : i32
    %mul3A_274 = arith.constant 5888 : i32
    %mul3A_275 = arith.muli %select_n3A_273, %mul3A_274 : i32
    %dma_start3A_276 = tpu.memref_slice %arg5[%mul3A_275] : memref<100096xi32, #tpu.memory_space<vmem>> -> memref<5888xi32, #tpu.memory_space<vmem>>
    %dma_start3A_277 = arith.constant 0 : i32
    %dma_start3A_278 = tpu.memref_slice %arg2[%select_n3A, %dma_start3A_277] : memref<2x100096xi32, #tpu.memory_space<hbm>> -> memref<1x100096xi32, #tpu.memory_space<hbm>>
    %dma_start3A_279 = tpu.memref_squeeze %dma_start3A_278 : memref<1x100096xi32, #tpu.memory_space<hbm>> -> memref<100096xi32, #tpu.memory_space<hbm>>
    %dma_start3A_280 = tpu.memref_slice %dma_start3A_279[%mul3A_275] : memref<100096xi32, #tpu.memory_space<hbm>> -> memref<5888xi32, #tpu.memory_space<hbm>>
    %dma_start3A_281 = tpu.memref_slice %arg5[%mul3A_275] : memref<100096xi32, #tpu.memory_space<vmem>> -> memref<5888xi32, #tpu.memory_space<vmem>>
    %dma_start3A_282 = arith.constant 0 : i32
    %dma_start3A_283 = tpu.memref_slice %arg2[%select_n3A, %dma_start3A_282] : memref<2x100096xi32, #tpu.memory_space<hbm>> -> memref<1x100096xi32, #tpu.memory_space<hbm>>
    %dma_start3A_284 = tpu.memref_squeeze %dma_start3A_283 : memref<1x100096xi32, #tpu.memory_space<hbm>> -> memref<100096xi32, #tpu.memory_space<hbm>>
    %dma_start3A_285 = tpu.memref_slice %dma_start3A_284[%mul3A_275] : memref<100096xi32, #tpu.memory_space<hbm>> -> memref<5888xi32, #tpu.memory_space<hbm>>
    tpu.enqueue_dma source(%dma_start3A_285 : memref<5888xi32, #tpu.memory_space<hbm>>) target(%dma_start3A_281 : memref<5888xi32, #tpu.memory_space<vmem>>) target_semaphore(%arg9 : memref<!tpu.dma_semaphore, #tpu.memory_space<semaphore_mem>>)
    %add3A_286 = arith.constant 8 : i32
    %add3A_287 = arith.addi %select_n3A_46, %add3A_286 : i32
    %jit3A_288 = arith.constant 17 : i32
    %eq3A_289 = arith.constant 0 : i32
    %eq3A_290 = arith.cmpi eq, %jit3A_288, %eq3A_289 : i32
    %jit3A_291 = arith.constant 1 : i32
    %select_n3A_292 = arith.select %eq3A_290, %jit3A_291, %jit3A_288 : i32
    %rem3A_293 = arith.remsi %add3A_287, %select_n3A_292 : i32
    %ne3A_294 = arith.constant 0 : i32
    %ne3A_295 = arith.cmpi ne, %rem3A_293, %ne3A_294 : i32
    %lt3A_296 = arith.constant 0 : i32
    %lt3A_297 = arith.cmpi slt, %rem3A_293, %lt3A_296 : i32
    %lt3A_298 = arith.constant 0 : i32
    %lt3A_299 = arith.cmpi slt, %select_n3A_292, %lt3A_298 : i32
    %ne3A_300 = arith.xori %lt3A_297, %lt3A_299 : i1
    %and3A_301 = arith.andi %ne3A_300, %ne3A_295 : i1
    %add3A_302 = arith.addi %rem3A_293, %select_n3A_292 : i32
    %select_n3A_303 = arith.select %and3A_301, %add3A_302, %rem3A_293 : i32
    %mul3A_304 = arith.constant 5888 : i32
    %mul3A_305 = arith.muli %select_n3A_303, %mul3A_304 : i32
    %dma_start3A_306 = tpu.memref_slice %arg5[%mul3A_305] : memref<100096xi32, #tpu.memory_space<vmem>> -> memref<5888xi32, #tpu.memory_space<vmem>>
    %dma_start3A_307 = arith.constant 0 : i32
    %dma_start3A_308 = tpu.memref_slice %arg2[%select_n3A, %dma_start3A_307] : memref<2x100096xi32, #tpu.memory_space<hbm>> -> memref<1x100096xi32, #tpu.memory_space<hbm>>
    %dma_start3A_309 = tpu.memref_squeeze %dma_start3A_308 : memref<1x100096xi32, #tpu.memory_space<hbm>> -> memref<100096xi32, #tpu.memory_space<hbm>>
    %dma_start3A_310 = tpu.memref_slice %dma_start3A_309[%mul3A_305] : memref<100096xi32, #tpu.memory_space<hbm>> -> memref<5888xi32, #tpu.memory_space<hbm>>
    %dma_start3A_311 = tpu.memref_slice %arg5[%mul3A_305] : memref<100096xi32, #tpu.memory_space<vmem>> -> memref<5888xi32, #tpu.memory_space<vmem>>
    %dma_start3A_312 = arith.constant 0 : i32
    %dma_start3A_313 = tpu.memref_slice %arg2[%select_n3A, %dma_start3A_312] : memref<2x100096xi32, #tpu.memory_space<hbm>> -> memref<1x100096xi32, #tpu.memory_space<hbm>>
    %dma_start3A_314 = tpu.memref_squeeze %dma_start3A_313 : memref<1x100096xi32, #tpu.memory_space<hbm>> -> memref<100096xi32, #tpu.memory_space<hbm>>
    %dma_start3A_315 = tpu.memref_slice %dma_start3A_314[%mul3A_305] : memref<100096xi32, #tpu.memory_space<hbm>> -> memref<5888xi32, #tpu.memory_space<hbm>>
    tpu.enqueue_dma source(%dma_start3A_315 : memref<5888xi32, #tpu.memory_space<hbm>>) target(%dma_start3A_311 : memref<5888xi32, #tpu.memory_space<vmem>>) target_semaphore(%arg9 : memref<!tpu.dma_semaphore, #tpu.memory_space<semaphore_mem>>)
    %add3A_316 = arith.constant 9 : i32
    %add3A_317 = arith.addi %select_n3A_46, %add3A_316 : i32
    %jit3A_318 = arith.constant 17 : i32
    %eq3A_319 = arith.constant 0 : i32
    %eq3A_320 = arith.cmpi eq, %jit3A_318, %eq3A_319 : i32
    %jit3A_321 = arith.constant 1 : i32
    %select_n3A_322 = arith.select %eq3A_320, %jit3A_321, %jit3A_318 : i32
    %rem3A_323 = arith.remsi %add3A_317, %select_n3A_322 : i32
    %ne3A_324 = arith.constant 0 : i32
    %ne3A_325 = arith.cmpi ne, %rem3A_323, %ne3A_324 : i32
    %lt3A_326 = arith.constant 0 : i32
    %lt3A_327 = arith.cmpi slt, %rem3A_323, %lt3A_326 : i32
    %lt3A_328 = arith.constant 0 : i32
    %lt3A_329 = arith.cmpi slt, %select_n3A_322, %lt3A_328 : i32
    %ne3A_330 = arith.xori %lt3A_327, %lt3A_329 : i1
    %and3A_331 = arith.andi %ne3A_330, %ne3A_325 : i1
    %add3A_332 = arith.addi %rem3A_323, %select_n3A_322 : i32
    %select_n3A_333 = arith.select %and3A_331, %add3A_332, %rem3A_323 : i32
    %mul3A_334 = arith.constant 5888 : i32
    %mul3A_335 = arith.muli %select_n3A_333, %mul3A_334 : i32
    %dma_start3A_336 = tpu.memref_slice %arg5[%mul3A_335] : memref<100096xi32, #tpu.memory_space<vmem>> -> memref<5888xi32, #tpu.memory_space<vmem>>
    %dma_start3A_337 = arith.constant 0 : i32
    %dma_start3A_338 = tpu.memref_slice %arg2[%select_n3A, %dma_start3A_337] : memref<2x100096xi32, #tpu.memory_space<hbm>> -> memref<1x100096xi32, #tpu.memory_space<hbm>>
    %dma_start3A_339 = tpu.memref_squeeze %dma_start3A_338 : memref<1x100096xi32, #tpu.memory_space<hbm>> -> memref<100096xi32, #tpu.memory_space<hbm>>
    %dma_start3A_340 = tpu.memref_slice %dma_start3A_339[%mul3A_335] : memref<100096xi32, #tpu.memory_space<hbm>> -> memref<5888xi32, #tpu.memory_space<hbm>>
    %dma_start3A_341 = tpu.memref_slice %arg5[%mul3A_335] : memref<100096xi32, #tpu.memory_space<vmem>> -> memref<5888xi32, #tpu.memory_space<vmem>>
    %dma_start3A_342 = arith.constant 0 : i32
    %dma_start3A_343 = tpu.memref_slice %arg2[%select_n3A, %dma_start3A_342] : memref<2x100096xi32, #tpu.memory_space<hbm>> -> memref<1x100096xi32, #tpu.memory_space<hbm>>
    %dma_start3A_344 = tpu.memref_squeeze %dma_start3A_343 : memref<1x100096xi32, #tpu.memory_space<hbm>> -> memref<100096xi32, #tpu.memory_space<hbm>>
    %dma_start3A_345 = tpu.memref_slice %dma_start3A_344[%mul3A_335] : memref<100096xi32, #tpu.memory_space<hbm>> -> memref<5888xi32, #tpu.memory_space<hbm>>
    tpu.enqueue_dma source(%dma_start3A_345 : memref<5888xi32, #tpu.memory_space<hbm>>) target(%dma_start3A_341 : memref<5888xi32, #tpu.memory_space<vmem>>) target_semaphore(%arg9 : memref<!tpu.dma_semaphore, #tpu.memory_space<semaphore_mem>>)
    %add3A_346 = arith.constant 10 : i32
    %add3A_347 = arith.addi %select_n3A_46, %add3A_346 : i32
    %jit3A_348 = arith.constant 17 : i32
    %eq3A_349 = arith.constant 0 : i32
    %eq3A_350 = arith.cmpi eq, %jit3A_348, %eq3A_349 : i32
    %jit3A_351 = arith.constant 1 : i32
    %select_n3A_352 = arith.select %eq3A_350, %jit3A_351, %jit3A_348 : i32
    %rem3A_353 = arith.remsi %add3A_347, %select_n3A_352 : i32
    %ne3A_354 = arith.constant 0 : i32
    %ne3A_355 = arith.cmpi ne, %rem3A_353, %ne3A_354 : i32
    %lt3A_356 = arith.constant 0 : i32
    %lt3A_357 = arith.cmpi slt, %rem3A_353, %lt3A_356 : i32
    %lt3A_358 = arith.constant 0 : i32
    %lt3A_359 = arith.cmpi slt, %select_n3A_352, %lt3A_358 : i32
    %ne3A_360 = arith.xori %lt3A_357, %lt3A_359 : i1
    %and3A_361 = arith.andi %ne3A_360, %ne3A_355 : i1
    %add3A_362 = arith.addi %rem3A_353, %select_n3A_352 : i32
    %select_n3A_363 = arith.select %and3A_361, %add3A_362, %rem3A_353 : i32
    %mul3A_364 = arith.constant 5888 : i32
    %mul3A_365 = arith.muli %select_n3A_363, %mul3A_364 : i32
    %dma_start3A_366 = tpu.memref_slice %arg5[%mul3A_365] : memref<100096xi32, #tpu.memory_space<vmem>> -> memref<5888xi32, #tpu.memory_space<vmem>>
    %dma_start3A_367 = arith.constant 0 : i32
    %dma_start3A_368 = tpu.memref_slice %arg2[%select_n3A, %dma_start3A_367] : memref<2x100096xi32, #tpu.memory_space<hbm>> -> memref<1x100096xi32, #tpu.memory_space<hbm>>
    %dma_start3A_369 = tpu.memref_squeeze %dma_start3A_368 : memref<1x100096xi32, #tpu.memory_space<hbm>> -> memref<100096xi32, #tpu.memory_space<hbm>>
    %dma_start3A_370 = tpu.memref_slice %dma_start3A_369[%mul3A_365] : memref<100096xi32, #tpu.memory_space<hbm>> -> memref<5888xi32, #tpu.memory_space<hbm>>
    %dma_start3A_371 = tpu.memref_slice %arg5[%mul3A_365] : memref<100096xi32, #tpu.memory_space<vmem>> -> memref<5888xi32, #tpu.memory_space<vmem>>
    %dma_start3A_372 = arith.constant 0 : i32
    %dma_start3A_373 = tpu.memref_slice %arg2[%select_n3A, %dma_start3A_372] : memref<2x100096xi32, #tpu.memory_space<hbm>> -> memref<1x100096xi32, #tpu.memory_space<hbm>>
    %dma_start3A_374 = tpu.memref_squeeze %dma_start3A_373 : memref<1x100096xi32, #tpu.memory_space<hbm>> -> memref<100096xi32, #tpu.memory_space<hbm>>
    %dma_start3A_375 = tpu.memref_slice %dma_start3A_374[%mul3A_365] : memref<100096xi32, #tpu.memory_space<hbm>> -> memref<5888xi32, #tpu.memory_space<hbm>>
    tpu.enqueue_dma source(%dma_start3A_375 : memref<5888xi32, #tpu.memory_space<hbm>>) target(%dma_start3A_371 : memref<5888xi32, #tpu.memory_space<vmem>>) target_semaphore(%arg9 : memref<!tpu.dma_semaphore, #tpu.memory_space<semaphore_mem>>)
    %add3A_376 = arith.constant 11 : i32
    %add3A_377 = arith.addi %select_n3A_46, %add3A_376 : i32
    %jit3A_378 = arith.constant 17 : i32
    %eq3A_379 = arith.constant 0 : i32
    %eq3A_380 = arith.cmpi eq, %jit3A_378, %eq3A_379 : i32
    %jit3A_381 = arith.constant 1 : i32
    %select_n3A_382 = arith.select %eq3A_380, %jit3A_381, %jit3A_378 : i32
    %rem3A_383 = arith.remsi %add3A_377, %select_n3A_382 : i32
    %ne3A_384 = arith.constant 0 : i32
    %ne3A_385 = arith.cmpi ne, %rem3A_383, %ne3A_384 : i32
    %lt3A_386 = arith.constant 0 : i32
    %lt3A_387 = arith.cmpi slt, %rem3A_383, %lt3A_386 : i32
    %lt3A_388 = arith.constant 0 : i32
    %lt3A_389 = arith.cmpi slt, %select_n3A_382, %lt3A_388 : i32
    %ne3A_390 = arith.xori %lt3A_387, %lt3A_389 : i1
    %and3A_391 = arith.andi %ne3A_390, %ne3A_385 : i1
    %add3A_392 = arith.addi %rem3A_383, %select_n3A_382 : i32
    %select_n3A_393 = arith.select %and3A_391, %add3A_392, %rem3A_383 : i32
    %mul3A_394 = arith.constant 5888 : i32
    %mul3A_395 = arith.muli %select_n3A_393, %mul3A_394 : i32
    %dma_start3A_396 = tpu.memref_slice %arg5[%mul3A_395] : memref<100096xi32, #tpu.memory_space<vmem>> -> memref<5888xi32, #tpu.memory_space<vmem>>
    %dma_start3A_397 = arith.constant 0 : i32
    %dma_start3A_398 = tpu.memref_slice %arg2[%select_n3A, %dma_start3A_397] : memref<2x100096xi32, #tpu.memory_space<hbm>> -> memref<1x100096xi32, #tpu.memory_space<hbm>>
    %dma_start3A_399 = tpu.memref_squeeze %dma_start3A_398 : memref<1x100096xi32, #tpu.memory_space<hbm>> -> memref<100096xi32, #tpu.memory_space<hbm>>
    %dma_start3A_400 = tpu.memref_slice %dma_start3A_399[%mul3A_395] : memref<100096xi32, #tpu.memory_space<hbm>> -> memref<5888xi32, #tpu.memory_space<hbm>>
    %dma_start3A_401 = tpu.memref_slice %arg5[%mul3A_395] : memref<100096xi32, #tpu.memory_space<vmem>> -> memref<5888xi32, #tpu.memory_space<vmem>>
    %dma_start3A_402 = arith.constant 0 : i32
    %dma_start3A_403 = tpu.memref_slice %arg2[%select_n3A, %dma_start3A_402] : memref<2x100096xi32, #tpu.memory_space<hbm>> -> memref<1x100096xi32, #tpu.memory_space<hbm>>
    %dma_start3A_404 = tpu.memref_squeeze %dma_start3A_403 : memref<1x100096xi32, #tpu.memory_space<hbm>> -> memref<100096xi32, #tpu.memory_space<hbm>>
    %dma_start3A_405 = tpu.memref_slice %dma_start3A_404[%mul3A_395] : memref<100096xi32, #tpu.memory_space<hbm>> -> memref<5888xi32, #tpu.memory_space<hbm>>
    tpu.enqueue_dma source(%dma_start3A_405 : memref<5888xi32, #tpu.memory_space<hbm>>) target(%dma_start3A_401 : memref<5888xi32, #tpu.memory_space<vmem>>) target_semaphore(%arg9 : memref<!tpu.dma_semaphore, #tpu.memory_space<semaphore_mem>>)
    %add3A_406 = arith.constant 12 : i32
    %add3A_407 = arith.addi %select_n3A_46, %add3A_406 : i32
    %jit3A_408 = arith.constant 17 : i32
    %eq3A_409 = arith.constant 0 : i32
    %eq3A_410 = arith.cmpi eq, %jit3A_408, %eq3A_409 : i32
    %jit3A_411 = arith.constant 1 : i32
    %select_n3A_412 = arith.select %eq3A_410, %jit3A_411, %jit3A_408 : i32
    %rem3A_413 = arith.remsi %add3A_407, %select_n3A_412 : i32
    %ne3A_414 = arith.constant 0 : i32
    %ne3A_415 = arith.cmpi ne, %rem3A_413, %ne3A_414 : i32
    %lt3A_416 = arith.constant 0 : i32
    %lt3A_417 = arith.cmpi slt, %rem3A_413, %lt3A_416 : i32
    %lt3A_418 = arith.constant 0 : i32
    %lt3A_419 = arith.cmpi slt, %select_n3A_412, %lt3A_418 : i32
    %ne3A_420 = arith.xori %lt3A_417, %lt3A_419 : i1
    %and3A_421 = arith.andi %ne3A_420, %ne3A_415 : i1
    %add3A_422 = arith.addi %rem3A_413, %select_n3A_412 : i32
    %select_n3A_423 = arith.select %and3A_421, %add3A_422, %rem3A_413 : i32
    %mul3A_424 = arith.constant 5888 : i32
    %mul3A_425 = arith.muli %select_n3A_423, %mul3A_424 : i32
    %dma_start3A_426 = tpu.memref_slice %arg5[%mul3A_425] : memref<100096xi32, #tpu.memory_space<vmem>> -> memref<5888xi32, #tpu.memory_space<vmem>>
    %dma_start3A_427 = arith.constant 0 : i32
    %dma_start3A_428 = tpu.memref_slice %arg2[%select_n3A, %dma_start3A_427] : memref<2x100096xi32, #tpu.memory_space<hbm>> -> memref<1x100096xi32, #tpu.memory_space<hbm>>
    %dma_start3A_429 = tpu.memref_squeeze %dma_start3A_428 : memref<1x100096xi32, #tpu.memory_space<hbm>> -> memref<100096xi32, #tpu.memory_space<hbm>>
    %dma_start3A_430 = tpu.memref_slice %dma_start3A_429[%mul3A_425] : memref<100096xi32, #tpu.memory_space<hbm>> -> memref<5888xi32, #tpu.memory_space<hbm>>
    %dma_start3A_431 = tpu.memref_slice %arg5[%mul3A_425] : memref<100096xi32, #tpu.memory_space<vmem>> -> memref<5888xi32, #tpu.memory_space<vmem>>
    %dma_start3A_432 = arith.constant 0 : i32
    %dma_start3A_433 = tpu.memref_slice %arg2[%select_n3A, %dma_start3A_432] : memref<2x100096xi32, #tpu.memory_space<hbm>> -> memref<1x100096xi32, #tpu.memory_space<hbm>>
    %dma_start3A_434 = tpu.memref_squeeze %dma_start3A_433 : memref<1x100096xi32, #tpu.memory_space<hbm>> -> memref<100096xi32, #tpu.memory_space<hbm>>
    %dma_start3A_435 = tpu.memref_slice %dma_start3A_434[%mul3A_425] : memref<100096xi32, #tpu.memory_space<hbm>> -> memref<5888xi32, #tpu.memory_space<hbm>>
    tpu.enqueue_dma source(%dma_start3A_435 : memref<5888xi32, #tpu.memory_space<hbm>>) target(%dma_start3A_431 : memref<5888xi32, #tpu.memory_space<vmem>>) target_semaphore(%arg9 : memref<!tpu.dma_semaphore, #tpu.memory_space<semaphore_mem>>)
    %add3A_436 = arith.constant 13 : i32
    %add3A_437 = arith.addi %select_n3A_46, %add3A_436 : i32
    %jit3A_438 = arith.constant 17 : i32
    %eq3A_439 = arith.constant 0 : i32
    %eq3A_440 = arith.cmpi eq, %jit3A_438, %eq3A_439 : i32
    %jit3A_441 = arith.constant 1 : i32
    %select_n3A_442 = arith.select %eq3A_440, %jit3A_441, %jit3A_438 : i32
    %rem3A_443 = arith.remsi %add3A_437, %select_n3A_442 : i32
    %ne3A_444 = arith.constant 0 : i32
    %ne3A_445 = arith.cmpi ne, %rem3A_443, %ne3A_444 : i32
    %lt3A_446 = arith.constant 0 : i32
    %lt3A_447 = arith.cmpi slt, %rem3A_443, %lt3A_446 : i32
    %lt3A_448 = arith.constant 0 : i32
    %lt3A_449 = arith.cmpi slt, %select_n3A_442, %lt3A_448 : i32
    %ne3A_450 = arith.xori %lt3A_447, %lt3A_449 : i1
    %and3A_451 = arith.andi %ne3A_450, %ne3A_445 : i1
    %add3A_452 = arith.addi %rem3A_443, %select_n3A_442 : i32
    %select_n3A_453 = arith.select %and3A_451, %add3A_452, %rem3A_443 : i32
    %mul3A_454 = arith.constant 5888 : i32
    %mul3A_455 = arith.muli %select_n3A_453, %mul3A_454 : i32
    %dma_start3A_456 = tpu.memref_slice %arg5[%mul3A_455] : memref<100096xi32, #tpu.memory_space<vmem>> -> memref<5888xi32, #tpu.memory_space<vmem>>
    %dma_start3A_457 = arith.constant 0 : i32
    %dma_start3A_458 = tpu.memref_slice %arg2[%select_n3A, %dma_start3A_457] : memref<2x100096xi32, #tpu.memory_space<hbm>> -> memref<1x100096xi32, #tpu.memory_space<hbm>>
    %dma_start3A_459 = tpu.memref_squeeze %dma_start3A_458 : memref<1x100096xi32, #tpu.memory_space<hbm>> -> memref<100096xi32, #tpu.memory_space<hbm>>
    %dma_start3A_460 = tpu.memref_slice %dma_start3A_459[%mul3A_455] : memref<100096xi32, #tpu.memory_space<hbm>> -> memref<5888xi32, #tpu.memory_space<hbm>>
    %dma_start3A_461 = tpu.memref_slice %arg5[%mul3A_455] : memref<100096xi32, #tpu.memory_space<vmem>> -> memref<5888xi32, #tpu.memory_space<vmem>>
    %dma_start3A_462 = arith.constant 0 : i32
    %dma_start3A_463 = tpu.memref_slice %arg2[%select_n3A, %dma_start3A_462] : memref<2x100096xi32, #tpu.memory_space<hbm>> -> memref<1x100096xi32, #tpu.memory_space<hbm>>
    %dma_start3A_464 = tpu.memref_squeeze %dma_start3A_463 : memref<1x100096xi32, #tpu.memory_space<hbm>> -> memref<100096xi32, #tpu.memory_space<hbm>>
    %dma_start3A_465 = tpu.memref_slice %dma_start3A_464[%mul3A_455] : memref<100096xi32, #tpu.memory_space<hbm>> -> memref<5888xi32, #tpu.memory_space<hbm>>
    tpu.enqueue_dma source(%dma_start3A_465 : memref<5888xi32, #tpu.memory_space<hbm>>) target(%dma_start3A_461 : memref<5888xi32, #tpu.memory_space<vmem>>) target_semaphore(%arg9 : memref<!tpu.dma_semaphore, #tpu.memory_space<semaphore_mem>>)
    %add3A_466 = arith.constant 14 : i32
    %add3A_467 = arith.addi %select_n3A_46, %add3A_466 : i32
    %jit3A_468 = arith.constant 17 : i32
    %eq3A_469 = arith.constant 0 : i32
    %eq3A_470 = arith.cmpi eq, %jit3A_468, %eq3A_469 : i32
    %jit3A_471 = arith.constant 1 : i32
    %select_n3A_472 = arith.select %eq3A_470, %jit3A_471, %jit3A_468 : i32
    %rem3A_473 = arith.remsi %add3A_467, %select_n3A_472 : i32
    %ne3A_474 = arith.constant 0 : i32
    %ne3A_475 = arith.cmpi ne, %rem3A_473, %ne3A_474 : i32
    %lt3A_476 = arith.constant 0 : i32
    %lt3A_477 = arith.cmpi slt, %rem3A_473, %lt3A_476 : i32
    %lt3A_478 = arith.constant 0 : i32
    %lt3A_479 = arith.cmpi slt, %select_n3A_472, %lt3A_478 : i32
    %ne3A_480 = arith.xori %lt3A_477, %lt3A_479 : i1
    %and3A_481 = arith.andi %ne3A_480, %ne3A_475 : i1
    %add3A_482 = arith.addi %rem3A_473, %select_n3A_472 : i32
    %select_n3A_483 = arith.select %and3A_481, %add3A_482, %rem3A_473 : i32
    %mul3A_484 = arith.constant 5888 : i32
    %mul3A_485 = arith.muli %select_n3A_483, %mul3A_484 : i32
    %dma_start3A_486 = tpu.memref_slice %arg5[%mul3A_485] : memref<100096xi32, #tpu.memory_space<vmem>> -> memref<5888xi32, #tpu.memory_space<vmem>>
    %dma_start3A_487 = arith.constant 0 : i32
    %dma_start3A_488 = tpu.memref_slice %arg2[%select_n3A, %dma_start3A_487] : memref<2x100096xi32, #tpu.memory_space<hbm>> -> memref<1x100096xi32, #tpu.memory_space<hbm>>
    %dma_start3A_489 = tpu.memref_squeeze %dma_start3A_488 : memref<1x100096xi32, #tpu.memory_space<hbm>> -> memref<100096xi32, #tpu.memory_space<hbm>>
    %dma_start3A_490 = tpu.memref_slice %dma_start3A_489[%mul3A_485] : memref<100096xi32, #tpu.memory_space<hbm>> -> memref<5888xi32, #tpu.memory_space<hbm>>
    %dma_start3A_491 = tpu.memref_slice %arg5[%mul3A_485] : memref<100096xi32, #tpu.memory_space<vmem>> -> memref<5888xi32, #tpu.memory_space<vmem>>
    %dma_start3A_492 = arith.constant 0 : i32
    %dma_start3A_493 = tpu.memref_slice %arg2[%select_n3A, %dma_start3A_492] : memref<2x100096xi32, #tpu.memory_space<hbm>> -> memref<1x100096xi32, #tpu.memory_space<hbm>>
    %dma_start3A_494 = tpu.memref_squeeze %dma_start3A_493 : memref<1x100096xi32, #tpu.memory_space<hbm>> -> memref<100096xi32, #tpu.memory_space<hbm>>
    %dma_start3A_495 = tpu.memref_slice %dma_start3A_494[%mul3A_485] : memref<100096xi32, #tpu.memory_space<hbm>> -> memref<5888xi32, #tpu.memory_space<hbm>>
    tpu.enqueue_dma source(%dma_start3A_495 : memref<5888xi32, #tpu.memory_space<hbm>>) target(%dma_start3A_491 : memref<5888xi32, #tpu.memory_space<vmem>>) target_semaphore(%arg9 : memref<!tpu.dma_semaphore, #tpu.memory_space<semaphore_mem>>)
    %add3A_496 = arith.constant 15 : i32
    %add3A_497 = arith.addi %select_n3A_46, %add3A_496 : i32
    %jit3A_498 = arith.constant 17 : i32
    %eq3A_499 = arith.constant 0 : i32
    %eq3A_500 = arith.cmpi eq, %jit3A_498, %eq3A_499 : i32
    %jit3A_501 = arith.constant 1 : i32
    %select_n3A_502 = arith.select %eq3A_500, %jit3A_501, %jit3A_498 : i32
    %rem3A_503 = arith.remsi %add3A_497, %select_n3A_502 : i32
    %ne3A_504 = arith.constant 0 : i32
    %ne3A_505 = arith.cmpi ne, %rem3A_503, %ne3A_504 : i32
    %lt3A_506 = arith.constant 0 : i32
    %lt3A_507 = arith.cmpi slt, %rem3A_503, %lt3A_506 : i32
    %lt3A_508 = arith.constant 0 : i32
    %lt3A_509 = arith.cmpi slt, %select_n3A_502, %lt3A_508 : i32
    %ne3A_510 = arith.xori %lt3A_507, %lt3A_509 : i1
    %and3A_511 = arith.andi %ne3A_510, %ne3A_505 : i1
    %add3A_512 = arith.addi %rem3A_503, %select_n3A_502 : i32
    %select_n3A_513 = arith.select %and3A_511, %add3A_512, %rem3A_503 : i32
    %mul3A_514 = arith.constant 5888 : i32
    %mul3A_515 = arith.muli %select_n3A_513, %mul3A_514 : i32
    %dma_start3A_516 = tpu.memref_slice %arg5[%mul3A_515] : memref<100096xi32, #tpu.memory_space<vmem>> -> memref<5888xi32, #tpu.memory_space<vmem>>
    %dma_start3A_517 = arith.constant 0 : i32
    %dma_start3A_518 = tpu.memref_slice %arg2[%select_n3A, %dma_start3A_517] : memref<2x100096xi32, #tpu.memory_space<hbm>> -> memref<1x100096xi32, #tpu.memory_space<hbm>>
    %dma_start3A_519 = tpu.memref_squeeze %dma_start3A_518 : memref<1x100096xi32, #tpu.memory_space<hbm>> -> memref<100096xi32, #tpu.memory_space<hbm>>
    %dma_start3A_520 = tpu.memref_slice %dma_start3A_519[%mul3A_515] : memref<100096xi32, #tpu.memory_space<hbm>> -> memref<5888xi32, #tpu.memory_space<hbm>>
    %dma_start3A_521 = tpu.memref_slice %arg5[%mul3A_515] : memref<100096xi32, #tpu.memory_space<vmem>> -> memref<5888xi32, #tpu.memory_space<vmem>>
    %dma_start3A_522 = arith.constant 0 : i32
    %dma_start3A_523 = tpu.memref_slice %arg2[%select_n3A, %dma_start3A_522] : memref<2x100096xi32, #tpu.memory_space<hbm>> -> memref<1x100096xi32, #tpu.memory_space<hbm>>
    %dma_start3A_524 = tpu.memref_squeeze %dma_start3A_523 : memref<1x100096xi32, #tpu.memory_space<hbm>> -> memref<100096xi32, #tpu.memory_space<hbm>>
    %dma_start3A_525 = tpu.memref_slice %dma_start3A_524[%mul3A_515] : memref<100096xi32, #tpu.memory_space<hbm>> -> memref<5888xi32, #tpu.memory_space<hbm>>
    tpu.enqueue_dma source(%dma_start3A_525 : memref<5888xi32, #tpu.memory_space<hbm>>) target(%dma_start3A_521 : memref<5888xi32, #tpu.memory_space<vmem>>) target_semaphore(%arg9 : memref<!tpu.dma_semaphore, #tpu.memory_space<semaphore_mem>>)
    %add3A_526 = arith.constant 16 : i32
    %add3A_527 = arith.addi %select_n3A_46, %add3A_526 : i32
    %jit3A_528 = arith.constant 17 : i32
    %eq3A_529 = arith.constant 0 : i32
    %eq3A_530 = arith.cmpi eq, %jit3A_528, %eq3A_529 : i32
    %jit3A_531 = arith.constant 1 : i32
    %select_n3A_532 = arith.select %eq3A_530, %jit3A_531, %jit3A_528 : i32
    %rem3A_533 = arith.remsi %add3A_527, %select_n3A_532 : i32
    %ne3A_534 = arith.constant 0 : i32
    %ne3A_535 = arith.cmpi ne, %rem3A_533, %ne3A_534 : i32
    %lt3A_536 = arith.constant 0 : i32
    %lt3A_537 = arith.cmpi slt, %rem3A_533, %lt3A_536 : i32
    %lt3A_538 = arith.constant 0 : i32
    %lt3A_539 = arith.cmpi slt, %select_n3A_532, %lt3A_538 : i32
    %ne3A_540 = arith.xori %lt3A_537, %lt3A_539 : i1
    %and3A_541 = arith.andi %ne3A_540, %ne3A_535 : i1
    %add3A_542 = arith.addi %rem3A_533, %select_n3A_532 : i32
    %select_n3A_543 = arith.select %and3A_541, %add3A_542, %rem3A_533 : i32
    %mul3A_544 = arith.constant 5888 : i32
    %mul3A_545 = arith.muli %select_n3A_543, %mul3A_544 : i32
    %dma_start3A_546 = tpu.memref_slice %arg5[%mul3A_545] : memref<100096xi32, #tpu.memory_space<vmem>> -> memref<5888xi32, #tpu.memory_space<vmem>>
    %dma_start3A_547 = arith.constant 0 : i32
    %dma_start3A_548 = tpu.memref_slice %arg2[%select_n3A, %dma_start3A_547] : memref<2x100096xi32, #tpu.memory_space<hbm>> -> memref<1x100096xi32, #tpu.memory_space<hbm>>
    %dma_start3A_549 = tpu.memref_squeeze %dma_start3A_548 : memref<1x100096xi32, #tpu.memory_space<hbm>> -> memref<100096xi32, #tpu.memory_space<hbm>>
    %dma_start3A_550 = tpu.memref_slice %dma_start3A_549[%mul3A_545] : memref<100096xi32, #tpu.memory_space<hbm>> -> memref<5888xi32, #tpu.memory_space<hbm>>
    %dma_start3A_551 = tpu.memref_slice %arg5[%mul3A_545] : memref<100096xi32, #tpu.memory_space<vmem>> -> memref<5888xi32, #tpu.memory_space<vmem>>
    %dma_start3A_552 = arith.constant 0 : i32
    %dma_start3A_553 = tpu.memref_slice %arg2[%select_n3A, %dma_start3A_552] : memref<2x100096xi32, #tpu.memory_space<hbm>> -> memref<1x100096xi32, #tpu.memory_space<hbm>>
    %dma_start3A_554 = tpu.memref_squeeze %dma_start3A_553 : memref<1x100096xi32, #tpu.memory_space<hbm>> -> memref<100096xi32, #tpu.memory_space<hbm>>
    %dma_start3A_555 = tpu.memref_slice %dma_start3A_554[%mul3A_545] : memref<100096xi32, #tpu.memory_space<hbm>> -> memref<5888xi32, #tpu.memory_space<hbm>>
    tpu.enqueue_dma source(%dma_start3A_555 : memref<5888xi32, #tpu.memory_space<hbm>>) target(%dma_start3A_551 : memref<5888xi32, #tpu.memory_space<vmem>>) target_semaphore(%arg9 : memref<!tpu.dma_semaphore, #tpu.memory_space<semaphore_mem>>)
    %mul3A_556 = arith.constant 256 : i32
    %mul3A_557 = arith.muli %select_n3A_30, %mul3A_556 : i32
    %dma_start3A_558 = arith.constant 0 : i32
    %dma_start3A_559 = tpu.memref_slice %arg3[%dma_start3A_558, %mul3A_557] : memref<200x4096xi32, #tpu.memory_space<hbm>> -> memref<96x128xi32, #tpu.memory_space<hbm>>
    %dma_start3A_560 = arith.constant 0 : i32
    %dma_start3A_561 = tpu.memref_slice %arg3[%dma_start3A_560, %mul3A_557] : memref<200x4096xi32, #tpu.memory_space<hbm>> -> memref<96x128xi32, #tpu.memory_space<hbm>>
    tpu.enqueue_dma source(%dma_start3A_561 : memref<96x128xi32, #tpu.memory_space<hbm>>) target(%arg6 : memref<96x128xi32, #tpu.memory_space<vmem>>) target_semaphore(%arg10 : memref<!tpu.dma_semaphore, #tpu.memory_space<semaphore_mem>>)
    %dma_start3A_562 = arith.constant 96 : i32
    %dma_start3A_563 = tpu.memref_slice %arg3[%dma_start3A_562, %mul3A_557] : memref<200x4096xi32, #tpu.memory_space<hbm>> -> memref<104x128xi32, #tpu.memory_space<hbm>>
    %dma_start3A_564 = arith.constant 96 : i32
    %dma_start3A_565 = tpu.memref_slice %arg3[%dma_start3A_564, %mul3A_557] : memref<200x4096xi32, #tpu.memory_space<hbm>> -> memref<104x128xi32, #tpu.memory_space<hbm>>
    tpu.enqueue_dma source(%dma_start3A_565 : memref<104x128xi32, #tpu.memory_space<hbm>>) target(%arg7 : memref<104x128xi32, #tpu.memory_space<vmem>>) target_semaphore(%arg11 : memref<!tpu.dma_semaphore, #tpu.memory_space<semaphore_mem>>)
    %dma_wait3A = tpu.memref_slice %arg5[%mul3A_66] : memref<100096xi32, #tpu.memory_space<vmem>> -> memref<5888xi32, #tpu.memory_space<vmem>>
    %dma_wait3A_566 = arith.constant 0 : i32
    %dma_wait3A_567 = tpu.memref_slice %arg2[%select_n3A, %dma_wait3A_566] : memref<2x100096xi32, #tpu.memory_space<hbm>> -> memref<1x100096xi32, #tpu.memory_space<hbm>>
    %dma_wait3A_568 = tpu.memref_squeeze %dma_wait3A_567 : memref<1x100096xi32, #tpu.memory_space<hbm>> -> memref<100096xi32, #tpu.memory_space<hbm>>
    %dma_wait3A_569 = tpu.memref_slice %dma_wait3A_568[%mul3A_66] : memref<100096xi32, #tpu.memory_space<hbm>> -> memref<5888xi32, #tpu.memory_space<hbm>>
    %dma_wait3A_570 = tpu.memref_slice %arg5[%mul3A_66] : memref<100096xi32, #tpu.memory_space<vmem>> -> memref<5888xi32, #tpu.memory_space<vmem>>
    %dma_wait3A_571 = arith.constant 0 : i32
    %dma_wait3A_572 = tpu.memref_slice %arg2[%select_n3A, %dma_wait3A_571] : memref<2x100096xi32, #tpu.memory_space<hbm>> -> memref<1x100096xi32, #tpu.memory_space<hbm>>
    %dma_wait3A_573 = tpu.memref_squeeze %dma_wait3A_572 : memref<1x100096xi32, #tpu.memory_space<hbm>> -> memref<100096xi32, #tpu.memory_space<hbm>>
    %dma_wait3A_574 = tpu.memref_slice %dma_wait3A_573[%mul3A_66] : memref<100096xi32, #tpu.memory_space<hbm>> -> memref<5888xi32, #tpu.memory_space<hbm>>
    tpu.wait_dma2 semaphore(%arg9 : memref<!tpu.dma_semaphore, #tpu.memory_space<semaphore_mem>>) src(%dma_wait3A_574 : memref<5888xi32, #tpu.memory_space<hbm>>) dst(%dma_wait3A_570 : memref<5888xi32, #tpu.memory_space<vmem>>)
    %dma_wait3A_575 = tpu.memref_slice %arg5[%mul3A_95] : memref<100096xi32, #tpu.memory_space<vmem>> -> memref<5888xi32, #tpu.memory_space<vmem>>
    %dma_wait3A_576 = arith.constant 0 : i32
    %dma_wait3A_577 = tpu.memref_slice %arg2[%select_n3A, %dma_wait3A_576] : memref<2x100096xi32, #tpu.memory_space<hbm>> -> memref<1x100096xi32, #tpu.memory_space<hbm>>
    %dma_wait3A_578 = tpu.memref_squeeze %dma_wait3A_577 : memref<1x100096xi32, #tpu.memory_space<hbm>> -> memref<100096xi32, #tpu.memory_space<hbm>>
    %dma_wait3A_579 = tpu.memref_slice %dma_wait3A_578[%mul3A_95] : memref<100096xi32, #tpu.memory_space<hbm>> -> memref<5888xi32, #tpu.memory_space<hbm>>
    %dma_wait3A_580 = tpu.memref_slice %arg5[%mul3A_95] : memref<100096xi32, #tpu.memory_space<vmem>> -> memref<5888xi32, #tpu.memory_space<vmem>>
    %dma_wait3A_581 = arith.constant 0 : i32
    %dma_wait3A_582 = tpu.memref_slice %arg2[%select_n3A, %dma_wait3A_581] : memref<2x100096xi32, #tpu.memory_space<hbm>> -> memref<1x100096xi32, #tpu.memory_space<hbm>>
    %dma_wait3A_583 = tpu.memref_squeeze %dma_wait3A_582 : memref<1x100096xi32, #tpu.memory_space<hbm>> -> memref<100096xi32, #tpu.memory_space<hbm>>
    %dma_wait3A_584 = tpu.memref_slice %dma_wait3A_583[%mul3A_95] : memref<100096xi32, #tpu.memory_space<hbm>> -> memref<5888xi32, #tpu.memory_space<hbm>>
    tpu.wait_dma2 semaphore(%arg9 : memref<!tpu.dma_semaphore, #tpu.memory_space<semaphore_mem>>) src(%dma_wait3A_584 : memref<5888xi32, #tpu.memory_space<hbm>>) dst(%dma_wait3A_580 : memref<5888xi32, #tpu.memory_space<vmem>>)
    %dma_wait3A_585 = tpu.memref_slice %arg5[%mul3A_125] : memref<100096xi32, #tpu.memory_space<vmem>> -> memref<5888xi32, #tpu.memory_space<vmem>>
    %dma_wait3A_586 = arith.constant 0 : i32
    %dma_wait3A_587 = tpu.memref_slice %arg2[%select_n3A, %dma_wait3A_586] : memref<2x100096xi32, #tpu.memory_space<hbm>> -> memref<1x100096xi32, #tpu.memory_space<hbm>>
    %dma_wait3A_588 = tpu.memref_squeeze %dma_wait3A_587 : memref<1x100096xi32, #tpu.memory_space<hbm>> -> memref<100096xi32, #tpu.memory_space<hbm>>
    %dma_wait3A_589 = tpu.memref_slice %dma_wait3A_588[%mul3A_125] : memref<100096xi32, #tpu.memory_space<hbm>> -> memref<5888xi32, #tpu.memory_space<hbm>>
    %dma_wait3A_590 = tpu.memref_slice %arg5[%mul3A_125] : memref<100096xi32, #tpu.memory_space<vmem>> -> memref<5888xi32, #tpu.memory_space<vmem>>
    %dma_wait3A_591 = arith.constant 0 : i32
    %dma_wait3A_592 = tpu.memref_slice %arg2[%select_n3A, %dma_wait3A_591] : memref<2x100096xi32, #tpu.memory_space<hbm>> -> memref<1x100096xi32, #tpu.memory_space<hbm>>
    %dma_wait3A_593 = tpu.memref_squeeze %dma_wait3A_592 : memref<1x100096xi32, #tpu.memory_space<hbm>> -> memref<100096xi32, #tpu.memory_space<hbm>>
    %dma_wait3A_594 = tpu.memref_slice %dma_wait3A_593[%mul3A_125] : memref<100096xi32, #tpu.memory_space<hbm>> -> memref<5888xi32, #tpu.memory_space<hbm>>
    tpu.wait_dma2 semaphore(%arg9 : memref<!tpu.dma_semaphore, #tpu.memory_space<semaphore_mem>>) src(%dma_wait3A_594 : memref<5888xi32, #tpu.memory_space<hbm>>) dst(%dma_wait3A_590 : memref<5888xi32, #tpu.memory_space<vmem>>)
    %dma_wait3A_595 = tpu.memref_slice %arg5[%mul3A_155] : memref<100096xi32, #tpu.memory_space<vmem>> -> memref<5888xi32, #tpu.memory_space<vmem>>
    %dma_wait3A_596 = arith.constant 0 : i32
    %dma_wait3A_597 = tpu.memref_slice %arg2[%select_n3A, %dma_wait3A_596] : memref<2x100096xi32, #tpu.memory_space<hbm>> -> memref<1x100096xi32, #tpu.memory_space<hbm>>
    %dma_wait3A_598 = tpu.memref_squeeze %dma_wait3A_597 : memref<1x100096xi32, #tpu.memory_space<hbm>> -> memref<100096xi32, #tpu.memory_space<hbm>>
    %dma_wait3A_599 = tpu.memref_slice %dma_wait3A_598[%mul3A_155] : memref<100096xi32, #tpu.memory_space<hbm>> -> memref<5888xi32, #tpu.memory_space<hbm>>
    %dma_wait3A_600 = tpu.memref_slice %arg5[%mul3A_155] : memref<100096xi32, #tpu.memory_space<vmem>> -> memref<5888xi32, #tpu.memory_space<vmem>>
    %dma_wait3A_601 = arith.constant 0 : i32
    %dma_wait3A_602 = tpu.memref_slice %arg2[%select_n3A, %dma_wait3A_601] : memref<2x100096xi32, #tpu.memory_space<hbm>> -> memref<1x100096xi32, #tpu.memory_space<hbm>>
    %dma_wait3A_603 = tpu.memref_squeeze %dma_wait3A_602 : memref<1x100096xi32, #tpu.memory_space<hbm>> -> memref<100096xi32, #tpu.memory_space<hbm>>
    %dma_wait3A_604 = tpu.memref_slice %dma_wait3A_603[%mul3A_155] : memref<100096xi32, #tpu.memory_space<hbm>> -> memref<5888xi32, #tpu.memory_space<hbm>>
    tpu.wait_dma2 semaphore(%arg9 : memref<!tpu.dma_semaphore, #tpu.memory_space<semaphore_mem>>) src(%dma_wait3A_604 : memref<5888xi32, #tpu.memory_space<hbm>>) dst(%dma_wait3A_600 : memref<5888xi32, #tpu.memory_space<vmem>>)
    %dma_wait3A_605 = tpu.memref_slice %arg5[%mul3A_185] : memref<100096xi32, #tpu.memory_space<vmem>> -> memref<5888xi32, #tpu.memory_space<vmem>>
    %dma_wait3A_606 = arith.constant 0 : i32
    %dma_wait3A_607 = tpu.memref_slice %arg2[%select_n3A, %dma_wait3A_606] : memref<2x100096xi32, #tpu.memory_space<hbm>> -> memref<1x100096xi32, #tpu.memory_space<hbm>>
    %dma_wait3A_608 = tpu.memref_squeeze %dma_wait3A_607 : memref<1x100096xi32, #tpu.memory_space<hbm>> -> memref<100096xi32, #tpu.memory_space<hbm>>
    %dma_wait3A_609 = tpu.memref_slice %dma_wait3A_608[%mul3A_185] : memref<100096xi32, #tpu.memory_space<hbm>> -> memref<5888xi32, #tpu.memory_space<hbm>>
    %dma_wait3A_610 = tpu.memref_slice %arg5[%mul3A_185] : memref<100096xi32, #tpu.memory_space<vmem>> -> memref<5888xi32, #tpu.memory_space<vmem>>
    %dma_wait3A_611 = arith.constant 0 : i32
    %dma_wait3A_612 = tpu.memref_slice %arg2[%select_n3A, %dma_wait3A_611] : memref<2x100096xi32, #tpu.memory_space<hbm>> -> memref<1x100096xi32, #tpu.memory_space<hbm>>
    %dma_wait3A_613 = tpu.memref_squeeze %dma_wait3A_612 : memref<1x100096xi32, #tpu.memory_space<hbm>> -> memref<100096xi32, #tpu.memory_space<hbm>>
    %dma_wait3A_614 = tpu.memref_slice %dma_wait3A_613[%mul3A_185] : memref<100096xi32, #tpu.memory_space<hbm>> -> memref<5888xi32, #tpu.memory_space<hbm>>
    tpu.wait_dma2 semaphore(%arg9 : memref<!tpu.dma_semaphore, #tpu.memory_space<semaphore_mem>>) src(%dma_wait3A_614 : memref<5888xi32, #tpu.memory_space<hbm>>) dst(%dma_wait3A_610 : memref<5888xi32, #tpu.memory_space<vmem>>)
    %dma_wait3A_615 = tpu.memref_slice %arg5[%mul3A_215] : memref<100096xi32, #tpu.memory_space<vmem>> -> memref<5888xi32, #tpu.memory_space<vmem>>
    %dma_wait3A_616 = arith.constant 0 : i32
    %dma_wait3A_617 = tpu.memref_slice %arg2[%select_n3A, %dma_wait3A_616] : memref<2x100096xi32, #tpu.memory_space<hbm>> -> memref<1x100096xi32, #tpu.memory_space<hbm>>
    %dma_wait3A_618 = tpu.memref_squeeze %dma_wait3A_617 : memref<1x100096xi32, #tpu.memory_space<hbm>> -> memref<100096xi32, #tpu.memory_space<hbm>>
    %dma_wait3A_619 = tpu.memref_slice %dma_wait3A_618[%mul3A_215] : memref<100096xi32, #tpu.memory_space<hbm>> -> memref<5888xi32, #tpu.memory_space<hbm>>
    %dma_wait3A_620 = tpu.memref_slice %arg5[%mul3A_215] : memref<100096xi32, #tpu.memory_space<vmem>> -> memref<5888xi32, #tpu.memory_space<vmem>>
    %dma_wait3A_621 = arith.constant 0 : i32
    %dma_wait3A_622 = tpu.memref_slice %arg2[%select_n3A, %dma_wait3A_621] : memref<2x100096xi32, #tpu.memory_space<hbm>> -> memref<1x100096xi32, #tpu.memory_space<hbm>>
    %dma_wait3A_623 = tpu.memref_squeeze %dma_wait3A_622 : memref<1x100096xi32, #tpu.memory_space<hbm>> -> memref<100096xi32, #tpu.memory_space<hbm>>
    %dma_wait3A_624 = tpu.memref_slice %dma_wait3A_623[%mul3A_215] : memref<100096xi32, #tpu.memory_space<hbm>> -> memref<5888xi32, #tpu.memory_space<hbm>>
    tpu.wait_dma2 semaphore(%arg9 : memref<!tpu.dma_semaphore, #tpu.memory_space<semaphore_mem>>) src(%dma_wait3A_624 : memref<5888xi32, #tpu.memory_space<hbm>>) dst(%dma_wait3A_620 : memref<5888xi32, #tpu.memory_space<vmem>>)
    %dma_wait3A_625 = tpu.memref_slice %arg5[%mul3A_245] : memref<100096xi32, #tpu.memory_space<vmem>> -> memref<5888xi32, #tpu.memory_space<vmem>>
    %dma_wait3A_626 = arith.constant 0 : i32
    %dma_wait3A_627 = tpu.memref_slice %arg2[%select_n3A, %dma_wait3A_626] : memref<2x100096xi32, #tpu.memory_space<hbm>> -> memref<1x100096xi32, #tpu.memory_space<hbm>>
    %dma_wait3A_628 = tpu.memref_squeeze %dma_wait3A_627 : memref<1x100096xi32, #tpu.memory_space<hbm>> -> memref<100096xi32, #tpu.memory_space<hbm>>
    %dma_wait3A_629 = tpu.memref_slice %dma_wait3A_628[%mul3A_245] : memref<100096xi32, #tpu.memory_space<hbm>> -> memref<5888xi32, #tpu.memory_space<hbm>>
    %dma_wait3A_630 = tpu.memref_slice %arg5[%mul3A_245] : memref<100096xi32, #tpu.memory_space<vmem>> -> memref<5888xi32, #tpu.memory_space<vmem>>
    %dma_wait3A_631 = arith.constant 0 : i32
    %dma_wait3A_632 = tpu.memref_slice %arg2[%select_n3A, %dma_wait3A_631] : memref<2x100096xi32, #tpu.memory_space<hbm>> -> memref<1x100096xi32, #tpu.memory_space<hbm>>
    %dma_wait3A_633 = tpu.memref_squeeze %dma_wait3A_632 : memref<1x100096xi32, #tpu.memory_space<hbm>> -> memref<100096xi32, #tpu.memory_space<hbm>>
    %dma_wait3A_634 = tpu.memref_slice %dma_wait3A_633[%mul3A_245] : memref<100096xi32, #tpu.memory_space<hbm>> -> memref<5888xi32, #tpu.memory_space<hbm>>
    tpu.wait_dma2 semaphore(%arg9 : memref<!tpu.dma_semaphore, #tpu.memory_space<semaphore_mem>>) src(%dma_wait3A_634 : memref<5888xi32, #tpu.memory_space<hbm>>) dst(%dma_wait3A_630 : memref<5888xi32, #tpu.memory_space<vmem>>)
    %dma_wait3A_635 = tpu.memref_slice %arg5[%mul3A_275] : memref<100096xi32, #tpu.memory_space<vmem>> -> memref<5888xi32, #tpu.memory_space<vmem>>
    %dma_wait3A_636 = arith.constant 0 : i32
    %dma_wait3A_637 = tpu.memref_slice %arg2[%select_n3A, %dma_wait3A_636] : memref<2x100096xi32, #tpu.memory_space<hbm>> -> memref<1x100096xi32, #tpu.memory_space<hbm>>
    %dma_wait3A_638 = tpu.memref_squeeze %dma_wait3A_637 : memref<1x100096xi32, #tpu.memory_space<hbm>> -> memref<100096xi32, #tpu.memory_space<hbm>>
    %dma_wait3A_639 = tpu.memref_slice %dma_wait3A_638[%mul3A_275] : memref<100096xi32, #tpu.memory_space<hbm>> -> memref<5888xi32, #tpu.memory_space<hbm>>
    %dma_wait3A_640 = tpu.memref_slice %arg5[%mul3A_275] : memref<100096xi32, #tpu.memory_space<vmem>> -> memref<5888xi32, #tpu.memory_space<vmem>>
    %dma_wait3A_641 = arith.constant 0 : i32
    %dma_wait3A_642 = tpu.memref_slice %arg2[%select_n3A, %dma_wait3A_641] : memref<2x100096xi32, #tpu.memory_space<hbm>> -> memref<1x100096xi32, #tpu.memory_space<hbm>>
    %dma_wait3A_643 = tpu.memref_squeeze %dma_wait3A_642 : memref<1x100096xi32, #tpu.memory_space<hbm>> -> memref<100096xi32, #tpu.memory_space<hbm>>
    %dma_wait3A_644 = tpu.memref_slice %dma_wait3A_643[%mul3A_275] : memref<100096xi32, #tpu.memory_space<hbm>> -> memref<5888xi32, #tpu.memory_space<hbm>>
    tpu.wait_dma2 semaphore(%arg9 : memref<!tpu.dma_semaphore, #tpu.memory_space<semaphore_mem>>) src(%dma_wait3A_644 : memref<5888xi32, #tpu.memory_space<hbm>>) dst(%dma_wait3A_640 : memref<5888xi32, #tpu.memory_space<vmem>>)
    %dma_wait3A_645 = tpu.memref_slice %arg5[%mul3A_305] : memref<100096xi32, #tpu.memory_space<vmem>> -> memref<5888xi32, #tpu.memory_space<vmem>>
    %dma_wait3A_646 = arith.constant 0 : i32
    %dma_wait3A_647 = tpu.memref_slice %arg2[%select_n3A, %dma_wait3A_646] : memref<2x100096xi32, #tpu.memory_space<hbm>> -> memref<1x100096xi32, #tpu.memory_space<hbm>>
    %dma_wait3A_648 = tpu.memref_squeeze %dma_wait3A_647 : memref<1x100096xi32, #tpu.memory_space<hbm>> -> memref<100096xi32, #tpu.memory_space<hbm>>
    %dma_wait3A_649 = tpu.memref_slice %dma_wait3A_648[%mul3A_305] : memref<100096xi32, #tpu.memory_space<hbm>> -> memref<5888xi32, #tpu.memory_space<hbm>>
    %dma_wait3A_650 = tpu.memref_slice %arg5[%mul3A_305] : memref<100096xi32, #tpu.memory_space<vmem>> -> memref<5888xi32, #tpu.memory_space<vmem>>
    %dma_wait3A_651 = arith.constant 0 : i32
    %dma_wait3A_652 = tpu.memref_slice %arg2[%select_n3A, %dma_wait3A_651] : memref<2x100096xi32, #tpu.memory_space<hbm>> -> memref<1x100096xi32, #tpu.memory_space<hbm>>
    %dma_wait3A_653 = tpu.memref_squeeze %dma_wait3A_652 : memref<1x100096xi32, #tpu.memory_space<hbm>> -> memref<100096xi32, #tpu.memory_space<hbm>>
    %dma_wait3A_654 = tpu.memref_slice %dma_wait3A_653[%mul3A_305] : memref<100096xi32, #tpu.memory_space<hbm>> -> memref<5888xi32, #tpu.memory_space<hbm>>
    tpu.wait_dma2 semaphore(%arg9 : memref<!tpu.dma_semaphore, #tpu.memory_space<semaphore_mem>>) src(%dma_wait3A_654 : memref<5888xi32, #tpu.memory_space<hbm>>) dst(%dma_wait3A_650 : memref<5888xi32, #tpu.memory_space<vmem>>)
    %dma_wait3A_655 = tpu.memref_slice %arg5[%mul3A_335] : memref<100096xi32, #tpu.memory_space<vmem>> -> memref<5888xi32, #tpu.memory_space<vmem>>
    %dma_wait3A_656 = arith.constant 0 : i32
    %dma_wait3A_657 = tpu.memref_slice %arg2[%select_n3A, %dma_wait3A_656] : memref<2x100096xi32, #tpu.memory_space<hbm>> -> memref<1x100096xi32, #tpu.memory_space<hbm>>
    %dma_wait3A_658 = tpu.memref_squeeze %dma_wait3A_657 : memref<1x100096xi32, #tpu.memory_space<hbm>> -> memref<100096xi32, #tpu.memory_space<hbm>>
    %dma_wait3A_659 = tpu.memref_slice %dma_wait3A_658[%mul3A_335] : memref<100096xi32, #tpu.memory_space<hbm>> -> memref<5888xi32, #tpu.memory_space<hbm>>
    %dma_wait3A_660 = tpu.memref_slice %arg5[%mul3A_335] : memref<100096xi32, #tpu.memory_space<vmem>> -> memref<5888xi32, #tpu.memory_space<vmem>>
    %dma_wait3A_661 = arith.constant 0 : i32
    %dma_wait3A_662 = tpu.memref_slice %arg2[%select_n3A, %dma_wait3A_661] : memref<2x100096xi32, #tpu.memory_space<hbm>> -> memref<1x100096xi32, #tpu.memory_space<hbm>>
    %dma_wait3A_663 = tpu.memref_squeeze %dma_wait3A_662 : memref<1x100096xi32, #tpu.memory_space<hbm>> -> memref<100096xi32, #tpu.memory_space<hbm>>
    %dma_wait3A_664 = tpu.memref_slice %dma_wait3A_663[%mul3A_335] : memref<100096xi32, #tpu.memory_space<hbm>> -> memref<5888xi32, #tpu.memory_space<hbm>>
    tpu.wait_dma2 semaphore(%arg9 : memref<!tpu.dma_semaphore, #tpu.memory_space<semaphore_mem>>) src(%dma_wait3A_664 : memref<5888xi32, #tpu.memory_space<hbm>>) dst(%dma_wait3A_660 : memref<5888xi32, #tpu.memory_space<vmem>>)
    %dma_wait3A_665 = tpu.memref_slice %arg5[%mul3A_365] : memref<100096xi32, #tpu.memory_space<vmem>> -> memref<5888xi32, #tpu.memory_space<vmem>>
    %dma_wait3A_666 = arith.constant 0 : i32
    %dma_wait3A_667 = tpu.memref_slice %arg2[%select_n3A, %dma_wait3A_666] : memref<2x100096xi32, #tpu.memory_space<hbm>> -> memref<1x100096xi32, #tpu.memory_space<hbm>>
    %dma_wait3A_668 = tpu.memref_squeeze %dma_wait3A_667 : memref<1x100096xi32, #tpu.memory_space<hbm>> -> memref<100096xi32, #tpu.memory_space<hbm>>
    %dma_wait3A_669 = tpu.memref_slice %dma_wait3A_668[%mul3A_365] : memref<100096xi32, #tpu.memory_space<hbm>> -> memref<5888xi32, #tpu.memory_space<hbm>>
    %dma_wait3A_670 = tpu.memref_slice %arg5[%mul3A_365] : memref<100096xi32, #tpu.memory_space<vmem>> -> memref<5888xi32, #tpu.memory_space<vmem>>
    %dma_wait3A_671 = arith.constant 0 : i32
    %dma_wait3A_672 = tpu.memref_slice %arg2[%select_n3A, %dma_wait3A_671] : memref<2x100096xi32, #tpu.memory_space<hbm>> -> memref<1x100096xi32, #tpu.memory_space<hbm>>
    %dma_wait3A_673 = tpu.memref_squeeze %dma_wait3A_672 : memref<1x100096xi32, #tpu.memory_space<hbm>> -> memref<100096xi32, #tpu.memory_space<hbm>>
    %dma_wait3A_674 = tpu.memref_slice %dma_wait3A_673[%mul3A_365] : memref<100096xi32, #tpu.memory_space<hbm>> -> memref<5888xi32, #tpu.memory_space<hbm>>
    tpu.wait_dma2 semaphore(%arg9 : memref<!tpu.dma_semaphore, #tpu.memory_space<semaphore_mem>>) src(%dma_wait3A_674 : memref<5888xi32, #tpu.memory_space<hbm>>) dst(%dma_wait3A_670 : memref<5888xi32, #tpu.memory_space<vmem>>)
    %dma_wait3A_675 = tpu.memref_slice %arg5[%mul3A_395] : memref<100096xi32, #tpu.memory_space<vmem>> -> memref<5888xi32, #tpu.memory_space<vmem>>
    %dma_wait3A_676 = arith.constant 0 : i32
    %dma_wait3A_677 = tpu.memref_slice %arg2[%select_n3A, %dma_wait3A_676] : memref<2x100096xi32, #tpu.memory_space<hbm>> -> memref<1x100096xi32, #tpu.memory_space<hbm>>
    %dma_wait3A_678 = tpu.memref_squeeze %dma_wait3A_677 : memref<1x100096xi32, #tpu.memory_space<hbm>> -> memref<100096xi32, #tpu.memory_space<hbm>>
    %dma_wait3A_679 = tpu.memref_slice %dma_wait3A_678[%mul3A_395] : memref<100096xi32, #tpu.memory_space<hbm>> -> memref<5888xi32, #tpu.memory_space<hbm>>
    %dma_wait3A_680 = tpu.memref_slice %arg5[%mul3A_395] : memref<100096xi32, #tpu.memory_space<vmem>> -> memref<5888xi32, #tpu.memory_space<vmem>>
    %dma_wait3A_681 = arith.constant 0 : i32
    %dma_wait3A_682 = tpu.memref_slice %arg2[%select_n3A, %dma_wait3A_681] : memref<2x100096xi32, #tpu.memory_space<hbm>> -> memref<1x100096xi32, #tpu.memory_space<hbm>>
    %dma_wait3A_683 = tpu.memref_squeeze %dma_wait3A_682 : memref<1x100096xi32, #tpu.memory_space<hbm>> -> memref<100096xi32, #tpu.memory_space<hbm>>
    %dma_wait3A_684 = tpu.memref_slice %dma_wait3A_683[%mul3A_395] : memref<100096xi32, #tpu.memory_space<hbm>> -> memref<5888xi32, #tpu.memory_space<hbm>>
    tpu.wait_dma2 semaphore(%arg9 : memref<!tpu.dma_semaphore, #tpu.memory_space<semaphore_mem>>) src(%dma_wait3A_684 : memref<5888xi32, #tpu.memory_space<hbm>>) dst(%dma_wait3A_680 : memref<5888xi32, #tpu.memory_space<vmem>>)
    %dma_wait3A_685 = tpu.memref_slice %arg5[%mul3A_425] : memref<100096xi32, #tpu.memory_space<vmem>> -> memref<5888xi32, #tpu.memory_space<vmem>>
    %dma_wait3A_686 = arith.constant 0 : i32
    %dma_wait3A_687 = tpu.memref_slice %arg2[%select_n3A, %dma_wait3A_686] : memref<2x100096xi32, #tpu.memory_space<hbm>> -> memref<1x100096xi32, #tpu.memory_space<hbm>>
    %dma_wait3A_688 = tpu.memref_squeeze %dma_wait3A_687 : memref<1x100096xi32, #tpu.memory_space<hbm>> -> memref<100096xi32, #tpu.memory_space<hbm>>
    %dma_wait3A_689 = tpu.memref_slice %dma_wait3A_688[%mul3A_425] : memref<100096xi32, #tpu.memory_space<hbm>> -> memref<5888xi32, #tpu.memory_space<hbm>>
    %dma_wait3A_690 = tpu.memref_slice %arg5[%mul3A_425] : memref<100096xi32, #tpu.memory_space<vmem>> -> memref<5888xi32, #tpu.memory_space<vmem>>
    %dma_wait3A_691 = arith.constant 0 : i32
    %dma_wait3A_692 = tpu.memref_slice %arg2[%select_n3A, %dma_wait3A_691] : memref<2x100096xi32, #tpu.memory_space<hbm>> -> memref<1x100096xi32, #tpu.memory_space<hbm>>
    %dma_wait3A_693 = tpu.memref_squeeze %dma_wait3A_692 : memref<1x100096xi32, #tpu.memory_space<hbm>> -> memref<100096xi32, #tpu.memory_space<hbm>>
    %dma_wait3A_694 = tpu.memref_slice %dma_wait3A_693[%mul3A_425] : memref<100096xi32, #tpu.memory_space<hbm>> -> memref<5888xi32, #tpu.memory_space<hbm>>
    tpu.wait_dma2 semaphore(%arg9 : memref<!tpu.dma_semaphore, #tpu.memory_space<semaphore_mem>>) src(%dma_wait3A_694 : memref<5888xi32, #tpu.memory_space<hbm>>) dst(%dma_wait3A_690 : memref<5888xi32, #tpu.memory_space<vmem>>)
    %dma_wait3A_695 = tpu.memref_slice %arg5[%mul3A_455] : memref<100096xi32, #tpu.memory_space<vmem>> -> memref<5888xi32, #tpu.memory_space<vmem>>
    %dma_wait3A_696 = arith.constant 0 : i32
    %dma_wait3A_697 = tpu.memref_slice %arg2[%select_n3A, %dma_wait3A_696] : memref<2x100096xi32, #tpu.memory_space<hbm>> -> memref<1x100096xi32, #tpu.memory_space<hbm>>
    %dma_wait3A_698 = tpu.memref_squeeze %dma_wait3A_697 : memref<1x100096xi32, #tpu.memory_space<hbm>> -> memref<100096xi32, #tpu.memory_space<hbm>>
    %dma_wait3A_699 = tpu.memref_slice %dma_wait3A_698[%mul3A_455] : memref<100096xi32, #tpu.memory_space<hbm>> -> memref<5888xi32, #tpu.memory_space<hbm>>
    %dma_wait3A_700 = tpu.memref_slice %arg5[%mul3A_455] : memref<100096xi32, #tpu.memory_space<vmem>> -> memref<5888xi32, #tpu.memory_space<vmem>>
    %dma_wait3A_701 = arith.constant 0 : i32
    %dma_wait3A_702 = tpu.memref_slice %arg2[%select_n3A, %dma_wait3A_701] : memref<2x100096xi32, #tpu.memory_space<hbm>> -> memref<1x100096xi32, #tpu.memory_space<hbm>>
    %dma_wait3A_703 = tpu.memref_squeeze %dma_wait3A_702 : memref<1x100096xi32, #tpu.memory_space<hbm>> -> memref<100096xi32, #tpu.memory_space<hbm>>
    %dma_wait3A_704 = tpu.memref_slice %dma_wait3A_703[%mul3A_455] : memref<100096xi32, #tpu.memory_space<hbm>> -> memref<5888xi32, #tpu.memory_space<hbm>>
    tpu.wait_dma2 semaphore(%arg9 : memref<!tpu.dma_semaphore, #tpu.memory_space<semaphore_mem>>) src(%dma_wait3A_704 : memref<5888xi32, #tpu.memory_space<hbm>>) dst(%dma_wait3A_700 : memref<5888xi32, #tpu.memory_space<vmem>>)
    %dma_wait3A_705 = tpu.memref_slice %arg5[%mul3A_485] : memref<100096xi32, #tpu.memory_space<vmem>> -> memref<5888xi32, #tpu.memory_space<vmem>>
    %dma_wait3A_706 = arith.constant 0 : i32
    %dma_wait3A_707 = tpu.memref_slice %arg2[%select_n3A, %dma_wait3A_706] : memref<2x100096xi32, #tpu.memory_space<hbm>> -> memref<1x100096xi32, #tpu.memory_space<hbm>>
    %dma_wait3A_708 = tpu.memref_squeeze %dma_wait3A_707 : memref<1x100096xi32, #tpu.memory_space<hbm>> -> memref<100096xi32, #tpu.memory_space<hbm>>
    %dma_wait3A_709 = tpu.memref_slice %dma_wait3A_708[%mul3A_485] : memref<100096xi32, #tpu.memory_space<hbm>> -> memref<5888xi32, #tpu.memory_space<hbm>>
    %dma_wait3A_710 = tpu.memref_slice %arg5[%mul3A_485] : memref<100096xi32, #tpu.memory_space<vmem>> -> memref<5888xi32, #tpu.memory_space<vmem>>
    %dma_wait3A_711 = arith.constant 0 : i32
    %dma_wait3A_712 = tpu.memref_slice %arg2[%select_n3A, %dma_wait3A_711] : memref<2x100096xi32, #tpu.memory_space<hbm>> -> memref<1x100096xi32, #tpu.memory_space<hbm>>
    %dma_wait3A_713 = tpu.memref_squeeze %dma_wait3A_712 : memref<1x100096xi32, #tpu.memory_space<hbm>> -> memref<100096xi32, #tpu.memory_space<hbm>>
    %dma_wait3A_714 = tpu.memref_slice %dma_wait3A_713[%mul3A_485] : memref<100096xi32, #tpu.memory_space<hbm>> -> memref<5888xi32, #tpu.memory_space<hbm>>
    tpu.wait_dma2 semaphore(%arg9 : memref<!tpu.dma_semaphore, #tpu.memory_space<semaphore_mem>>) src(%dma_wait3A_714 : memref<5888xi32, #tpu.memory_space<hbm>>) dst(%dma_wait3A_710 : memref<5888xi32, #tpu.memory_space<vmem>>)
    %dma_wait3A_715 = tpu.memref_slice %arg5[%mul3A_515] : memref<100096xi32, #tpu.memory_space<vmem>> -> memref<5888xi32, #tpu.memory_space<vmem>>
    %dma_wait3A_716 = arith.constant 0 : i32
    %dma_wait3A_717 = tpu.memref_slice %arg2[%select_n3A, %dma_wait3A_716] : memref<2x100096xi32, #tpu.memory_space<hbm>> -> memref<1x100096xi32, #tpu.memory_space<hbm>>
    %dma_wait3A_718 = tpu.memref_squeeze %dma_wait3A_717 : memref<1x100096xi32, #tpu.memory_space<hbm>> -> memref<100096xi32, #tpu.memory_space<hbm>>
    %dma_wait3A_719 = tpu.memref_slice %dma_wait3A_718[%mul3A_515] : memref<100096xi32, #tpu.memory_space<hbm>> -> memref<5888xi32, #tpu.memory_space<hbm>>
    %dma_wait3A_720 = tpu.memref_slice %arg5[%mul3A_515] : memref<100096xi32, #tpu.memory_space<vmem>> -> memref<5888xi32, #tpu.memory_space<vmem>>
    %dma_wait3A_721 = arith.constant 0 : i32
    %dma_wait3A_722 = tpu.memref_slice %arg2[%select_n3A, %dma_wait3A_721] : memref<2x100096xi32, #tpu.memory_space<hbm>> -> memref<1x100096xi32, #tpu.memory_space<hbm>>
    %dma_wait3A_723 = tpu.memref_squeeze %dma_wait3A_722 : memref<1x100096xi32, #tpu.memory_space<hbm>> -> memref<100096xi32, #tpu.memory_space<hbm>>
    %dma_wait3A_724 = tpu.memref_slice %dma_wait3A_723[%mul3A_515] : memref<100096xi32, #tpu.memory_space<hbm>> -> memref<5888xi32, #tpu.memory_space<hbm>>
    tpu.wait_dma2 semaphore(%arg9 : memref<!tpu.dma_semaphore, #tpu.memory_space<semaphore_mem>>) src(%dma_wait3A_724 : memref<5888xi32, #tpu.memory_space<hbm>>) dst(%dma_wait3A_720 : memref<5888xi32, #tpu.memory_space<vmem>>)
    %dma_wait3A_725 = tpu.memref_slice %arg5[%mul3A_545] : memref<100096xi32, #tpu.memory_space<vmem>> -> memref<5888xi32, #tpu.memory_space<vmem>>
    %dma_wait3A_726 = arith.constant 0 : i32
    %dma_wait3A_727 = tpu.memref_slice %arg2[%select_n3A, %dma_wait3A_726] : memref<2x100096xi32, #tpu.memory_space<hbm>> -> memref<1x100096xi32, #tpu.memory_space<hbm>>
    %dma_wait3A_728 = tpu.memref_squeeze %dma_wait3A_727 : memref<1x100096xi32, #tpu.memory_space<hbm>> -> memref<100096xi32, #tpu.memory_space<hbm>>
    %dma_wait3A_729 = tpu.memref_slice %dma_wait3A_728[%mul3A_545] : memref<100096xi32, #tpu.memory_space<hbm>> -> memref<5888xi32, #tpu.memory_space<hbm>>
    %dma_wait3A_730 = tpu.memref_slice %arg5[%mul3A_545] : memref<100096xi32, #tpu.memory_space<vmem>> -> memref<5888xi32, #tpu.memory_space<vmem>>
    %dma_wait3A_731 = arith.constant 0 : i32
    %dma_wait3A_732 = tpu.memref_slice %arg2[%select_n3A, %dma_wait3A_731] : memref<2x100096xi32, #tpu.memory_space<hbm>> -> memref<1x100096xi32, #tpu.memory_space<hbm>>
    %dma_wait3A_733 = tpu.memref_squeeze %dma_wait3A_732 : memref<1x100096xi32, #tpu.memory_space<hbm>> -> memref<100096xi32, #tpu.memory_space<hbm>>
    %dma_wait3A_734 = tpu.memref_slice %dma_wait3A_733[%mul3A_545] : memref<100096xi32, #tpu.memory_space<hbm>> -> memref<5888xi32, #tpu.memory_space<hbm>>
    tpu.wait_dma2 semaphore(%arg9 : memref<!tpu.dma_semaphore, #tpu.memory_space<semaphore_mem>>) src(%dma_wait3A_734 : memref<5888xi32, #tpu.memory_space<hbm>>) dst(%dma_wait3A_730 : memref<5888xi32, #tpu.memory_space<vmem>>)
    %dma_wait3A_735 = arith.constant 0 : i32
    %dma_wait3A_736 = tpu.memref_slice %arg3[%dma_wait3A_735, %mul3A_557] : memref<200x4096xi32, #tpu.memory_space<hbm>> -> memref<96x128xi32, #tpu.memory_space<hbm>>
    %dma_wait3A_737 = arith.constant 0 : i32
    %dma_wait3A_738 = tpu.memref_slice %arg3[%dma_wait3A_737, %mul3A_557] : memref<200x4096xi32, #tpu.memory_space<hbm>> -> memref<96x128xi32, #tpu.memory_space<hbm>>
    tpu.wait_dma2 semaphore(%arg10 : memref<!tpu.dma_semaphore, #tpu.memory_space<semaphore_mem>>) src(%dma_wait3A_738 : memref<96x128xi32, #tpu.memory_space<hbm>>) dst(%arg6 : memref<96x128xi32, #tpu.memory_space<vmem>>)
    %dma_wait3A_739 = arith.constant 96 : i32
    %dma_wait3A_740 = tpu.memref_slice %arg3[%dma_wait3A_739, %mul3A_557] : memref<200x4096xi32, #tpu.memory_space<hbm>> -> memref<104x128xi32, #tpu.memory_space<hbm>>
    %dma_wait3A_741 = arith.constant 96 : i32
    %dma_wait3A_742 = tpu.memref_slice %arg3[%dma_wait3A_741, %mul3A_557] : memref<200x4096xi32, #tpu.memory_space<hbm>> -> memref<104x128xi32, #tpu.memory_space<hbm>>
    tpu.wait_dma2 semaphore(%arg11 : memref<!tpu.dma_semaphore, #tpu.memory_space<semaphore_mem>>) src(%dma_wait3A_742 : memref<104x128xi32, #tpu.memory_space<hbm>>) dst(%arg7 : memref<104x128xi32, #tpu.memory_space<vmem>>)
    %scan3A = arith.constant 0 : i32
    %scan3A_743 = arith.constant 0 : i32
    %scan3A_744 = arith.constant 8 : i32
    %scan3A_745 = arith.addi %scan3A_743, %scan3A_744 : i32
    %scan3A_746 = arith.constant 1 : i32
    scf.for %scan3A_870 = %scan3A_743 to %scan3A_745 step %scan3A_746  : i32 {
      %broadcast_in_dim3A = arith.constant 0.000000e+00 : f32
      %broadcast_in_dim3A_871 = vector.broadcast %broadcast_in_dim3A : f32 to vector<16xf32>
      %scan3A_872 = arith.constant 0 : i32
      %scan3A_873 = arith.constant 12 : i32
      %scan3A_874 = arith.addi %scan3A_872, %scan3A_873 : i32
      %scan3A_875 = arith.constant 1 : i32
      %scan3A_876:2 = scf.for %scan3A_887 = %scan3A_872 to %scan3A_874 step %scan3A_875 iter_args(%scan3A_888 = %broadcast_in_dim3A_871, %scan3A_889 = %broadcast_in_dim3A_871) -> (vector<16xf32>, vector<16xf32>)  : i32 {
        %mul3A_890 = arith.constant 8 : i32
        %mul3A_891 = arith.muli %scan3A_887, %mul3A_890 : i32
        %add3A_892 = arith.constant 0 : i32
        %add3A_893 = arith.addi %mul3A_891, %add3A_892 : i32
        %mul3A_894 = arith.constant 16 : i32
        %mul3A_895 = arith.muli %scan3A_870, %mul3A_894 : i32
        %multiple_of3A_896 = tpu.assume_multiple %mul3A_895, 16 : i32
        %get3A = arith.index_cast %add3A_893 : i32 to index
        %get3A_897 = arith.index_cast %multiple_of3A_896 : i32 to index
        %get3A_898 = tpu.vector_load %arg6[%get3A, %get3A_897] {strides = array<i32>} : memref<96x128xi32, #tpu.memory_space<vmem>>, vector<16xi32>,
        %gather3A = tpu.vector_load_idx %arg5[%get3A_898] : memref<100096xi32, #tpu.memory_space<vmem>>[vector<16xi32>], vector<16xi32>,
        %shift_left3A = arith.constant 16 : i32
        %shift_left3A_899 = vector.broadcast %shift_left3A : i32 to vector<16xi32>
        %shift_left3A_900 = arith.shli %gather3A, %shift_left3A_899 : vector<16xi32>
        %bitcast3A = vector.bitcast %shift_left3A_900 : vector<16xi32> to vector<16xf32>
        %add3A_901 = arith.addf %scan3A_888, %bitcast3A : vector<16xf32>
        %and3A_902 = arith.constant -65536 : i32
        %and3A_903 = vector.broadcast %and3A_902 : i32 to vector<16xi32>
        %and3A_904 = arith.andi %gather3A, %and3A_903 : vector<16xi32>
        %bitcast3A_905 = vector.bitcast %and3A_904 : vector<16xi32> to vector<16xf32>
        %add3A_906 = arith.addf %scan3A_889, %bitcast3A_905 : vector<16xf32>
        %add3A_907 = arith.constant 1 : i32
        %add3A_908 = arith.addi %mul3A_891, %add3A_907 : i32
        %mul3A_909 = arith.constant 16 : i32
        %mul3A_910 = arith.muli %scan3A_870, %mul3A_909 : i32
        %multiple_of3A_911 = tpu.assume_multiple %mul3A_910, 16 : i32
        %get3A_912 = arith.index_cast %add3A_908 : i32 to index
        %get3A_913 = arith.index_cast %multiple_of3A_911 : i32 to index
        %get3A_914 = tpu.vector_load %arg6[%get3A_912, %get3A_913] {strides = array<i32>} : memref<96x128xi32, #tpu.memory_space<vmem>>, vector<16xi32>,
        %gather3A_915 = tpu.vector_load_idx %arg5[%get3A_914] : memref<100096xi32, #tpu.memory_space<vmem>>[vector<16xi32>], vector<16xi32>,
        %shift_left3A_916 = arith.constant 16 : i32
        %shift_left3A_917 = vector.broadcast %shift_left3A_916 : i32 to vector<16xi32>
        %shift_left3A_918 = arith.shli %gather3A_915, %shift_left3A_917 : vector<16xi32>
        %bitcast3A_919 = vector.bitcast %shift_left3A_918 : vector<16xi32> to vector<16xf32>
        %add3A_920 = arith.addf %add3A_901, %bitcast3A_919 : vector<16xf32>
        %and3A_921 = arith.constant -65536 : i32
        %and3A_922 = vector.broadcast %and3A_921 : i32 to vector<16xi32>
        %and3A_923 = arith.andi %gather3A_915, %and3A_922 : vector<16xi32>
        %bitcast3A_924 = vector.bitcast %and3A_923 : vector<16xi32> to vector<16xf32>
        %add3A_925 = arith.addf %add3A_906, %bitcast3A_924 : vector<16xf32>
        %add3A_926 = arith.constant 2 : i32
        %add3A_927 = arith.addi %mul3A_891, %add3A_926 : i32
        %mul3A_928 = arith.constant 16 : i32
        %mul3A_929 = arith.muli %scan3A_870, %mul3A_928 : i32
        %multiple_of3A_930 = tpu.assume_multiple %mul3A_929, 16 : i32
        %get3A_931 = arith.index_cast %add3A_927 : i32 to index
        %get3A_932 = arith.index_cast %multiple_of3A_930 : i32 to index
        %get3A_933 = tpu.vector_load %arg6[%get3A_931, %get3A_932] {strides = array<i32>} : memref<96x128xi32, #tpu.memory_space<vmem>>, vector<16xi32>,
        %gather3A_934 = tpu.vector_load_idx %arg5[%get3A_933] : memref<100096xi32, #tpu.memory_space<vmem>>[vector<16xi32>], vector<16xi32>,
        %shift_left3A_935 = arith.constant 16 : i32
        %shift_left3A_936 = vector.broadcast %shift_left3A_935 : i32 to vector<16xi32>
        %shift_left3A_937 = arith.shli %gather3A_934, %shift_left3A_936 : vector<16xi32>
        %bitcast3A_938 = vector.bitcast %shift_left3A_937 : vector<16xi32> to vector<16xf32>
        %add3A_939 = arith.addf %add3A_920, %bitcast3A_938 : vector<16xf32>
        %and3A_940 = arith.constant -65536 : i32
        %and3A_941 = vector.broadcast %and3A_940 : i32 to vector<16xi32>
        %and3A_942 = arith.andi %gather3A_934, %and3A_941 : vector<16xi32>
        %bitcast3A_943 = vector.bitcast %and3A_942 : vector<16xi32> to vector<16xf32>
        %add3A_944 = arith.addf %add3A_925, %bitcast3A_943 : vector<16xf32>
        %add3A_945 = arith.constant 3 : i32
        %add3A_946 = arith.addi %mul3A_891, %add3A_945 : i32
        %mul3A_947 = arith.constant 16 : i32
        %mul3A_948 = arith.muli %scan3A_870, %mul3A_947 : i32
        %multiple_of3A_949 = tpu.assume_multiple %mul3A_948, 16 : i32
        %get3A_950 = arith.index_cast %add3A_946 : i32 to index
        %get3A_951 = arith.index_cast %multiple_of3A_949 : i32 to index
        %get3A_952 = tpu.vector_load %arg6[%get3A_950, %get3A_951] {strides = array<i32>} : memref<96x128xi32, #tpu.memory_space<vmem>>, vector<16xi32>,
        %gather3A_953 = tpu.vector_load_idx %arg5[%get3A_952] : memref<100096xi32, #tpu.memory_space<vmem>>[vector<16xi32>], vector<16xi32>,
        %shift_left3A_954 = arith.constant 16 : i32
        %shift_left3A_955 = vector.broadcast %shift_left3A_954 : i32 to vector<16xi32>
        %shift_left3A_956 = arith.shli %gather3A_953, %shift_left3A_955 : vector<16xi32>
        %bitcast3A_957 = vector.bitcast %shift_left3A_956 : vector<16xi32> to vector<16xf32>
        %add3A_958 = arith.addf %add3A_939, %bitcast3A_957 : vector<16xf32>
        %and3A_959 = arith.constant -65536 : i32
        %and3A_960 = vector.broadcast %and3A_959 : i32 to vector<16xi32>
        %and3A_961 = arith.andi %gather3A_953, %and3A_960 : vector<16xi32>
        %bitcast3A_962 = vector.bitcast %and3A_961 : vector<16xi32> to vector<16xf32>
        %add3A_963 = arith.addf %add3A_944, %bitcast3A_962 : vector<16xf32>
        %add3A_964 = arith.constant 4 : i32
        %add3A_965 = arith.addi %mul3A_891, %add3A_964 : i32
        %mul3A_966 = arith.constant 16 : i32
        %mul3A_967 = arith.muli %scan3A_870, %mul3A_966 : i32
        %multiple_of3A_968 = tpu.assume_multiple %mul3A_967, 16 : i32
        %get3A_969 = arith.index_cast %add3A_965 : i32 to index
        %get3A_970 = arith.index_cast %multiple_of3A_968 : i32 to index
        %get3A_971 = tpu.vector_load %arg6[%get3A_969, %get3A_970] {strides = array<i32>} : memref<96x128xi32, #tpu.memory_space<vmem>>, vector<16xi32>,
        %gather3A_972 = tpu.vector_load_idx %arg5[%get3A_971] : memref<100096xi32, #tpu.memory_space<vmem>>[vector<16xi32>], vector<16xi32>,
        %shift_left3A_973 = arith.constant 16 : i32
        %shift_left3A_974 = vector.broadcast %shift_left3A_973 : i32 to vector<16xi32>
        %shift_left3A_975 = arith.shli %gather3A_972, %shift_left3A_974 : vector<16xi32>
        %bitcast3A_976 = vector.bitcast %shift_left3A_975 : vector<16xi32> to vector<16xf32>
        %add3A_977 = arith.addf %add3A_958, %bitcast3A_976 : vector<16xf32>
        %and3A_978 = arith.constant -65536 : i32
        %and3A_979 = vector.broadcast %and3A_978 : i32 to vector<16xi32>
        %and3A_980 = arith.andi %gather3A_972, %and3A_979 : vector<16xi32>
        %bitcast3A_981 = vector.bitcast %and3A_980 : vector<16xi32> to vector<16xf32>
        %add3A_982 = arith.addf %add3A_963, %bitcast3A_981 : vector<16xf32>
        %add3A_983 = arith.constant 5 : i32
        %add3A_984 = arith.addi %mul3A_891, %add3A_983 : i32
        %mul3A_985 = arith.constant 16 : i32
        %mul3A_986 = arith.muli %scan3A_870, %mul3A_985 : i32
        %multiple_of3A_987 = tpu.assume_multiple %mul3A_986, 16 : i32
        %get3A_988 = arith.index_cast %add3A_984 : i32 to index
        %get3A_989 = arith.index_cast %multiple_of3A_987 : i32 to index
        %get3A_990 = tpu.vector_load %arg6[%get3A_988, %get3A_989] {strides = array<i32>} : memref<96x128xi32, #tpu.memory_space<vmem>>, vector<16xi32>,
        %gather3A_991 = tpu.vector_load_idx %arg5[%get3A_990] : memref<100096xi32, #tpu.memory_space<vmem>>[vector<16xi32>], vector<16xi32>,
        %shift_left3A_992 = arith.constant 16 : i32
        %shift_left3A_993 = vector.broadcast %shift_left3A_992 : i32 to vector<16xi32>
        %shift_left3A_994 = arith.shli %gather3A_991, %shift_left3A_993 : vector<16xi32>
        %bitcast3A_995 = vector.bitcast %shift_left3A_994 : vector<16xi32> to vector<16xf32>
        %add3A_996 = arith.addf %add3A_977, %bitcast3A_995 : vector<16xf32>
        %and3A_997 = arith.constant -65536 : i32
        %and3A_998 = vector.broadcast %and3A_997 : i32 to vector<16xi32>
        %and3A_999 = arith.andi %gather3A_991, %and3A_998 : vector<16xi32>
        %bitcast3A_1000 = vector.bitcast %and3A_999 : vector<16xi32> to vector<16xf32>
        %add3A_1001 = arith.addf %add3A_982, %bitcast3A_1000 : vector<16xf32>
        %add3A_1002 = arith.constant 6 : i32
        %add3A_1003 = arith.addi %mul3A_891, %add3A_1002 : i32
        %mul3A_1004 = arith.constant 16 : i32
        %mul3A_1005 = arith.muli %scan3A_870, %mul3A_1004 : i32
        %multiple_of3A_1006 = tpu.assume_multiple %mul3A_1005, 16 : i32
        %get3A_1007 = arith.index_cast %add3A_1003 : i32 to index
        %get3A_1008 = arith.index_cast %multiple_of3A_1006 : i32 to index
        %get3A_1009 = tpu.vector_load %arg6[%get3A_1007, %get3A_1008] {strides = array<i32>} : memref<96x128xi32, #tpu.memory_space<vmem>>, vector<16xi32>,
        %gather3A_1010 = tpu.vector_load_idx %arg5[%get3A_1009] : memref<100096xi32, #tpu.memory_space<vmem>>[vector<16xi32>], vector<16xi32>,
        %shift_left3A_1011 = arith.constant 16 : i32
        %shift_left3A_1012 = vector.broadcast %shift_left3A_1011 : i32 to vector<16xi32>
        %shift_left3A_1013 = arith.shli %gather3A_1010, %shift_left3A_1012 : vector<16xi32>
        %bitcast3A_1014 = vector.bitcast %shift_left3A_1013 : vector<16xi32> to vector<16xf32>
        %add3A_1015 = arith.addf %add3A_996, %bitcast3A_1014 : vector<16xf32>
        %and3A_1016 = arith.constant -65536 : i32
        %and3A_1017 = vector.broadcast %and3A_1016 : i32 to vector<16xi32>
        %and3A_1018 = arith.andi %gather3A_1010, %and3A_1017 : vector<16xi32>
        %bitcast3A_1019 = vector.bitcast %and3A_1018 : vector<16xi32> to vector<16xf32>
        %add3A_1020 = arith.addf %add3A_1001, %bitcast3A_1019 : vector<16xf32>
        %add3A_1021 = arith.constant 7 : i32
        %add3A_1022 = arith.addi %mul3A_891, %add3A_1021 : i32
        %mul3A_1023 = arith.constant 16 : i32
        %mul3A_1024 = arith.muli %scan3A_870, %mul3A_1023 : i32
        %multiple_of3A_1025 = tpu.assume_multiple %mul3A_1024, 16 : i32
        %get3A_1026 = arith.index_cast %add3A_1022 : i32 to index
        %get3A_1027 = arith.index_cast %multiple_of3A_1025 : i32 to index
        %get3A_1028 = tpu.vector_load %arg6[%get3A_1026, %get3A_1027] {strides = array<i32>} : memref<96x128xi32, #tpu.memory_space<vmem>>, vector<16xi32>,
        %gather3A_1029 = tpu.vector_load_idx %arg5[%get3A_1028] : memref<100096xi32, #tpu.memory_space<vmem>>[vector<16xi32>], vector<16xi32>,
        %shift_left3A_1030 = arith.constant 16 : i32
        %shift_left3A_1031 = vector.broadcast %shift_left3A_1030 : i32 to vector<16xi32>
        %shift_left3A_1032 = arith.shli %gather3A_1029, %shift_left3A_1031 : vector<16xi32>
        %bitcast3A_1033 = vector.bitcast %shift_left3A_1032 : vector<16xi32> to vector<16xf32>
        %add3A_1034 = arith.addf %add3A_1015, %bitcast3A_1033 : vector<16xf32>
        %and3A_1035 = arith.constant -65536 : i32
        %and3A_1036 = vector.broadcast %and3A_1035 : i32 to vector<16xi32>
        %and3A_1037 = arith.andi %gather3A_1029, %and3A_1036 : vector<16xi32>
        %bitcast3A_1038 = vector.bitcast %and3A_1037 : vector<16xi32> to vector<16xf32>
        %add3A_1039 = arith.addf %add3A_1020, %bitcast3A_1038 : vector<16xf32>
        scf.yield %add3A_1034, %add3A_1039 : vector<16xf32>, vector<16xf32>
      }
      %scan3A_877 = arith.constant 12 : i32
      %mul3A_878 = arith.constant 16 : i32
      %mul3A_879 = arith.muli %scan3A_870, %mul3A_878 : i32
      %add3A_880 = arith.constant 0 : i32
      %add3A_881 = arith.addi %add3A_880, %mul3A_879 : i32
      %multiple_of3A = tpu.assume_multiple %add3A_881, 16 : i32
      %swap3A = arith.index_cast %multiple_of3A : i32 to index
      %swap3A_882 = tpu.vector_load %arg8[%swap3A] {strides = array<i32>} : memref<512xf32, #tpu.memory_space<vmem>>, vector<16xf32>,
      tpu.vector_store %arg8[%swap3A], %scan3A_876#0 {strides = array<i32>} : memref<512xf32, #tpu.memory_space<vmem>>, vector<16xf32>,
      %add3A_883 = arith.constant 256 : i32
      %add3A_884 = arith.addi %add3A_883, %multiple_of3A : i32
      %swap3A_885 = arith.index_cast %add3A_884 : i32 to index
      %swap3A_886 = tpu.vector_load %arg8[%swap3A_885] {strides = array<i32>} : memref<512xf32, #tpu.memory_space<vmem>>, vector<16xf32>,
      tpu.vector_store %arg8[%swap3A_885], %scan3A_876#1 {strides = array<i32>} : memref<512xf32, #tpu.memory_space<vmem>>, vector<16xf32>,
    }
    %scan3A_747 = arith.constant 8 : i32
    %add3A_748 = arith.constant 128 : i32
    %add3A_749 = arith.addi %mul3A_557, %add3A_748 : i32
    %dma_start3A_750 = arith.constant 0 : i32
    %dma_start3A_751 = tpu.memref_slice %arg3[%dma_start3A_750, %add3A_749] : memref<200x4096xi32, #tpu.memory_space<hbm>> -> memref<96x128xi32, #tpu.memory_space<hbm>>
    %dma_start3A_752 = arith.constant 0 : i32
    %dma_start3A_753 = tpu.memref_slice %arg3[%dma_start3A_752, %add3A_749] : memref<200x4096xi32, #tpu.memory_space<hbm>> -> memref<96x128xi32, #tpu.memory_space<hbm>>
    tpu.enqueue_dma source(%dma_start3A_753 : memref<96x128xi32, #tpu.memory_space<hbm>>) target(%arg6 : memref<96x128xi32, #tpu.memory_space<vmem>>) target_semaphore(%arg10 : memref<!tpu.dma_semaphore, #tpu.memory_space<semaphore_mem>>)
    %scan3A_754 = arith.constant 0 : i32
    %scan3A_755 = arith.constant 0 : i32
    %scan3A_756 = arith.constant 8 : i32
    %scan3A_757 = arith.addi %scan3A_755, %scan3A_756 : i32
    %scan3A_758 = arith.constant 1 : i32
    scf.for %scan3A_870 = %scan3A_755 to %scan3A_757 step %scan3A_758  : i32 {
      %mul3A_871 = arith.constant 16 : i32
      %mul3A_872 = arith.muli %scan3A_870, %mul3A_871 : i32
      %add3A_873 = arith.constant 0 : i32
      %add3A_874 = arith.addi %add3A_873, %mul3A_872 : i32
      %multiple_of3A = tpu.assume_multiple %add3A_874, 16 : i32
      %get3A = arith.index_cast %multiple_of3A : i32 to index
      %get3A_875 = tpu.vector_load %arg8[%get3A] {strides = array<i32>} : memref<512xf32, #tpu.memory_space<vmem>>, vector<16xf32>,
      %add3A_876 = arith.constant 256 : i32
      %add3A_877 = arith.addi %add3A_876, %multiple_of3A : i32
      %get3A_878 = arith.index_cast %add3A_877 : i32 to index
      %get3A_879 = tpu.vector_load %arg8[%get3A_878] {strides = array<i32>} : memref<512xf32, #tpu.memory_space<vmem>>, vector<16xf32>,
      %scan3A_880 = arith.constant 0 : i32
      %scan3A_881 = arith.constant 13 : i32
      %scan3A_882 = arith.addi %scan3A_880, %scan3A_881 : i32
      %scan3A_883 = arith.constant 1 : i32
      %scan3A_884:2 = scf.for %scan3A_891 = %scan3A_880 to %scan3A_882 step %scan3A_883 iter_args(%scan3A_892 = %get3A_875, %scan3A_893 = %get3A_879) -> (vector<16xf32>, vector<16xf32>)  : i32 {
        %mul3A_894 = arith.constant 8 : i32
        %mul3A_895 = arith.muli %scan3A_891, %mul3A_894 : i32
        %add3A_896 = arith.constant 0 : i32
        %add3A_897 = arith.addi %mul3A_895, %add3A_896 : i32
        %mul3A_898 = arith.constant 16 : i32
        %mul3A_899 = arith.muli %scan3A_870, %mul3A_898 : i32
        %multiple_of3A_900 = tpu.assume_multiple %mul3A_899, 16 : i32
        %get3A_901 = arith.index_cast %add3A_897 : i32 to index
        %get3A_902 = arith.index_cast %multiple_of3A_900 : i32 to index
        %get3A_903 = tpu.vector_load %arg7[%get3A_901, %get3A_902] {strides = array<i32>} : memref<104x128xi32, #tpu.memory_space<vmem>>, vector<16xi32>,
        %gather3A = tpu.vector_load_idx %arg5[%get3A_903] : memref<100096xi32, #tpu.memory_space<vmem>>[vector<16xi32>], vector<16xi32>,
        %shift_left3A = arith.constant 16 : i32
        %shift_left3A_904 = vector.broadcast %shift_left3A : i32 to vector<16xi32>
        %shift_left3A_905 = arith.shli %gather3A, %shift_left3A_904 : vector<16xi32>
        %bitcast3A = vector.bitcast %shift_left3A_905 : vector<16xi32> to vector<16xf32>
        %add3A_906 = arith.addf %scan3A_892, %bitcast3A : vector<16xf32>
        %and3A_907 = arith.constant -65536 : i32
        %and3A_908 = vector.broadcast %and3A_907 : i32 to vector<16xi32>
        %and3A_909 = arith.andi %gather3A, %and3A_908 : vector<16xi32>
        %bitcast3A_910 = vector.bitcast %and3A_909 : vector<16xi32> to vector<16xf32>
        %add3A_911 = arith.addf %scan3A_893, %bitcast3A_910 : vector<16xf32>
        %add3A_912 = arith.constant 1 : i32
        %add3A_913 = arith.addi %mul3A_895, %add3A_912 : i32
        %mul3A_914 = arith.constant 16 : i32
        %mul3A_915 = arith.muli %scan3A_870, %mul3A_914 : i32
        %multiple_of3A_916 = tpu.assume_multiple %mul3A_915, 16 : i32
        %get3A_917 = arith.index_cast %add3A_913 : i32 to index
        %get3A_918 = arith.index_cast %multiple_of3A_916 : i32 to index
        %get3A_919 = tpu.vector_load %arg7[%get3A_917, %get3A_918] {strides = array<i32>} : memref<104x128xi32, #tpu.memory_space<vmem>>, vector<16xi32>,
        %gather3A_920 = tpu.vector_load_idx %arg5[%get3A_919] : memref<100096xi32, #tpu.memory_space<vmem>>[vector<16xi32>], vector<16xi32>,
        %shift_left3A_921 = arith.constant 16 : i32
        %shift_left3A_922 = vector.broadcast %shift_left3A_921 : i32 to vector<16xi32>
        %shift_left3A_923 = arith.shli %gather3A_920, %shift_left3A_922 : vector<16xi32>
        %bitcast3A_924 = vector.bitcast %shift_left3A_923 : vector<16xi32> to vector<16xf32>
        %add3A_925 = arith.addf %add3A_906, %bitcast3A_924 : vector<16xf32>
        %and3A_926 = arith.constant -65536 : i32
        %and3A_927 = vector.broadcast %and3A_926 : i32 to vector<16xi32>
        %and3A_928 = arith.andi %gather3A_920, %and3A_927 : vector<16xi32>
        %bitcast3A_929 = vector.bitcast %and3A_928 : vector<16xi32> to vector<16xf32>
        %add3A_930 = arith.addf %add3A_911, %bitcast3A_929 : vector<16xf32>
        %add3A_931 = arith.constant 2 : i32
        %add3A_932 = arith.addi %mul3A_895, %add3A_931 : i32
        %mul3A_933 = arith.constant 16 : i32
        %mul3A_934 = arith.muli %scan3A_870, %mul3A_933 : i32
        %multiple_of3A_935 = tpu.assume_multiple %mul3A_934, 16 : i32
        %get3A_936 = arith.index_cast %add3A_932 : i32 to index
        %get3A_937 = arith.index_cast %multiple_of3A_935 : i32 to index
        %get3A_938 = tpu.vector_load %arg7[%get3A_936, %get3A_937] {strides = array<i32>} : memref<104x128xi32, #tpu.memory_space<vmem>>, vector<16xi32>,
        %gather3A_939 = tpu.vector_load_idx %arg5[%get3A_938] : memref<100096xi32, #tpu.memory_space<vmem>>[vector<16xi32>], vector<16xi32>,
        %shift_left3A_940 = arith.constant 16 : i32
        %shift_left3A_941 = vector.broadcast %shift_left3A_940 : i32 to vector<16xi32>
        %shift_left3A_942 = arith.shli %gather3A_939, %shift_left3A_941 : vector<16xi32>
        %bitcast3A_943 = vector.bitcast %shift_left3A_942 : vector<16xi32> to vector<16xf32>
        %add3A_944 = arith.addf %add3A_925, %bitcast3A_943 : vector<16xf32>
        %and3A_945 = arith.constant -65536 : i32
        %and3A_946 = vector.broadcast %and3A_945 : i32 to vector<16xi32>
        %and3A_947 = arith.andi %gather3A_939, %and3A_946 : vector<16xi32>
        %bitcast3A_948 = vector.bitcast %and3A_947 : vector<16xi32> to vector<16xf32>
        %add3A_949 = arith.addf %add3A_930, %bitcast3A_948 : vector<16xf32>
        %add3A_950 = arith.constant 3 : i32
        %add3A_951 = arith.addi %mul3A_895, %add3A_950 : i32
        %mul3A_952 = arith.constant 16 : i32
        %mul3A_953 = arith.muli %scan3A_870, %mul3A_952 : i32
        %multiple_of3A_954 = tpu.assume_multiple %mul3A_953, 16 : i32
        %get3A_955 = arith.index_cast %add3A_951 : i32 to index
        %get3A_956 = arith.index_cast %multiple_of3A_954 : i32 to index
        %get3A_957 = tpu.vector_load %arg7[%get3A_955, %get3A_956] {strides = array<i32>} : memref<104x128xi32, #tpu.memory_space<vmem>>, vector<16xi32>,
        %gather3A_958 = tpu.vector_load_idx %arg5[%get3A_957] : memref<100096xi32, #tpu.memory_space<vmem>>[vector<16xi32>], vector<16xi32>,
        %shift_left3A_959 = arith.constant 16 : i32
        %shift_left3A_960 = vector.broadcast %shift_left3A_959 : i32 to vector<16xi32>
        %shift_left3A_961 = arith.shli %gather3A_958, %shift_left3A_960 : vector<16xi32>
        %bitcast3A_962 = vector.bitcast %shift_left3A_961 : vector<16xi32> to vector<16xf32>
        %add3A_963 = arith.addf %add3A_944, %bitcast3A_962 : vector<16xf32>
        %and3A_964 = arith.constant -65536 : i32
        %and3A_965 = vector.broadcast %and3A_964 : i32 to vector<16xi32>
        %and3A_966 = arith.andi %gather3A_958, %and3A_965 : vector<16xi32>
        %bitcast3A_967 = vector.bitcast %and3A_966 : vector<16xi32> to vector<16xf32>
        %add3A_968 = arith.addf %add3A_949, %bitcast3A_967 : vector<16xf32>
        %add3A_969 = arith.constant 4 : i32
        %add3A_970 = arith.addi %mul3A_895, %add3A_969 : i32
        %mul3A_971 = arith.constant 16 : i32
        %mul3A_972 = arith.muli %scan3A_870, %mul3A_971 : i32
        %multiple_of3A_973 = tpu.assume_multiple %mul3A_972, 16 : i32
        %get3A_974 = arith.index_cast %add3A_970 : i32 to index
        %get3A_975 = arith.index_cast %multiple_of3A_973 : i32 to index
        %get3A_976 = tpu.vector_load %arg7[%get3A_974, %get3A_975] {strides = array<i32>} : memref<104x128xi32, #tpu.memory_space<vmem>>, vector<16xi32>,
        %gather3A_977 = tpu.vector_load_idx %arg5[%get3A_976] : memref<100096xi32, #tpu.memory_space<vmem>>[vector<16xi32>], vector<16xi32>,
        %shift_left3A_978 = arith.constant 16 : i32
        %shift_left3A_979 = vector.broadcast %shift_left3A_978 : i32 to vector<16xi32>
        %shift_left3A_980 = arith.shli %gather3A_977, %shift_left3A_979 : vector<16xi32>
        %bitcast3A_981 = vector.bitcast %shift_left3A_980 : vector<16xi32> to vector<16xf32>
        %add3A_982 = arith.addf %add3A_963, %bitcast3A_981 : vector<16xf32>
        %and3A_983 = arith.constant -65536 : i32
        %and3A_984 = vector.broadcast %and3A_983 : i32 to vector<16xi32>
        %and3A_985 = arith.andi %gather3A_977, %and3A_984 : vector<16xi32>
        %bitcast3A_986 = vector.bitcast %and3A_985 : vector<16xi32> to vector<16xf32>
        %add3A_987 = arith.addf %add3A_968, %bitcast3A_986 : vector<16xf32>
        %add3A_988 = arith.constant 5 : i32
        %add3A_989 = arith.addi %mul3A_895, %add3A_988 : i32
        %mul3A_990 = arith.constant 16 : i32
        %mul3A_991 = arith.muli %scan3A_870, %mul3A_990 : i32
        %multiple_of3A_992 = tpu.assume_multiple %mul3A_991, 16 : i32
        %get3A_993 = arith.index_cast %add3A_989 : i32 to index
        %get3A_994 = arith.index_cast %multiple_of3A_992 : i32 to index
        %get3A_995 = tpu.vector_load %arg7[%get3A_993, %get3A_994] {strides = array<i32>} : memref<104x128xi32, #tpu.memory_space<vmem>>, vector<16xi32>,
        %gather3A_996 = tpu.vector_load_idx %arg5[%get3A_995] : memref<100096xi32, #tpu.memory_space<vmem>>[vector<16xi32>], vector<16xi32>,
        %shift_left3A_997 = arith.constant 16 : i32
        %shift_left3A_998 = vector.broadcast %shift_left3A_997 : i32 to vector<16xi32>
        %shift_left3A_999 = arith.shli %gather3A_996, %shift_left3A_998 : vector<16xi32>
        %bitcast3A_1000 = vector.bitcast %shift_left3A_999 : vector<16xi32> to vector<16xf32>
        %add3A_1001 = arith.addf %add3A_982, %bitcast3A_1000 : vector<16xf32>
        %and3A_1002 = arith.constant -65536 : i32
        %and3A_1003 = vector.broadcast %and3A_1002 : i32 to vector<16xi32>
        %and3A_1004 = arith.andi %gather3A_996, %and3A_1003 : vector<16xi32>
        %bitcast3A_1005 = vector.bitcast %and3A_1004 : vector<16xi32> to vector<16xf32>
        %add3A_1006 = arith.addf %add3A_987, %bitcast3A_1005 : vector<16xf32>
        %add3A_1007 = arith.constant 6 : i32
        %add3A_1008 = arith.addi %mul3A_895, %add3A_1007 : i32
        %mul3A_1009 = arith.constant 16 : i32
        %mul3A_1010 = arith.muli %scan3A_870, %mul3A_1009 : i32
        %multiple_of3A_1011 = tpu.assume_multiple %mul3A_1010, 16 : i32
        %get3A_1012 = arith.index_cast %add3A_1008 : i32 to index
        %get3A_1013 = arith.index_cast %multiple_of3A_1011 : i32 to index
        %get3A_1014 = tpu.vector_load %arg7[%get3A_1012, %get3A_1013] {strides = array<i32>} : memref<104x128xi32, #tpu.memory_space<vmem>>, vector<16xi32>,
        %gather3A_1015 = tpu.vector_load_idx %arg5[%get3A_1014] : memref<100096xi32, #tpu.memory_space<vmem>>[vector<16xi32>], vector<16xi32>,
        %shift_left3A_1016 = arith.constant 16 : i32
        %shift_left3A_1017 = vector.broadcast %shift_left3A_1016 : i32 to vector<16xi32>
        %shift_left3A_1018 = arith.shli %gather3A_1015, %shift_left3A_1017 : vector<16xi32>
        %bitcast3A_1019 = vector.bitcast %shift_left3A_1018 : vector<16xi32> to vector<16xf32>
        %add3A_1020 = arith.addf %add3A_1001, %bitcast3A_1019 : vector<16xf32>
        %and3A_1021 = arith.constant -65536 : i32
        %and3A_1022 = vector.broadcast %and3A_1021 : i32 to vector<16xi32>
        %and3A_1023 = arith.andi %gather3A_1015, %and3A_1022 : vector<16xi32>
        %bitcast3A_1024 = vector.bitcast %and3A_1023 : vector<16xi32> to vector<16xf32>
        %add3A_1025 = arith.addf %add3A_1006, %bitcast3A_1024 : vector<16xf32>
        %add3A_1026 = arith.constant 7 : i32
        %add3A_1027 = arith.addi %mul3A_895, %add3A_1026 : i32
        %mul3A_1028 = arith.constant 16 : i32
        %mul3A_1029 = arith.muli %scan3A_870, %mul3A_1028 : i32
        %multiple_of3A_1030 = tpu.assume_multiple %mul3A_1029, 16 : i32
        %get3A_1031 = arith.index_cast %add3A_1027 : i32 to index
        %get3A_1032 = arith.index_cast %multiple_of3A_1030 : i32 to index
        %get3A_1033 = tpu.vector_load %arg7[%get3A_1031, %get3A_1032] {strides = array<i32>} : memref<104x128xi32, #tpu.memory_space<vmem>>, vector<16xi32>,
        %gather3A_1034 = tpu.vector_load_idx %arg5[%get3A_1033] : memref<100096xi32, #tpu.memory_space<vmem>>[vector<16xi32>], vector<16xi32>,
        %shift_left3A_1035 = arith.constant 16 : i32
        %shift_left3A_1036 = vector.broadcast %shift_left3A_1035 : i32 to vector<16xi32>
        %shift_left3A_1037 = arith.shli %gather3A_1034, %shift_left3A_1036 : vector<16xi32>
        %bitcast3A_1038 = vector.bitcast %shift_left3A_1037 : vector<16xi32> to vector<16xf32>
        %add3A_1039 = arith.addf %add3A_1020, %bitcast3A_1038 : vector<16xf32>
        %and3A_1040 = arith.constant -65536 : i32
        %and3A_1041 = vector.broadcast %and3A_1040 : i32 to vector<16xi32>
        %and3A_1042 = arith.andi %gather3A_1034, %and3A_1041 : vector<16xi32>
        %bitcast3A_1043 = vector.bitcast %and3A_1042 : vector<16xi32> to vector<16xf32>
        %add3A_1044 = arith.addf %add3A_1025, %bitcast3A_1043 : vector<16xf32>
        scf.yield %add3A_1039, %add3A_1044 : vector<16xf32>, vector<16xf32>
      }
      %scan3A_885 = arith.constant 13 : i32
      %swap3A = arith.index_cast %multiple_of3A : i32 to index
      %swap3A_886 = tpu.vector_load %arg8[%swap3A] {strides = array<i32>} : memref<512xf32, #tpu.memory_space<vmem>>, vector<16xf32>,
      tpu.vector_store %arg8[%swap3A], %scan3A_884#0 {strides = array<i32>} : memref<512xf32, #tpu.memory_space<vmem>>, vector<16xf32>,
      %add3A_887 = arith.constant 256 : i32
      %add3A_888 = arith.addi %add3A_887, %multiple_of3A : i32
      %swap3A_889 = arith.index_cast %add3A_888 : i32 to index
      %swap3A_890 = tpu.vector_load %arg8[%swap3A_889] {strides = array<i32>} : memref<512xf32, #tpu.memory_space<vmem>>, vector<16xf32>,
      tpu.vector_store %arg8[%swap3A_889], %scan3A_884#1 {strides = array<i32>} : memref<512xf32, #tpu.memory_space<vmem>>, vector<16xf32>,
    }
    %scan3A_759 = arith.constant 8 : i32
    %add3A_760 = arith.constant 128 : i32
    %add3A_761 = arith.addi %mul3A_557, %add3A_760 : i32
    %dma_start3A_762 = arith.constant 96 : i32
    %dma_start3A_763 = tpu.memref_slice %arg3[%dma_start3A_762, %add3A_761] : memref<200x4096xi32, #tpu.memory_space<hbm>> -> memref<104x128xi32, #tpu.memory_space<hbm>>
    %dma_start3A_764 = arith.constant 96 : i32
    %dma_start3A_765 = tpu.memref_slice %arg3[%dma_start3A_764, %add3A_761] : memref<200x4096xi32, #tpu.memory_space<hbm>> -> memref<104x128xi32, #tpu.memory_space<hbm>>
    tpu.enqueue_dma source(%dma_start3A_765 : memref<104x128xi32, #tpu.memory_space<hbm>>) target(%arg7 : memref<104x128xi32, #tpu.memory_space<vmem>>) target_semaphore(%arg11 : memref<!tpu.dma_semaphore, #tpu.memory_space<semaphore_mem>>)
    %mul3A_766 = arith.constant 2 : i32
    %mul3A_767 = arith.muli %mul3A_766, %select_n3A : i32
    %add3A_768 = arith.constant 0 : i32
    %add3A_769 = arith.addi %mul3A_557, %add3A_768 : i32
    %dma_start3A_770 = arith.constant 0 : i32
    %dma_start3A_771 = tpu.memref_slice %arg8[%dma_start3A_770] : memref<512xf32, #tpu.memory_space<vmem>> -> memref<128xf32, #tpu.memory_space<vmem>>
    %dma_start3A_772 = tpu.memref_slice %arg4[%mul3A_767, %add3A_769] : memref<4x4096xf32, #tpu.memory_space<hbm>> -> memref<1x128xf32, #tpu.memory_space<hbm>>
    %dma_start3A_773 = tpu.memref_squeeze %dma_start3A_772 : memref<1x128xf32, #tpu.memory_space<hbm>> -> memref<128xf32, #tpu.memory_space<hbm>>
    %dma_start3A_774 = tpu.memref_slice %arg4[%mul3A_767, %add3A_769] : memref<4x4096xf32, #tpu.memory_space<hbm>> -> memref<1x128xf32, #tpu.memory_space<hbm>>
    %dma_start3A_775 = tpu.memref_squeeze %dma_start3A_774 : memref<1x128xf32, #tpu.memory_space<hbm>> -> memref<128xf32, #tpu.memory_space<hbm>>
    %dma_start3A_776 = arith.constant 0 : i32
    %dma_start3A_777 = tpu.memref_slice %arg8[%dma_start3A_776] : memref<512xf32, #tpu.memory_space<vmem>> -> memref<128xf32, #tpu.memory_space<vmem>>
    tpu.enqueue_dma source(%dma_start3A_777 : memref<128xf32, #tpu.memory_space<vmem>>) target(%dma_start3A_775 : memref<128xf32, #tpu.memory_space<hbm>>) target_semaphore(%arg12 : memref<!tpu.dma_semaphore, #tpu.memory_space<semaphore_mem>>)
    %mul3A_778 = arith.constant 2 : i32
    %mul3A_779 = arith.muli %mul3A_778, %select_n3A : i32
    %add3A_780 = arith.constant 1 : i32
    %add3A_781 = arith.addi %mul3A_779, %add3A_780 : i32
    %add3A_782 = arith.constant 0 : i32
    %add3A_783 = arith.addi %mul3A_557, %add3A_782 : i32
    %dma_start3A_784 = arith.constant 256 : i32
    %dma_start3A_785 = tpu.memref_slice %arg8[%dma_start3A_784] : memref<512xf32, #tpu.memory_space<vmem>> -> memref<128xf32, #tpu.memory_space<vmem>>
    %dma_start3A_786 = tpu.memref_slice %arg4[%add3A_781, %add3A_783] : memref<4x4096xf32, #tpu.memory_space<hbm>> -> memref<1x128xf32, #tpu.memory_space<hbm>>
    %dma_start3A_787 = tpu.memref_squeeze %dma_start3A_786 : memref<1x128xf32, #tpu.memory_space<hbm>> -> memref<128xf32, #tpu.memory_space<hbm>>
    %dma_start3A_788 = tpu.memref_slice %arg4[%add3A_781, %add3A_783] : memref<4x4096xf32, #tpu.memory_space<hbm>> -> memref<1x128xf32, #tpu.memory_space<hbm>>
    %dma_start3A_789 = tpu.memref_squeeze %dma_start3A_788 : memref<1x128xf32, #tpu.memory_space<hbm>> -> memref<128xf32, #tpu.memory_space<hbm>>
    %dma_start3A_790 = arith.constant 256 : i32
    %dma_start3A_791 = tpu.memref_slice %arg8[%dma_start3A_790] : memref<512xf32, #tpu.memory_space<vmem>> -> memref<128xf32, #tpu.memory_space<vmem>>
    tpu.enqueue_dma source(%dma_start3A_791 : memref<128xf32, #tpu.memory_space<vmem>>) target(%dma_start3A_789 : memref<128xf32, #tpu.memory_space<hbm>>) target_semaphore(%arg12 : memref<!tpu.dma_semaphore, #tpu.memory_space<semaphore_mem>>)
    %dma_wait3A_792 = arith.constant 0 : i32
    %dma_wait3A_793 = tpu.memref_slice %arg3[%dma_wait3A_792, %add3A_749] : memref<200x4096xi32, #tpu.memory_space<hbm>> -> memref<96x128xi32, #tpu.memory_space<hbm>>
    %dma_wait3A_794 = arith.constant 0 : i32
    %dma_wait3A_795 = tpu.memref_slice %arg3[%dma_wait3A_794, %add3A_749] : memref<200x4096xi32, #tpu.memory_space<hbm>> -> memref<96x128xi32, #tpu.memory_space<hbm>>
    tpu.wait_dma2 semaphore(%arg10 : memref<!tpu.dma_semaphore, #tpu.memory_space<semaphore_mem>>) src(%dma_wait3A_795 : memref<96x128xi32, #tpu.memory_space<hbm>>) dst(%arg6 : memref<96x128xi32, #tpu.memory_space<vmem>>)
    %dma_wait3A_796 = arith.constant 96 : i32
    %dma_wait3A_797 = tpu.memref_slice %arg3[%dma_wait3A_796, %add3A_761] : memref<200x4096xi32, #tpu.memory_space<hbm>> -> memref<104x128xi32, #tpu.memory_space<hbm>>
    %dma_wait3A_798 = arith.constant 96 : i32
    %dma_wait3A_799 = tpu.memref_slice %arg3[%dma_wait3A_798, %add3A_761] : memref<200x4096xi32, #tpu.memory_space<hbm>> -> memref<104x128xi32, #tpu.memory_space<hbm>>
    tpu.wait_dma2 semaphore(%arg11 : memref<!tpu.dma_semaphore, #tpu.memory_space<semaphore_mem>>) src(%dma_wait3A_799 : memref<104x128xi32, #tpu.memory_space<hbm>>) dst(%arg7 : memref<104x128xi32, #tpu.memory_space<vmem>>)
    %scan3A_800 = arith.constant 0 : i32
    %scan3A_801 = arith.constant 0 : i32
    %scan3A_802 = arith.constant 8 : i32
    %scan3A_803 = arith.addi %scan3A_801, %scan3A_802 : i32
    %scan3A_804 = arith.constant 1 : i32
    scf.for %scan3A_870 = %scan3A_801 to %scan3A_803 step %scan3A_804  : i32 {
      %broadcast_in_dim3A = arith.constant 0.000000e+00 : f32
      %broadcast_in_dim3A_871 = vector.broadcast %broadcast_in_dim3A : f32 to vector<16xf32>
      %scan3A_872 = arith.constant 0 : i32
      %scan3A_873 = arith.constant 12 : i32
      %scan3A_874 = arith.addi %scan3A_872, %scan3A_873 : i32
      %scan3A_875 = arith.constant 1 : i32
      %scan3A_876:2 = scf.for %scan3A_887 = %scan3A_872 to %scan3A_874 step %scan3A_875 iter_args(%scan3A_888 = %broadcast_in_dim3A_871, %scan3A_889 = %broadcast_in_dim3A_871) -> (vector<16xf32>, vector<16xf32>)  : i32 {
        %mul3A_890 = arith.constant 8 : i32
        %mul3A_891 = arith.muli %scan3A_887, %mul3A_890 : i32
        %add3A_892 = arith.constant 0 : i32
        %add3A_893 = arith.addi %mul3A_891, %add3A_892 : i32
        %mul3A_894 = arith.constant 16 : i32
        %mul3A_895 = arith.muli %scan3A_870, %mul3A_894 : i32
        %multiple_of3A_896 = tpu.assume_multiple %mul3A_895, 16 : i32
        %get3A = arith.index_cast %add3A_893 : i32 to index
        %get3A_897 = arith.index_cast %multiple_of3A_896 : i32 to index
        %get3A_898 = tpu.vector_load %arg6[%get3A, %get3A_897] {strides = array<i32>} : memref<96x128xi32, #tpu.memory_space<vmem>>, vector<16xi32>,
        %gather3A = tpu.vector_load_idx %arg5[%get3A_898] : memref<100096xi32, #tpu.memory_space<vmem>>[vector<16xi32>], vector<16xi32>,
        %shift_left3A = arith.constant 16 : i32
        %shift_left3A_899 = vector.broadcast %shift_left3A : i32 to vector<16xi32>
        %shift_left3A_900 = arith.shli %gather3A, %shift_left3A_899 : vector<16xi32>
        %bitcast3A = vector.bitcast %shift_left3A_900 : vector<16xi32> to vector<16xf32>
        %add3A_901 = arith.addf %scan3A_888, %bitcast3A : vector<16xf32>
        %and3A_902 = arith.constant -65536 : i32
        %and3A_903 = vector.broadcast %and3A_902 : i32 to vector<16xi32>
        %and3A_904 = arith.andi %gather3A, %and3A_903 : vector<16xi32>
        %bitcast3A_905 = vector.bitcast %and3A_904 : vector<16xi32> to vector<16xf32>
        %add3A_906 = arith.addf %scan3A_889, %bitcast3A_905 : vector<16xf32>
        %add3A_907 = arith.constant 1 : i32
        %add3A_908 = arith.addi %mul3A_891, %add3A_907 : i32
        %mul3A_909 = arith.constant 16 : i32
        %mul3A_910 = arith.muli %scan3A_870, %mul3A_909 : i32
        %multiple_of3A_911 = tpu.assume_multiple %mul3A_910, 16 : i32
        %get3A_912 = arith.index_cast %add3A_908 : i32 to index
        %get3A_913 = arith.index_cast %multiple_of3A_911 : i32 to index
        %get3A_914 = tpu.vector_load %arg6[%get3A_912, %get3A_913] {strides = array<i32>} : memref<96x128xi32, #tpu.memory_space<vmem>>, vector<16xi32>,
        %gather3A_915 = tpu.vector_load_idx %arg5[%get3A_914] : memref<100096xi32, #tpu.memory_space<vmem>>[vector<16xi32>], vector<16xi32>,
        %shift_left3A_916 = arith.constant 16 : i32
        %shift_left3A_917 = vector.broadcast %shift_left3A_916 : i32 to vector<16xi32>
        %shift_left3A_918 = arith.shli %gather3A_915, %shift_left3A_917 : vector<16xi32>
        %bitcast3A_919 = vector.bitcast %shift_left3A_918 : vector<16xi32> to vector<16xf32>
        %add3A_920 = arith.addf %add3A_901, %bitcast3A_919 : vector<16xf32>
        %and3A_921 = arith.constant -65536 : i32
        %and3A_922 = vector.broadcast %and3A_921 : i32 to vector<16xi32>
        %and3A_923 = arith.andi %gather3A_915, %and3A_922 : vector<16xi32>
        %bitcast3A_924 = vector.bitcast %and3A_923 : vector<16xi32> to vector<16xf32>
        %add3A_925 = arith.addf %add3A_906, %bitcast3A_924 : vector<16xf32>
        %add3A_926 = arith.constant 2 : i32
        %add3A_927 = arith.addi %mul3A_891, %add3A_926 : i32
        %mul3A_928 = arith.constant 16 : i32
        %mul3A_929 = arith.muli %scan3A_870, %mul3A_928 : i32
        %multiple_of3A_930 = tpu.assume_multiple %mul3A_929, 16 : i32
        %get3A_931 = arith.index_cast %add3A_927 : i32 to index
        %get3A_932 = arith.index_cast %multiple_of3A_930 : i32 to index
        %get3A_933 = tpu.vector_load %arg6[%get3A_931, %get3A_932] {strides = array<i32>} : memref<96x128xi32, #tpu.memory_space<vmem>>, vector<16xi32>,
        %gather3A_934 = tpu.vector_load_idx %arg5[%get3A_933] : memref<100096xi32, #tpu.memory_space<vmem>>[vector<16xi32>], vector<16xi32>,
        %shift_left3A_935 = arith.constant 16 : i32
        %shift_left3A_936 = vector.broadcast %shift_left3A_935 : i32 to vector<16xi32>
        %shift_left3A_937 = arith.shli %gather3A_934, %shift_left3A_936 : vector<16xi32>
        %bitcast3A_938 = vector.bitcast %shift_left3A_937 : vector<16xi32> to vector<16xf32>
        %add3A_939 = arith.addf %add3A_920, %bitcast3A_938 : vector<16xf32>
        %and3A_940 = arith.constant -65536 : i32
        %and3A_941 = vector.broadcast %and3A_940 : i32 to vector<16xi32>
        %and3A_942 = arith.andi %gather3A_934, %and3A_941 : vector<16xi32>
        %bitcast3A_943 = vector.bitcast %and3A_942 : vector<16xi32> to vector<16xf32>
        %add3A_944 = arith.addf %add3A_925, %bitcast3A_943 : vector<16xf32>
        %add3A_945 = arith.constant 3 : i32
        %add3A_946 = arith.addi %mul3A_891, %add3A_945 : i32
        %mul3A_947 = arith.constant 16 : i32
        %mul3A_948 = arith.muli %scan3A_870, %mul3A_947 : i32
        %multiple_of3A_949 = tpu.assume_multiple %mul3A_948, 16 : i32
        %get3A_950 = arith.index_cast %add3A_946 : i32 to index
        %get3A_951 = arith.index_cast %multiple_of3A_949 : i32 to index
        %get3A_952 = tpu.vector_load %arg6[%get3A_950, %get3A_951] {strides = array<i32>} : memref<96x128xi32, #tpu.memory_space<vmem>>, vector<16xi32>,
        %gather3A_953 = tpu.vector_load_idx %arg5[%get3A_952] : memref<100096xi32, #tpu.memory_space<vmem>>[vector<16xi32>], vector<16xi32>,
        %shift_left3A_954 = arith.constant 16 : i32
        %shift_left3A_955 = vector.broadcast %shift_left3A_954 : i32 to vector<16xi32>
        %shift_left3A_956 = arith.shli %gather3A_953, %shift_left3A_955 : vector<16xi32>
        %bitcast3A_957 = vector.bitcast %shift_left3A_956 : vector<16xi32> to vector<16xf32>
        %add3A_958 = arith.addf %add3A_939, %bitcast3A_957 : vector<16xf32>
        %and3A_959 = arith.constant -65536 : i32
        %and3A_960 = vector.broadcast %and3A_959 : i32 to vector<16xi32>
        %and3A_961 = arith.andi %gather3A_953, %and3A_960 : vector<16xi32>
        %bitcast3A_962 = vector.bitcast %and3A_961 : vector<16xi32> to vector<16xf32>
        %add3A_963 = arith.addf %add3A_944, %bitcast3A_962 : vector<16xf32>
        %add3A_964 = arith.constant 4 : i32
        %add3A_965 = arith.addi %mul3A_891, %add3A_964 : i32
        %mul3A_966 = arith.constant 16 : i32
        %mul3A_967 = arith.muli %scan3A_870, %mul3A_966 : i32
        %multiple_of3A_968 = tpu.assume_multiple %mul3A_967, 16 : i32
        %get3A_969 = arith.index_cast %add3A_965 : i32 to index
        %get3A_970 = arith.index_cast %multiple_of3A_968 : i32 to index
        %get3A_971 = tpu.vector_load %arg6[%get3A_969, %get3A_970] {strides = array<i32>} : memref<96x128xi32, #tpu.memory_space<vmem>>, vector<16xi32>,
        %gather3A_972 = tpu.vector_load_idx %arg5[%get3A_971] : memref<100096xi32, #tpu.memory_space<vmem>>[vector<16xi32>], vector<16xi32>,
        %shift_left3A_973 = arith.constant 16 : i32
        %shift_left3A_974 = vector.broadcast %shift_left3A_973 : i32 to vector<16xi32>
        %shift_left3A_975 = arith.shli %gather3A_972, %shift_left3A_974 : vector<16xi32>
        %bitcast3A_976 = vector.bitcast %shift_left3A_975 : vector<16xi32> to vector<16xf32>
        %add3A_977 = arith.addf %add3A_958, %bitcast3A_976 : vector<16xf32>
        %and3A_978 = arith.constant -65536 : i32
        %and3A_979 = vector.broadcast %and3A_978 : i32 to vector<16xi32>
        %and3A_980 = arith.andi %gather3A_972, %and3A_979 : vector<16xi32>
        %bitcast3A_981 = vector.bitcast %and3A_980 : vector<16xi32> to vector<16xf32>
        %add3A_982 = arith.addf %add3A_963, %bitcast3A_981 : vector<16xf32>
        %add3A_983 = arith.constant 5 : i32
        %add3A_984 = arith.addi %mul3A_891, %add3A_983 : i32
        %mul3A_985 = arith.constant 16 : i32
        %mul3A_986 = arith.muli %scan3A_870, %mul3A_985 : i32
        %multiple_of3A_987 = tpu.assume_multiple %mul3A_986, 16 : i32
        %get3A_988 = arith.index_cast %add3A_984 : i32 to index
        %get3A_989 = arith.index_cast %multiple_of3A_987 : i32 to index
        %get3A_990 = tpu.vector_load %arg6[%get3A_988, %get3A_989] {strides = array<i32>} : memref<96x128xi32, #tpu.memory_space<vmem>>, vector<16xi32>,
        %gather3A_991 = tpu.vector_load_idx %arg5[%get3A_990] : memref<100096xi32, #tpu.memory_space<vmem>>[vector<16xi32>], vector<16xi32>,
        %shift_left3A_992 = arith.constant 16 : i32
        %shift_left3A_993 = vector.broadcast %shift_left3A_992 : i32 to vector<16xi32>
        %shift_left3A_994 = arith.shli %gather3A_991, %shift_left3A_993 : vector<16xi32>
        %bitcast3A_995 = vector.bitcast %shift_left3A_994 : vector<16xi32> to vector<16xf32>
        %add3A_996 = arith.addf %add3A_977, %bitcast3A_995 : vector<16xf32>
        %and3A_997 = arith.constant -65536 : i32
        %and3A_998 = vector.broadcast %and3A_997 : i32 to vector<16xi32>
        %and3A_999 = arith.andi %gather3A_991, %and3A_998 : vector<16xi32>
        %bitcast3A_1000 = vector.bitcast %and3A_999 : vector<16xi32> to vector<16xf32>
        %add3A_1001 = arith.addf %add3A_982, %bitcast3A_1000 : vector<16xf32>
        %add3A_1002 = arith.constant 6 : i32
        %add3A_1003 = arith.addi %mul3A_891, %add3A_1002 : i32
        %mul3A_1004 = arith.constant 16 : i32
        %mul3A_1005 = arith.muli %scan3A_870, %mul3A_1004 : i32
        %multiple_of3A_1006 = tpu.assume_multiple %mul3A_1005, 16 : i32
        %get3A_1007 = arith.index_cast %add3A_1003 : i32 to index
        %get3A_1008 = arith.index_cast %multiple_of3A_1006 : i32 to index
        %get3A_1009 = tpu.vector_load %arg6[%get3A_1007, %get3A_1008] {strides = array<i32>} : memref<96x128xi32, #tpu.memory_space<vmem>>, vector<16xi32>,
        %gather3A_1010 = tpu.vector_load_idx %arg5[%get3A_1009] : memref<100096xi32, #tpu.memory_space<vmem>>[vector<16xi32>], vector<16xi32>,
        %shift_left3A_1011 = arith.constant 16 : i32
        %shift_left3A_1012 = vector.broadcast %shift_left3A_1011 : i32 to vector<16xi32>
        %shift_left3A_1013 = arith.shli %gather3A_1010, %shift_left3A_1012 : vector<16xi32>
        %bitcast3A_1014 = vector.bitcast %shift_left3A_1013 : vector<16xi32> to vector<16xf32>
        %add3A_1015 = arith.addf %add3A_996, %bitcast3A_1014 : vector<16xf32>
        %and3A_1016 = arith.constant -65536 : i32
        %and3A_1017 = vector.broadcast %and3A_1016 : i32 to vector<16xi32>
        %and3A_1018 = arith.andi %gather3A_1010, %and3A_1017 : vector<16xi32>
        %bitcast3A_1019 = vector.bitcast %and3A_1018 : vector<16xi32> to vector<16xf32>
        %add3A_1020 = arith.addf %add3A_1001, %bitcast3A_1019 : vector<16xf32>
        %add3A_1021 = arith.constant 7 : i32
        %add3A_1022 = arith.addi %mul3A_891, %add3A_1021 : i32
        %mul3A_1023 = arith.constant 16 : i32
        %mul3A_1024 = arith.muli %scan3A_870, %mul3A_1023 : i32
        %multiple_of3A_1025 = tpu.assume_multiple %mul3A_1024, 16 : i32
        %get3A_1026 = arith.index_cast %add3A_1022 : i32 to index
        %get3A_1027 = arith.index_cast %multiple_of3A_1025 : i32 to index
        %get3A_1028 = tpu.vector_load %arg6[%get3A_1026, %get3A_1027] {strides = array<i32>} : memref<96x128xi32, #tpu.memory_space<vmem>>, vector<16xi32>,
        %gather3A_1029 = tpu.vector_load_idx %arg5[%get3A_1028] : memref<100096xi32, #tpu.memory_space<vmem>>[vector<16xi32>], vector<16xi32>,
        %shift_left3A_1030 = arith.constant 16 : i32
        %shift_left3A_1031 = vector.broadcast %shift_left3A_1030 : i32 to vector<16xi32>
        %shift_left3A_1032 = arith.shli %gather3A_1029, %shift_left3A_1031 : vector<16xi32>
        %bitcast3A_1033 = vector.bitcast %shift_left3A_1032 : vector<16xi32> to vector<16xf32>
        %add3A_1034 = arith.addf %add3A_1015, %bitcast3A_1033 : vector<16xf32>
        %and3A_1035 = arith.constant -65536 : i32
        %and3A_1036 = vector.broadcast %and3A_1035 : i32 to vector<16xi32>
        %and3A_1037 = arith.andi %gather3A_1029, %and3A_1036 : vector<16xi32>
        %bitcast3A_1038 = vector.bitcast %and3A_1037 : vector<16xi32> to vector<16xf32>
        %add3A_1039 = arith.addf %add3A_1020, %bitcast3A_1038 : vector<16xf32>
        scf.yield %add3A_1034, %add3A_1039 : vector<16xf32>, vector<16xf32>
      }
      %scan3A_877 = arith.constant 12 : i32
      %mul3A_878 = arith.constant 16 : i32
      %mul3A_879 = arith.muli %scan3A_870, %mul3A_878 : i32
      %add3A_880 = arith.constant 128 : i32
      %add3A_881 = arith.addi %add3A_880, %mul3A_879 : i32
      %multiple_of3A = tpu.assume_multiple %add3A_881, 16 : i32
      %swap3A = arith.index_cast %multiple_of3A : i32 to index
      %swap3A_882 = tpu.vector_load %arg8[%swap3A] {strides = array<i32>} : memref<512xf32, #tpu.memory_space<vmem>>, vector<16xf32>,
      tpu.vector_store %arg8[%swap3A], %scan3A_876#0 {strides = array<i32>} : memref<512xf32, #tpu.memory_space<vmem>>, vector<16xf32>,
      %add3A_883 = arith.constant 256 : i32
      %add3A_884 = arith.addi %add3A_883, %multiple_of3A : i32
      %swap3A_885 = arith.index_cast %add3A_884 : i32 to index
      %swap3A_886 = tpu.vector_load %arg8[%swap3A_885] {strides = array<i32>} : memref<512xf32, #tpu.memory_space<vmem>>, vector<16xf32>,
      tpu.vector_store %arg8[%swap3A_885], %scan3A_876#1 {strides = array<i32>} : memref<512xf32, #tpu.memory_space<vmem>>, vector<16xf32>,
    }
    %scan3A_805 = arith.constant 8 : i32
    %scan3A_806 = arith.constant 0 : i32
    %scan3A_807 = arith.constant 0 : i32
    %scan3A_808 = arith.constant 8 : i32
    %scan3A_809 = arith.addi %scan3A_807, %scan3A_808 : i32
    %scan3A_810 = arith.constant 1 : i32
    scf.for %scan3A_870 = %scan3A_807 to %scan3A_809 step %scan3A_810  : i32 {
      %mul3A_871 = arith.constant 16 : i32
      %mul3A_872 = arith.muli %scan3A_870, %mul3A_871 : i32
      %add3A_873 = arith.constant 128 : i32
      %add3A_874 = arith.addi %add3A_873, %mul3A_872 : i32
      %multiple_of3A = tpu.assume_multiple %add3A_874, 16 : i32
      %get3A = arith.index_cast %multiple_of3A : i32 to index
      %get3A_875 = tpu.vector_load %arg8[%get3A] {strides = array<i32>} : memref<512xf32, #tpu.memory_space<vmem>>, vector<16xf32>,
      %add3A_876 = arith.constant 256 : i32
      %add3A_877 = arith.addi %add3A_876, %multiple_of3A : i32
      %get3A_878 = arith.index_cast %add3A_877 : i32 to index
      %get3A_879 = tpu.vector_load %arg8[%get3A_878] {strides = array<i32>} : memref<512xf32, #tpu.memory_space<vmem>>, vector<16xf32>,
      %scan3A_880 = arith.constant 0 : i32
      %scan3A_881 = arith.constant 13 : i32
      %scan3A_882 = arith.addi %scan3A_880, %scan3A_881 : i32
      %scan3A_883 = arith.constant 1 : i32
      %scan3A_884:2 = scf.for %scan3A_891 = %scan3A_880 to %scan3A_882 step %scan3A_883 iter_args(%scan3A_892 = %get3A_875, %scan3A_893 = %get3A_879) -> (vector<16xf32>, vector<16xf32>)  : i32 {
        %mul3A_894 = arith.constant 8 : i32
        %mul3A_895 = arith.muli %scan3A_891, %mul3A_894 : i32
        %add3A_896 = arith.constant 0 : i32
        %add3A_897 = arith.addi %mul3A_895, %add3A_896 : i32
        %mul3A_898 = arith.constant 16 : i32
        %mul3A_899 = arith.muli %scan3A_870, %mul3A_898 : i32
        %multiple_of3A_900 = tpu.assume_multiple %mul3A_899, 16 : i32
        %get3A_901 = arith.index_cast %add3A_897 : i32 to index
        %get3A_902 = arith.index_cast %multiple_of3A_900 : i32 to index
        %get3A_903 = tpu.vector_load %arg7[%get3A_901, %get3A_902] {strides = array<i32>} : memref<104x128xi32, #tpu.memory_space<vmem>>, vector<16xi32>,
        %gather3A = tpu.vector_load_idx %arg5[%get3A_903] : memref<100096xi32, #tpu.memory_space<vmem>>[vector<16xi32>], vector<16xi32>,
        %shift_left3A = arith.constant 16 : i32
        %shift_left3A_904 = vector.broadcast %shift_left3A : i32 to vector<16xi32>
        %shift_left3A_905 = arith.shli %gather3A, %shift_left3A_904 : vector<16xi32>
        %bitcast3A = vector.bitcast %shift_left3A_905 : vector<16xi32> to vector<16xf32>
        %add3A_906 = arith.addf %scan3A_892, %bitcast3A : vector<16xf32>
        %and3A_907 = arith.constant -65536 : i32
        %and3A_908 = vector.broadcast %and3A_907 : i32 to vector<16xi32>
        %and3A_909 = arith.andi %gather3A, %and3A_908 : vector<16xi32>
        %bitcast3A_910 = vector.bitcast %and3A_909 : vector<16xi32> to vector<16xf32>
        %add3A_911 = arith.addf %scan3A_893, %bitcast3A_910 : vector<16xf32>
        %add3A_912 = arith.constant 1 : i32
        %add3A_913 = arith.addi %mul3A_895, %add3A_912 : i32
        %mul3A_914 = arith.constant 16 : i32
        %mul3A_915 = arith.muli %scan3A_870, %mul3A_914 : i32
        %multiple_of3A_916 = tpu.assume_multiple %mul3A_915, 16 : i32
        %get3A_917 = arith.index_cast %add3A_913 : i32 to index
        %get3A_918 = arith.index_cast %multiple_of3A_916 : i32 to index
        %get3A_919 = tpu.vector_load %arg7[%get3A_917, %get3A_918] {strides = array<i32>} : memref<104x128xi32, #tpu.memory_space<vmem>>, vector<16xi32>,
        %gather3A_920 = tpu.vector_load_idx %arg5[%get3A_919] : memref<100096xi32, #tpu.memory_space<vmem>>[vector<16xi32>], vector<16xi32>,
        %shift_left3A_921 = arith.constant 16 : i32
        %shift_left3A_922 = vector.broadcast %shift_left3A_921 : i32 to vector<16xi32>
        %shift_left3A_923 = arith.shli %gather3A_920, %shift_left3A_922 : vector<16xi32>
        %bitcast3A_924 = vector.bitcast %shift_left3A_923 : vector<16xi32> to vector<16xf32>
        %add3A_925 = arith.addf %add3A_906, %bitcast3A_924 : vector<16xf32>
        %and3A_926 = arith.constant -65536 : i32
        %and3A_927 = vector.broadcast %and3A_926 : i32 to vector<16xi32>
        %and3A_928 = arith.andi %gather3A_920, %and3A_927 : vector<16xi32>
        %bitcast3A_929 = vector.bitcast %and3A_928 : vector<16xi32> to vector<16xf32>
        %add3A_930 = arith.addf %add3A_911, %bitcast3A_929 : vector<16xf32>
        %add3A_931 = arith.constant 2 : i32
        %add3A_932 = arith.addi %mul3A_895, %add3A_931 : i32
        %mul3A_933 = arith.constant 16 : i32
        %mul3A_934 = arith.muli %scan3A_870, %mul3A_933 : i32
        %multiple_of3A_935 = tpu.assume_multiple %mul3A_934, 16 : i32
        %get3A_936 = arith.index_cast %add3A_932 : i32 to index
        %get3A_937 = arith.index_cast %multiple_of3A_935 : i32 to index
        %get3A_938 = tpu.vector_load %arg7[%get3A_936, %get3A_937] {strides = array<i32>} : memref<104x128xi32, #tpu.memory_space<vmem>>, vector<16xi32>,
        %gather3A_939 = tpu.vector_load_idx %arg5[%get3A_938] : memref<100096xi32, #tpu.memory_space<vmem>>[vector<16xi32>], vector<16xi32>,
        %shift_left3A_940 = arith.constant 16 : i32
        %shift_left3A_941 = vector.broadcast %shift_left3A_940 : i32 to vector<16xi32>
        %shift_left3A_942 = arith.shli %gather3A_939, %shift_left3A_941 : vector<16xi32>
        %bitcast3A_943 = vector.bitcast %shift_left3A_942 : vector<16xi32> to vector<16xf32>
        %add3A_944 = arith.addf %add3A_925, %bitcast3A_943 : vector<16xf32>
        %and3A_945 = arith.constant -65536 : i32
        %and3A_946 = vector.broadcast %and3A_945 : i32 to vector<16xi32>
        %and3A_947 = arith.andi %gather3A_939, %and3A_946 : vector<16xi32>
        %bitcast3A_948 = vector.bitcast %and3A_947 : vector<16xi32> to vector<16xf32>
        %add3A_949 = arith.addf %add3A_930, %bitcast3A_948 : vector<16xf32>
        %add3A_950 = arith.constant 3 : i32
        %add3A_951 = arith.addi %mul3A_895, %add3A_950 : i32
        %mul3A_952 = arith.constant 16 : i32
        %mul3A_953 = arith.muli %scan3A_870, %mul3A_952 : i32
        %multiple_of3A_954 = tpu.assume_multiple %mul3A_953, 16 : i32
        %get3A_955 = arith.index_cast %add3A_951 : i32 to index
        %get3A_956 = arith.index_cast %multiple_of3A_954 : i32 to index
        %get3A_957 = tpu.vector_load %arg7[%get3A_955, %get3A_956] {strides = array<i32>} : memref<104x128xi32, #tpu.memory_space<vmem>>, vector<16xi32>,
        %gather3A_958 = tpu.vector_load_idx %arg5[%get3A_957] : memref<100096xi32, #tpu.memory_space<vmem>>[vector<16xi32>], vector<16xi32>,
        %shift_left3A_959 = arith.constant 16 : i32
        %shift_left3A_960 = vector.broadcast %shift_left3A_959 : i32 to vector<16xi32>
        %shift_left3A_961 = arith.shli %gather3A_958, %shift_left3A_960 : vector<16xi32>
        %bitcast3A_962 = vector.bitcast %shift_left3A_961 : vector<16xi32> to vector<16xf32>
        %add3A_963 = arith.addf %add3A_944, %bitcast3A_962 : vector<16xf32>
        %and3A_964 = arith.constant -65536 : i32
        %and3A_965 = vector.broadcast %and3A_964 : i32 to vector<16xi32>
        %and3A_966 = arith.andi %gather3A_958, %and3A_965 : vector<16xi32>
        %bitcast3A_967 = vector.bitcast %and3A_966 : vector<16xi32> to vector<16xf32>
        %add3A_968 = arith.addf %add3A_949, %bitcast3A_967 : vector<16xf32>
        %add3A_969 = arith.constant 4 : i32
        %add3A_970 = arith.addi %mul3A_895, %add3A_969 : i32
        %mul3A_971 = arith.constant 16 : i32
        %mul3A_972 = arith.muli %scan3A_870, %mul3A_971 : i32
        %multiple_of3A_973 = tpu.assume_multiple %mul3A_972, 16 : i32
        %get3A_974 = arith.index_cast %add3A_970 : i32 to index
        %get3A_975 = arith.index_cast %multiple_of3A_973 : i32 to index
        %get3A_976 = tpu.vector_load %arg7[%get3A_974, %get3A_975] {strides = array<i32>} : memref<104x128xi32, #tpu.memory_space<vmem>>, vector<16xi32>,
        %gather3A_977 = tpu.vector_load_idx %arg5[%get3A_976] : memref<100096xi32, #tpu.memory_space<vmem>>[vector<16xi32>], vector<16xi32>,
        %shift_left3A_978 = arith.constant 16 : i32
        %shift_left3A_979 = vector.broadcast %shift_left3A_978 : i32 to vector<16xi32>
        %shift_left3A_980 = arith.shli %gather3A_977, %shift_left3A_979 : vector<16xi32>
        %bitcast3A_981 = vector.bitcast %shift_left3A_980 : vector<16xi32> to vector<16xf32>
        %add3A_982 = arith.addf %add3A_963, %bitcast3A_981 : vector<16xf32>
        %and3A_983 = arith.constant -65536 : i32
        %and3A_984 = vector.broadcast %and3A_983 : i32 to vector<16xi32>
        %and3A_985 = arith.andi %gather3A_977, %and3A_984 : vector<16xi32>
        %bitcast3A_986 = vector.bitcast %and3A_985 : vector<16xi32> to vector<16xf32>
        %add3A_987 = arith.addf %add3A_968, %bitcast3A_986 : vector<16xf32>
        %add3A_988 = arith.constant 5 : i32
        %add3A_989 = arith.addi %mul3A_895, %add3A_988 : i32
        %mul3A_990 = arith.constant 16 : i32
        %mul3A_991 = arith.muli %scan3A_870, %mul3A_990 : i32
        %multiple_of3A_992 = tpu.assume_multiple %mul3A_991, 16 : i32
        %get3A_993 = arith.index_cast %add3A_989 : i32 to index
        %get3A_994 = arith.index_cast %multiple_of3A_992 : i32 to index
        %get3A_995 = tpu.vector_load %arg7[%get3A_993, %get3A_994] {strides = array<i32>} : memref<104x128xi32, #tpu.memory_space<vmem>>, vector<16xi32>,
        %gather3A_996 = tpu.vector_load_idx %arg5[%get3A_995] : memref<100096xi32, #tpu.memory_space<vmem>>[vector<16xi32>], vector<16xi32>,
        %shift_left3A_997 = arith.constant 16 : i32
        %shift_left3A_998 = vector.broadcast %shift_left3A_997 : i32 to vector<16xi32>
        %shift_left3A_999 = arith.shli %gather3A_996, %shift_left3A_998 : vector<16xi32>
        %bitcast3A_1000 = vector.bitcast %shift_left3A_999 : vector<16xi32> to vector<16xf32>
        %add3A_1001 = arith.addf %add3A_982, %bitcast3A_1000 : vector<16xf32>
        %and3A_1002 = arith.constant -65536 : i32
        %and3A_1003 = vector.broadcast %and3A_1002 : i32 to vector<16xi32>
        %and3A_1004 = arith.andi %gather3A_996, %and3A_1003 : vector<16xi32>
        %bitcast3A_1005 = vector.bitcast %and3A_1004 : vector<16xi32> to vector<16xf32>
        %add3A_1006 = arith.addf %add3A_987, %bitcast3A_1005 : vector<16xf32>
        %add3A_1007 = arith.constant 6 : i32
        %add3A_1008 = arith.addi %mul3A_895, %add3A_1007 : i32
        %mul3A_1009 = arith.constant 16 : i32
        %mul3A_1010 = arith.muli %scan3A_870, %mul3A_1009 : i32
        %multiple_of3A_1011 = tpu.assume_multiple %mul3A_1010, 16 : i32
        %get3A_1012 = arith.index_cast %add3A_1008 : i32 to index
        %get3A_1013 = arith.index_cast %multiple_of3A_1011 : i32 to index
        %get3A_1014 = tpu.vector_load %arg7[%get3A_1012, %get3A_1013] {strides = array<i32>} : memref<104x128xi32, #tpu.memory_space<vmem>>, vector<16xi32>,
        %gather3A_1015 = tpu.vector_load_idx %arg5[%get3A_1014] : memref<100096xi32, #tpu.memory_space<vmem>>[vector<16xi32>], vector<16xi32>,
        %shift_left3A_1016 = arith.constant 16 : i32
        %shift_left3A_1017 = vector.broadcast %shift_left3A_1016 : i32 to vector<16xi32>
        %shift_left3A_1018 = arith.shli %gather3A_1015, %shift_left3A_1017 : vector<16xi32>
        %bitcast3A_1019 = vector.bitcast %shift_left3A_1018 : vector<16xi32> to vector<16xf32>
        %add3A_1020 = arith.addf %add3A_1001, %bitcast3A_1019 : vector<16xf32>
        %and3A_1021 = arith.constant -65536 : i32
        %and3A_1022 = vector.broadcast %and3A_1021 : i32 to vector<16xi32>
        %and3A_1023 = arith.andi %gather3A_1015, %and3A_1022 : vector<16xi32>
        %bitcast3A_1024 = vector.bitcast %and3A_1023 : vector<16xi32> to vector<16xf32>
        %add3A_1025 = arith.addf %add3A_1006, %bitcast3A_1024 : vector<16xf32>
        %add3A_1026 = arith.constant 7 : i32
        %add3A_1027 = arith.addi %mul3A_895, %add3A_1026 : i32
        %mul3A_1028 = arith.constant 16 : i32
        %mul3A_1029 = arith.muli %scan3A_870, %mul3A_1028 : i32
        %multiple_of3A_1030 = tpu.assume_multiple %mul3A_1029, 16 : i32
        %get3A_1031 = arith.index_cast %add3A_1027 : i32 to index
        %get3A_1032 = arith.index_cast %multiple_of3A_1030 : i32 to index
        %get3A_1033 = tpu.vector_load %arg7[%get3A_1031, %get3A_1032] {strides = array<i32>} : memref<104x128xi32, #tpu.memory_space<vmem>>, vector<16xi32>,
        %gather3A_1034 = tpu.vector_load_idx %arg5[%get3A_1033] : memref<100096xi32, #tpu.memory_space<vmem>>[vector<16xi32>], vector<16xi32>,
        %shift_left3A_1035 = arith.constant 16 : i32
        %shift_left3A_1036 = vector.broadcast %shift_left3A_1035 : i32 to vector<16xi32>
        %shift_left3A_1037 = arith.shli %gather3A_1034, %shift_left3A_1036 : vector<16xi32>
        %bitcast3A_1038 = vector.bitcast %shift_left3A_1037 : vector<16xi32> to vector<16xf32>
        %add3A_1039 = arith.addf %add3A_1020, %bitcast3A_1038 : vector<16xf32>
        %and3A_1040 = arith.constant -65536 : i32
        %and3A_1041 = vector.broadcast %and3A_1040 : i32 to vector<16xi32>
        %and3A_1042 = arith.andi %gather3A_1034, %and3A_1041 : vector<16xi32>
        %bitcast3A_1043 = vector.bitcast %and3A_1042 : vector<16xi32> to vector<16xf32>
        %add3A_1044 = arith.addf %add3A_1025, %bitcast3A_1043 : vector<16xf32>
        scf.yield %add3A_1039, %add3A_1044 : vector<16xf32>, vector<16xf32>
      }
      %scan3A_885 = arith.constant 13 : i32
      %swap3A = arith.index_cast %multiple_of3A : i32 to index
      %swap3A_886 = tpu.vector_load %arg8[%swap3A] {strides = array<i32>} : memref<512xf32, #tpu.memory_space<vmem>>, vector<16xf32>,
      tpu.vector_store %arg8[%swap3A], %scan3A_884#0 {strides = array<i32>} : memref<512xf32, #tpu.memory_space<vmem>>, vector<16xf32>,
      %add3A_887 = arith.constant 256 : i32
      %add3A_888 = arith.addi %add3A_887, %multiple_of3A : i32
      %swap3A_889 = arith.index_cast %add3A_888 : i32 to index
      %swap3A_890 = tpu.vector_load %arg8[%swap3A_889] {strides = array<i32>} : memref<512xf32, #tpu.memory_space<vmem>>, vector<16xf32>,
      tpu.vector_store %arg8[%swap3A_889], %scan3A_884#1 {strides = array<i32>} : memref<512xf32, #tpu.memory_space<vmem>>, vector<16xf32>,
    }
    %scan3A_811 = arith.constant 8 : i32
    %mul3A_812 = arith.constant 2 : i32
    %mul3A_813 = arith.muli %mul3A_812, %select_n3A : i32
    %add3A_814 = arith.constant 128 : i32
    %add3A_815 = arith.addi %mul3A_557, %add3A_814 : i32
    %dma_start3A_816 = arith.constant 128 : i32
    %dma_start3A_817 = tpu.memref_slice %arg8[%dma_start3A_816] : memref<512xf32, #tpu.memory_space<vmem>> -> memref<128xf32, #tpu.memory_space<vmem>>
    %dma_start3A_818 = tpu.memref_slice %arg4[%mul3A_813, %add3A_815] : memref<4x4096xf32, #tpu.memory_space<hbm>> -> memref<1x128xf32, #tpu.memory_space<hbm>>
    %dma_start3A_819 = tpu.memref_squeeze %dma_start3A_818 : memref<1x128xf32, #tpu.memory_space<hbm>> -> memref<128xf32, #tpu.memory_space<hbm>>
    %dma_start3A_820 = tpu.memref_slice %arg4[%mul3A_813, %add3A_815] : memref<4x4096xf32, #tpu.memory_space<hbm>> -> memref<1x128xf32, #tpu.memory_space<hbm>>
    %dma_start3A_821 = tpu.memref_squeeze %dma_start3A_820 : memref<1x128xf32, #tpu.memory_space<hbm>> -> memref<128xf32, #tpu.memory_space<hbm>>
    %dma_start3A_822 = arith.constant 128 : i32
    %dma_start3A_823 = tpu.memref_slice %arg8[%dma_start3A_822] : memref<512xf32, #tpu.memory_space<vmem>> -> memref<128xf32, #tpu.memory_space<vmem>>
    tpu.enqueue_dma source(%dma_start3A_823 : memref<128xf32, #tpu.memory_space<vmem>>) target(%dma_start3A_821 : memref<128xf32, #tpu.memory_space<hbm>>) target_semaphore(%arg12 : memref<!tpu.dma_semaphore, #tpu.memory_space<semaphore_mem>>)
    %mul3A_824 = arith.constant 2 : i32
    %mul3A_825 = arith.muli %mul3A_824, %select_n3A : i32
    %add3A_826 = arith.constant 1 : i32
    %add3A_827 = arith.addi %mul3A_825, %add3A_826 : i32
    %add3A_828 = arith.constant 128 : i32
    %add3A_829 = arith.addi %mul3A_557, %add3A_828 : i32
    %dma_start3A_830 = arith.constant 384 : i32
    %dma_start3A_831 = tpu.memref_slice %arg8[%dma_start3A_830] : memref<512xf32, #tpu.memory_space<vmem>> -> memref<128xf32, #tpu.memory_space<vmem>>
    %dma_start3A_832 = tpu.memref_slice %arg4[%add3A_827, %add3A_829] : memref<4x4096xf32, #tpu.memory_space<hbm>> -> memref<1x128xf32, #tpu.memory_space<hbm>>
    %dma_start3A_833 = tpu.memref_squeeze %dma_start3A_832 : memref<1x128xf32, #tpu.memory_space<hbm>> -> memref<128xf32, #tpu.memory_space<hbm>>
    %dma_start3A_834 = tpu.memref_slice %arg4[%add3A_827, %add3A_829] : memref<4x4096xf32, #tpu.memory_space<hbm>> -> memref<1x128xf32, #tpu.memory_space<hbm>>
    %dma_start3A_835 = tpu.memref_squeeze %dma_start3A_834 : memref<1x128xf32, #tpu.memory_space<hbm>> -> memref<128xf32, #tpu.memory_space<hbm>>
    %dma_start3A_836 = arith.constant 384 : i32
    %dma_start3A_837 = tpu.memref_slice %arg8[%dma_start3A_836] : memref<512xf32, #tpu.memory_space<vmem>> -> memref<128xf32, #tpu.memory_space<vmem>>
    tpu.enqueue_dma source(%dma_start3A_837 : memref<128xf32, #tpu.memory_space<vmem>>) target(%dma_start3A_835 : memref<128xf32, #tpu.memory_space<hbm>>) target_semaphore(%arg12 : memref<!tpu.dma_semaphore, #tpu.memory_space<semaphore_mem>>)
    %dma_wait3A_838 = arith.constant 0 : i32
    %dma_wait3A_839 = tpu.memref_slice %arg8[%dma_wait3A_838] : memref<512xf32, #tpu.memory_space<vmem>> -> memref<128xf32, #tpu.memory_space<vmem>>
    %dma_wait3A_840 = tpu.memref_slice %arg4[%mul3A_767, %add3A_769] : memref<4x4096xf32, #tpu.memory_space<hbm>> -> memref<1x128xf32, #tpu.memory_space<hbm>>
    %dma_wait3A_841 = tpu.memref_squeeze %dma_wait3A_840 : memref<1x128xf32, #tpu.memory_space<hbm>> -> memref<128xf32, #tpu.memory_space<hbm>>
    %dma_wait3A_842 = tpu.memref_slice %arg4[%mul3A_767, %add3A_769] : memref<4x4096xf32, #tpu.memory_space<hbm>> -> memref<1x128xf32, #tpu.memory_space<hbm>>
    %dma_wait3A_843 = tpu.memref_squeeze %dma_wait3A_842 : memref<1x128xf32, #tpu.memory_space<hbm>> -> memref<128xf32, #tpu.memory_space<hbm>>
    %dma_wait3A_844 = arith.constant 0 : i32
    %dma_wait3A_845 = tpu.memref_slice %arg8[%dma_wait3A_844] : memref<512xf32, #tpu.memory_space<vmem>> -> memref<128xf32, #tpu.memory_space<vmem>>
    tpu.wait_dma2 semaphore(%arg12 : memref<!tpu.dma_semaphore, #tpu.memory_space<semaphore_mem>>) src(%dma_wait3A_845 : memref<128xf32, #tpu.memory_space<vmem>>) dst(%dma_wait3A_843 : memref<128xf32, #tpu.memory_space<hbm>>)
    %dma_wait3A_846 = arith.constant 256 : i32
    %dma_wait3A_847 = tpu.memref_slice %arg8[%dma_wait3A_846] : memref<512xf32, #tpu.memory_space<vmem>> -> memref<128xf32, #tpu.memory_space<vmem>>
    %dma_wait3A_848 = tpu.memref_slice %arg4[%add3A_781, %add3A_783] : memref<4x4096xf32, #tpu.memory_space<hbm>> -> memref<1x128xf32, #tpu.memory_space<hbm>>
    %dma_wait3A_849 = tpu.memref_squeeze %dma_wait3A_848 : memref<1x128xf32, #tpu.memory_space<hbm>> -> memref<128xf32, #tpu.memory_space<hbm>>
    %dma_wait3A_850 = tpu.memref_slice %arg4[%add3A_781, %add3A_783] : memref<4x4096xf32, #tpu.memory_space<hbm>> -> memref<1x128xf32, #tpu.memory_space<hbm>>
    %dma_wait3A_851 = tpu.memref_squeeze %dma_wait3A_850 : memref<1x128xf32, #tpu.memory_space<hbm>> -> memref<128xf32, #tpu.memory_space<hbm>>
    %dma_wait3A_852 = arith.constant 256 : i32
    %dma_wait3A_853 = tpu.memref_slice %arg8[%dma_wait3A_852] : memref<512xf32, #tpu.memory_space<vmem>> -> memref<128xf32, #tpu.memory_space<vmem>>
    tpu.wait_dma2 semaphore(%arg12 : memref<!tpu.dma_semaphore, #tpu.memory_space<semaphore_mem>>) src(%dma_wait3A_853 : memref<128xf32, #tpu.memory_space<vmem>>) dst(%dma_wait3A_851 : memref<128xf32, #tpu.memory_space<hbm>>)
    %dma_wait3A_854 = arith.constant 128 : i32
    %dma_wait3A_855 = tpu.memref_slice %arg8[%dma_wait3A_854] : memref<512xf32, #tpu.memory_space<vmem>> -> memref<128xf32, #tpu.memory_space<vmem>>
    %dma_wait3A_856 = tpu.memref_slice %arg4[%mul3A_813, %add3A_815] : memref<4x4096xf32, #tpu.memory_space<hbm>> -> memref<1x128xf32, #tpu.memory_space<hbm>>
    %dma_wait3A_857 = tpu.memref_squeeze %dma_wait3A_856 : memref<1x128xf32, #tpu.memory_space<hbm>> -> memref<128xf32, #tpu.memory_space<hbm>>
    %dma_wait3A_858 = tpu.memref_slice %arg4[%mul3A_813, %add3A_815] : memref<4x4096xf32, #tpu.memory_space<hbm>> -> memref<1x128xf32, #tpu.memory_space<hbm>>
    %dma_wait3A_859 = tpu.memref_squeeze %dma_wait3A_858 : memref<1x128xf32, #tpu.memory_space<hbm>> -> memref<128xf32, #tpu.memory_space<hbm>>
    %dma_wait3A_860 = arith.constant 128 : i32
    %dma_wait3A_861 = tpu.memref_slice %arg8[%dma_wait3A_860] : memref<512xf32, #tpu.memory_space<vmem>> -> memref<128xf32, #tpu.memory_space<vmem>>
    tpu.wait_dma2 semaphore(%arg12 : memref<!tpu.dma_semaphore, #tpu.memory_space<semaphore_mem>>) src(%dma_wait3A_861 : memref<128xf32, #tpu.memory_space<vmem>>) dst(%dma_wait3A_859 : memref<128xf32, #tpu.memory_space<hbm>>)
    %dma_wait3A_862 = arith.constant 384 : i32
    %dma_wait3A_863 = tpu.memref_slice %arg8[%dma_wait3A_862] : memref<512xf32, #tpu.memory_space<vmem>> -> memref<128xf32, #tpu.memory_space<vmem>>
    %dma_wait3A_864 = tpu.memref_slice %arg4[%add3A_827, %add3A_829] : memref<4x4096xf32, #tpu.memory_space<hbm>> -> memref<1x128xf32, #tpu.memory_space<hbm>>
    %dma_wait3A_865 = tpu.memref_squeeze %dma_wait3A_864 : memref<1x128xf32, #tpu.memory_space<hbm>> -> memref<128xf32, #tpu.memory_space<hbm>>
    %dma_wait3A_866 = tpu.memref_slice %arg4[%add3A_827, %add3A_829] : memref<4x4096xf32, #tpu.memory_space<hbm>> -> memref<1x128xf32, #tpu.memory_space<hbm>>
    %dma_wait3A_867 = tpu.memref_squeeze %dma_wait3A_866 : memref<1x128xf32, #tpu.memory_space<hbm>> -> memref<128xf32, #tpu.memory_space<hbm>>
    %dma_wait3A_868 = arith.constant 384 : i32
    %dma_wait3A_869 = tpu.memref_slice %arg8[%dma_wait3A_868] : memref<512xf32, #tpu.memory_space<vmem>> -> memref<128xf32, #tpu.memory_space<vmem>>
    tpu.wait_dma2 semaphore(%arg12 : memref<!tpu.dma_semaphore, #tpu.memory_space<semaphore_mem>>) src(%dma_wait3A_869 : memref<128xf32, #tpu.memory_space<vmem>>) dst(%dma_wait3A_867 : memref<128xf32, #tpu.memory_space<hbm>>)
    return
  }
}

module attributes {stable_mosaic.version = 14 : i64} {
  func.func @_fold_body(%arg0: i32, %arg1: memref<64x25088xf32, #tpu.memory_space<vmem>>, %arg2: memref<4x64xf32, #tpu.memory_space<vmem>>, %arg3: memref<4xf32, #tpu.memory_space<smem>>, %arg4: memref<2x25088xi32, #tpu.memory_space<vmem>>) attributes {dimension_semantics = [#tpu.dimension_semantics<arbitrary>], iteration_bounds = array<i64: 4>, scalar_prefetch = 0 : i64, scratch_operands = 0 : i64, tpu.core_type = #tpu.core_type<tc>, window_params = [{transform_indices = @transform_0, window_bounds = array<i64: 64, 25088>}, {pipeline_mode = #tpu.pipeline_mode<synchronous>, transform_indices = @transform_1, window_bounds = array<i64: 4, 64>}, {transform_indices = @transform_2, window_bounds = array<i64: 4>}, {transform_indices = @transform_3, window_bounds = array<i64: 2, 25088>}]} {
    %get3A = arith.constant 0 : index
    %get3A_0 = arith.constant 0 : index
    %get3A_1 = vector.load %arg2[%get3A, %get3A_0] : memref<4x64xf32, #tpu.memory_space<vmem>>, vector<4x64xf32>
    %get3A_2 = arith.constant 0 : index
    %get3A_3 = arith.constant 0 : index
    %get3A_4 = vector.load %arg1[%get3A_2, %get3A_3] : memref<64x25088xf32, #tpu.memory_space<vmem>>, vector<64x25088xf32>
    %dot_general3A = arith.constant dense<0.000000e+00> : vector<4x25088xf32>
    %dot_general3A_5 = tpu.matmul %get3A_1, %get3A_4, %dot_general3A {dimension_numbers = #tpu.dot_dimension_numbers<[1], [0], [0], [1], [0, 0, 1, 1], [], []>, transpose_lhs_hint = false} : vector<4x64xf32>, vector<64x25088xf32>, vector<4x25088xf32> -> vector<4x25088xf32>
    %slice3A = vector.extract_strided_slice %dot_general3A_5 {offsets = [0, 0], sizes = [1, 25088], strides = [1, 1]} : vector<4x25088xf32> to vector<1x25088xf32>
    %get3A_6 = arith.constant 0 : index
    %get3A_7 = memref.load %arg3[%get3A_6] : memref<4xf32, #tpu.memory_space<smem>>
    %add3A = vector.broadcast %get3A_7 : f32 to vector<1x25088xf32>
    %add3A_8 = arith.addf %slice3A, %add3A : vector<1x25088xf32>
    %mul3A = arith.constant 5.000000e-03 : f32
    %mul3A_9 = vector.broadcast %mul3A : f32 to vector<1x25088xf32>
    %mul3A_10 = arith.mulf %add3A_8, %mul3A_9 : vector<1x25088xf32>
    %slice3A_11 = vector.extract_strided_slice %dot_general3A_5 {offsets = [1, 0], sizes = [1, 25088], strides = [1, 1]} : vector<4x25088xf32> to vector<1x25088xf32>
    %get3A_12 = arith.constant 1 : index
    %get3A_13 = memref.load %arg3[%get3A_12] : memref<4xf32, #tpu.memory_space<smem>>
    %add3A_14 = vector.broadcast %get3A_13 : f32 to vector<1x25088xf32>
    %add3A_15 = arith.addf %slice3A_11, %add3A_14 : vector<1x25088xf32>
    %mul3A_16 = arith.constant 5.000000e-03 : f32
    %mul3A_17 = vector.broadcast %mul3A_16 : f32 to vector<1x25088xf32>
    %mul3A_18 = arith.mulf %add3A_15, %mul3A_17 : vector<1x25088xf32>
    %slice3A_19 = vector.extract_strided_slice %dot_general3A_5 {offsets = [2, 0], sizes = [1, 25088], strides = [1, 1]} : vector<4x25088xf32> to vector<1x25088xf32>
    %get3A_20 = arith.constant 2 : index
    %get3A_21 = memref.load %arg3[%get3A_20] : memref<4xf32, #tpu.memory_space<smem>>
    %add3A_22 = vector.broadcast %get3A_21 : f32 to vector<1x25088xf32>
    %add3A_23 = arith.addf %slice3A_19, %add3A_22 : vector<1x25088xf32>
    %mul3A_24 = arith.constant 5.000000e-03 : f32
    %mul3A_25 = vector.broadcast %mul3A_24 : f32 to vector<1x25088xf32>
    %mul3A_26 = arith.mulf %add3A_23, %mul3A_25 : vector<1x25088xf32>
    %slice3A_27 = vector.extract_strided_slice %dot_general3A_5 {offsets = [3, 0], sizes = [1, 25088], strides = [1, 1]} : vector<4x25088xf32> to vector<1x25088xf32>
    %get3A_28 = arith.constant 3 : index
    %get3A_29 = memref.load %arg3[%get3A_28] : memref<4xf32, #tpu.memory_space<smem>>
    %add3A_30 = vector.broadcast %get3A_29 : f32 to vector<1x25088xf32>
    %add3A_31 = arith.addf %slice3A_27, %add3A_30 : vector<1x25088xf32>
    %mul3A_32 = arith.constant 5.000000e-03 : f32
    %mul3A_33 = vector.broadcast %mul3A_32 : f32 to vector<1x25088xf32>
    %mul3A_34 = arith.mulf %add3A_31, %mul3A_33 : vector<1x25088xf32>
    %bitcast_convert_type3A = tpu.bitcast %mul3A_10 : vector<1x25088xf32> -> vector<1x25088xi32>
    %add3A_35 = arith.constant 32767 : i32
    %add3A_36 = vector.broadcast %add3A_35 : i32 to vector<1x25088xi32>
    %add3A_37 = arith.addi %bitcast_convert_type3A, %add3A_36 : vector<1x25088xi32>
    %shift_right_logical3A = arith.constant 16 : i32
    %shift_right_logical3A_38 = vector.broadcast %shift_right_logical3A : i32 to vector<1x25088xi32>
    %shift_right_logical3A_39 = arith.shrui %bitcast_convert_type3A, %shift_right_logical3A_38 : vector<1x25088xi32>
    %and3A = arith.constant 1 : i32
    %and3A_40 = vector.broadcast %and3A : i32 to vector<1x25088xi32>
    %and3A_41 = arith.andi %shift_right_logical3A_39, %and3A_40 : vector<1x25088xi32>
    %add3A_42 = arith.addi %add3A_37, %and3A_41 : vector<1x25088xi32>
    %shift_right_logical3A_43 = arith.constant 16 : i32
    %shift_right_logical3A_44 = vector.broadcast %shift_right_logical3A_43 : i32 to vector<1x25088xi32>
    %shift_right_logical3A_45 = arith.shrui %add3A_42, %shift_right_logical3A_44 : vector<1x25088xi32>
    %bitcast_convert_type3A_46 = tpu.bitcast %mul3A_18 : vector<1x25088xf32> -> vector<1x25088xi32>
    %add3A_47 = arith.constant 32767 : i32
    %add3A_48 = vector.broadcast %add3A_47 : i32 to vector<1x25088xi32>
    %add3A_49 = arith.addi %bitcast_convert_type3A_46, %add3A_48 : vector<1x25088xi32>
    %shift_right_logical3A_50 = arith.constant 16 : i32
    %shift_right_logical3A_51 = vector.broadcast %shift_right_logical3A_50 : i32 to vector<1x25088xi32>
    %shift_right_logical3A_52 = arith.shrui %bitcast_convert_type3A_46, %shift_right_logical3A_51 : vector<1x25088xi32>
    %and3A_53 = arith.constant 1 : i32
    %and3A_54 = vector.broadcast %and3A_53 : i32 to vector<1x25088xi32>
    %and3A_55 = arith.andi %shift_right_logical3A_52, %and3A_54 : vector<1x25088xi32>
    %add3A_56 = arith.addi %add3A_49, %and3A_55 : vector<1x25088xi32>
    %shift_right_logical3A_57 = arith.constant 16 : i32
    %shift_right_logical3A_58 = vector.broadcast %shift_right_logical3A_57 : i32 to vector<1x25088xi32>
    %shift_right_logical3A_59 = arith.shrui %add3A_56, %shift_right_logical3A_58 : vector<1x25088xi32>
    %bitcast_convert_type3A_60 = tpu.bitcast %mul3A_26 : vector<1x25088xf32> -> vector<1x25088xi32>
    %add3A_61 = arith.constant 32767 : i32
    %add3A_62 = vector.broadcast %add3A_61 : i32 to vector<1x25088xi32>
    %add3A_63 = arith.addi %bitcast_convert_type3A_60, %add3A_62 : vector<1x25088xi32>
    %shift_right_logical3A_64 = arith.constant 16 : i32
    %shift_right_logical3A_65 = vector.broadcast %shift_right_logical3A_64 : i32 to vector<1x25088xi32>
    %shift_right_logical3A_66 = arith.shrui %bitcast_convert_type3A_60, %shift_right_logical3A_65 : vector<1x25088xi32>
    %and3A_67 = arith.constant 1 : i32
    %and3A_68 = vector.broadcast %and3A_67 : i32 to vector<1x25088xi32>
    %and3A_69 = arith.andi %shift_right_logical3A_66, %and3A_68 : vector<1x25088xi32>
    %add3A_70 = arith.addi %add3A_63, %and3A_69 : vector<1x25088xi32>
    %shift_right_logical3A_71 = arith.constant 16 : i32
    %shift_right_logical3A_72 = vector.broadcast %shift_right_logical3A_71 : i32 to vector<1x25088xi32>
    %shift_right_logical3A_73 = arith.shrui %add3A_70, %shift_right_logical3A_72 : vector<1x25088xi32>
    %bitcast_convert_type3A_74 = tpu.bitcast %mul3A_34 : vector<1x25088xf32> -> vector<1x25088xi32>
    %add3A_75 = arith.constant 32767 : i32
    %add3A_76 = vector.broadcast %add3A_75 : i32 to vector<1x25088xi32>
    %add3A_77 = arith.addi %bitcast_convert_type3A_74, %add3A_76 : vector<1x25088xi32>
    %shift_right_logical3A_78 = arith.constant 16 : i32
    %shift_right_logical3A_79 = vector.broadcast %shift_right_logical3A_78 : i32 to vector<1x25088xi32>
    %shift_right_logical3A_80 = arith.shrui %bitcast_convert_type3A_74, %shift_right_logical3A_79 : vector<1x25088xi32>
    %and3A_81 = arith.constant 1 : i32
    %and3A_82 = vector.broadcast %and3A_81 : i32 to vector<1x25088xi32>
    %and3A_83 = arith.andi %shift_right_logical3A_80, %and3A_82 : vector<1x25088xi32>
    %add3A_84 = arith.addi %add3A_77, %and3A_83 : vector<1x25088xi32>
    %shift_right_logical3A_85 = arith.constant 16 : i32
    %shift_right_logical3A_86 = vector.broadcast %shift_right_logical3A_85 : i32 to vector<1x25088xi32>
    %shift_right_logical3A_87 = arith.shrui %add3A_84, %shift_right_logical3A_86 : vector<1x25088xi32>
    %shift_left3A = arith.constant 16 : i32
    %shift_left3A_88 = vector.broadcast %shift_left3A : i32 to vector<1x25088xi32>
    %shift_left3A_89 = arith.shli %shift_right_logical3A_59, %shift_left3A_88 : vector<1x25088xi32>
    %or3A = arith.ori %shift_right_logical3A_45, %shift_left3A_89 : vector<1x25088xi32>
    %shift_left3A_90 = arith.constant 16 : i32
    %shift_left3A_91 = vector.broadcast %shift_left3A_90 : i32 to vector<1x25088xi32>
    %shift_left3A_92 = arith.shli %shift_right_logical3A_87, %shift_left3A_91 : vector<1x25088xi32>
    %or3A_93 = arith.ori %shift_right_logical3A_73, %shift_left3A_92 : vector<1x25088xi32>
    %concatenate3A = tpu.concatenate %or3A, %or3A_93 in 0 : vector<1x25088xi32>, vector<1x25088xi32> -> vector<2x25088xi32>
    %bitcast_convert_type3A_94 = tpu.bitcast %concatenate3A : vector<2x25088xi32> -> vector<2x25088xi32>
    %swap3A = arith.constant 0 : index
    %swap3A_95 = arith.constant 0 : index
    %swap3A_96 = vector.load %arg4[%swap3A, %swap3A_95] : memref<2x25088xi32, #tpu.memory_space<vmem>>, vector<2x25088xi32>
    tpu.vector_store %arg4[%swap3A, %swap3A_95], %bitcast_convert_type3A_94 {strides = array<i32>} : memref<2x25088xi32, #tpu.memory_space<vmem>>, vector<2x25088xi32>,
    return
  }
  func.func @transform_0(%arg0: i32) -> (i32, i32) {
    %c0_i32 = arith.constant 0 : i32
    %c0_i32_0 = arith.constant 0 : i32
    return %c0_i32, %arg0 : i32, i32
  }
  func.func @transform_1(%arg0: i32) -> (i32, i32) {
    %c0_i32 = arith.constant 0 : i32
    %c0_i32_0 = arith.constant 0 : i32
    %c0_i32_1 = arith.constant 0 : i32
    return %c0_i32, %c0_i32_0 : i32, i32
  }
  func.func @transform_2(%arg0: i32) -> i32 {
    %c0_i32 = arith.constant 0 : i32
    %c0_i32_0 = arith.constant 0 : i32
    return %c0_i32 : i32
  }
  func.func @transform_3(%arg0: i32) -> (i32, i32) {
    %c0_i32 = arith.constant 0 : i32
    %c0_i32_0 = arith.constant 0 : i32
    return %c0_i32, %arg0 : i32, i32
  }
}

</mosaic_0001>

<sc_bundles>
// kernel: kernel.4.cloned.1.call-start
scs
__scs_entry_jumppad:
0x0: {  	(pc) =	sbr.rel $0x88, $3  }
0x1: {  	(tag) =	ssettag $0x0;
	lr =	simm.s32 $0x1  }
0x2: {  	[smem:$0x3F9D] =	sst lr;
	_ =	strace $0xD0000000  }
0x3: {  	_ = 	snop  }
0x4: {  	_ = 	snop  }
0x5: {  	_ = 	snop  }
0x6: {  	_ = 	snop  }
0x7: {  	_ = 	snop  }
__scs_overlays_trampoline_lowered:
0x8: {  	[smem:$0x3FAC] =	sst s0  }
0x9: {  	[smem:$0x3FAD] =	sst s1  }
0xa: {  	[smem:$0x3FAE] =	sst s2  }
0xb: {  	[smem:$0x3FAF] =	sst s3  }
0xc: {  	[smem:$0x3FB0] =	sst s4  }
0xd: {  	[smem:$0x3FB1] =	sst s5  }
0xe: {  	[smem:$0x3FB2] =	sst s6  }
0xf: {  	[smem:$0x3FB3] =	sst s7  }
0x10: {  	[smem:$0x3FB4] =	sst s8  }
0x11: {  	[smem:$0x3FB5] =	sst s9;
	s0 =	simm.s32 @!p0 $0x0  }
0x12: {  	s1 =	sld [smem:$0x3F9B];
	s0 =	simm.s32 @p0 $0x1  }
0x13: {  	[smem:$0x3FB6] =	sst s0;
	s0 =	simm.s32 @!p1 $0x0  }
0x14: {  	s2 =	sld [smem:$0x3F9A];
	s0 =	simm.s32 @p1 $0x1  }
0x15: {  	[smem:$0x3FB7] =	sst s0;
	s0 =	simm.s32 @!p2 $0x0  }
0x16: {  	s3 =	sld [smem:$0x3FDB];
	s0 =	simm.s32 @p2 $0x1  }
0x17: {  	s4 =	simm.s32 $0x1BF5;
	[smem:$0x3FB9] =	sst s0  }
0x18: {  	s0 =	sld [smem:$0x3F9C];
	_ =	swait.ge [sflag:s4], $0x0  }
0x19: {  	s7 =	sld [smem:$0x3F9D]  }
0x1a: {  	s8 =	sadd.s32 $0xFFFFE003, lr  }
0x1b: {  	s9 =	sadd.s32 $0xFFFFFEF7, lr;
	s5 =	simm.s32 $0xFFFFFFFF;
	p2 =	slt.u32 s8, $0xFFFFF086  }
0x1c: {  	p1 =	slt.u32 s9, $0xF7A;
	s5 =	simm.s32 @!p2 $0x0  }
0x1d: {  	s5 =	simm.s32 @p1 $0x1;
	p0 =	seq.s32 s7, s2  }
0x1e: {  	s7 =	smul.u32 @!p0 $0xF7A, s2;
	p2 =	seq.s32 @!p0 s5, $0x0  }
0x1f: {  	s9 =	smul.u32 $0xF7A, s1;
	s8 =	simm.s32 @!p0 $0x1BF5;
	p2 =	por !p2, p0  }
0x20: {  	[sflag:s8] =	ssyncset.s32 @!p0 $0xFFFFF086;
	s6 =	sadd.s32 @!p0 s3, s7;
	s7 =	simm.s32 @!p0 $0x108  }
0x21: {  	s3 =	sadd.s32 s3, s9;
	s6 =	sadd.s32 @!p0 $0x88, s6;
	s7 =	simm.s32 @p2 $0x1082  }
0x22: {  	[simem:s7], [sflag:s8] =	dma.local @!p0 [hbm:s6], $0xF7A  }
0x23: {  	s9 =	sor.u32 $0xD0000000, s2;
	s6 =	simm.s32 $0x108;
	_ =	swait.ge @!p0 [sflag:s8], $0x0  }
0x24: {  	s3 =	sadd.s32 $0x88, s3;
	s6 =	simm.s32 @!p1 $0x1082;
	[sflag:s4] =	ssyncset.s32 $0xFFFFF086  }
0x25: {  	[simem:s6], [sflag:s4] =	dma.local [hbm:s3], $0xF7A  }
0x26: {  	[smem:$0x3F9D] =	sst s1;
	(tag) =	ssettag s2;
	_ =	strace s9  }
0x27: {  	s1 =	sld [smem:$0x3FAD]  }
0x28: {  	s2 =	sld [smem:$0x3FAE]  }
0x29: {  	s4 =	sld [smem:$0x3FB0]  }
0x2a: {  	p0 =	seq.s32 s5, $0x0;
	s5 =	sld [smem:$0x3FB1]  }
0x2b: {  	s6 =	sld [smem:$0x3FB2]  }
0x2c: {  	s7 =	sld [smem:$0x3FB3]  }
0x2d: {  	s3 =	simm.s32 $0x108;
	s8 =	sld [smem:$0x3FB4]  }
0x2e: {  	s3 =	simm.s32 @!p0 $0x1082;
	s9 =	sld [smem:$0x3FB5]  }
0x2f: {  	lr =	sadd.s32 s0, s3;
	s0 =	sld [smem:$0x3FAC]  }
0x30: {  	s3 =	sld [smem:$0x3FAF]  }
0x31: {  	[smem:$0x3FB8] =	sst s10  }
0x32: {  	s10 =	sld [smem:$0x3FB6];
	_ =	sdelay $0x3  }
0x33: {  	p0 =	seq.s32 s10, $0x1;
	s10 =	sld [smem:$0x3FB8];
	_ =	sdelay $0x3  }
0x34: {  	[smem:$0x3FB8] =	sst s10  }
0x35: {  	s10 =	sld [smem:$0x3FB7];
	_ =	sdelay $0x3  }
0x36: {  	p1 =	seq.s32 s10, $0x1;
	s10 =	sld [smem:$0x3FB8];
	_ =	sdelay $0x3  }
0x37: {  	[smem:$0x3FB8] =	sst s10  }
0x38: {  	s10 =	sld [smem:$0x3FB9]  }
0x39: {  	_ = 	snop;
	(pc) =	sbr.ind lr, $3  }
0x3a: {  	_ = 	snop  }
0x3b: {  	_ = 	snop  }
0x3c: {  	p2 =	seq.s32 s10, $0x1;
	s10 =	sld [smem:$0x3FB8]  }
0x3d: {  	_ =	shalt  }
0x3e: {  	_ =	shalt  }
0x3f: {  	_ =	shalt  }
0x40: {  	_ =	shalt  }
0x41: {  	_ =	shalt  }
0x42: {  	_ =	shalt  }
0x43: {  	_ =	shalt  }
0x44: {  	_ =	shalt  }
0x45: {  	_ =	shalt  }
0x46: {  	_ =	shalt  }
0x47: {  	_ =	shalt  }
0x48: {  	_ =	shalt  }
0x49: {  	_ =	shalt  }
0x4a: {  	_ =	shalt  }
0x4b: {  	_ =	shalt  }
0x4c: {  	_ =	shalt  }
0x4d: {  	_ =	shalt  }
0x4e: {  	_ =	shalt  }
0x4f: {  	_ =	shalt  }
0x50: {  	_ =	shalt  }
0x51: {  	_ =	shalt  }
0x52: {  	_ =	shalt  }
0x53: {  	_ =	shalt  }
0x54: {  	_ =	shalt  }
0x55: {  	_ =	shalt  }
0x56: {  	_ =	shalt  }
0x57: {  	_ =	shalt  }
0x58: {  	_ =	shalt  }
0x59: {  	_ =	shalt  }
0x5a: {  	_ =	shalt  }
0x5b: {  	_ =	shalt  }
0x5c: {  	_ =	shalt  }
0x5d: {  	_ =	shalt  }
0x5e: {  	_ =	shalt  }
0x5f: {  	_ =	shalt  }
0x60: {  	_ =	shalt  }
0x61: {  	_ =	shalt  }
0x62: {  	_ =	shalt  }
0x63: {  	_ =	shalt  }
0x64: {  	_ =	shalt  }
0x65: {  	_ =	shalt  }
0x66: {  	_ =	shalt  }
0x67: {  	_ =	shalt  }
0x68: {  	_ =	shalt  }
0x69: {  	_ =	shalt  }
0x6a: {  	_ =	shalt  }
0x6b: {  	_ =	shalt  }
0x6c: {  	_ =	shalt  }
0x6d: {  	_ =	shalt  }
0x6e: {  	_ =	shalt  }
0x6f: {  	_ =	shalt  }
0x70: {  	_ =	shalt  }
0x71: {  	_ =	shalt  }
0x72: {  	_ =	shalt  }
0x73: {  	_ =	shalt  }
0x74: {  	_ =	shalt  }
0x75: {  	_ =	shalt  }
0x76: {  	_ =	shalt  }
0x77: {  	_ =	shalt  }
0x78: {  	_ =	shalt  }
0x79: {  	_ =	shalt  }
0x7a: {  	_ =	shalt  }
0x7b: {  	_ =	shalt  }
0x7c: {  	_ =	shalt  }
0x7d: {  	_ =	shalt  }
0x7e: {  	_ =	shalt  }
0x7f: {  	_ =	shalt  }
0x80: {  	_ =	shalt  }
0x81: {  	_ =	shalt  }
0x82: {  	_ =	shalt  }
0x83: {  	_ =	shalt  }
0x84: {  	_ =	shalt  }
0x85: {  	_ =	shalt  }
0x86: {  	_ =	shalt  }
0x87: {  	_ =	shalt  }
.Lfunc_end0:
.L_simem_size_0:
called_computation_lowered:
.L_overlay_start_0:
0x88: {  	s2 =	sld [smem:$0x3FD9]  }
0x89: {  	s3 =	sld [smem:$0x3FFE];
	_ =	sdelay $0x1  }
0x8a: {  	s1 =	srdreg.scid  }
0x8b: {  	s0 =	sand.u32 $0x1, s1  }
0x8c: {  	s17 =	sshll.u32 s0, $0xA;
	s2 =	sadd.s32 s3, s2  }
0x8d: {  	s2 =	sadd.s32 s2, s17  }
0x8e: {  	[smem:$0x3FC4] =	sst s2  }
0x8f: {  	_ = 	snop  }
0x90: {  	s2 =	sld [smem:$0x3FC9]  }
0x91: {  	s18 =	sld [smem:$0x3FD0];
	(tm) =	ssettm $0x1  }
0x92: {  	s4 =	sld [smem:$0x3FFB];
	_ =	sdelay $0x3  }
0x93: {  	_ =	strace s4  }
0x94: {  	s4 =	sld [smem:$0x3FFC];
	_ =	sdelay $0x3  }
0x95: {  	_ =	strace s4  }
0x96: {  	s4 =	sld [smem:$0x3FFD];
	_ =	sdelay $0x3  }
0x97: {  	_ =	strace s4  }
0x98: {  	_ =	strace $0x8FFFFFFF  }
0x99: {  	s19 =	sld [smem:$0x3FDB];
	_ =	sdelay $0x1  }
0x9a: {  	s5 =	simm.s32 $_scs_section_size  }
0x9b: {  	s6 =	simm.s32 $_size__tile_overlayer_lowered;
	s7 =	simm.s32 $_tile_overlayer_lowered  }
0x9c: {  	s22 =	simm.s32 $0x1BFF;
	s21 =	sshll.u32 s7, $0x1;
	s4 =	sadd.s32 s5, s19  }
0x9d: {  	s8 =	simm.s32 $0x0;
	s20 =	sshll.u32 s6, $0x1;
	s6 =	sadd.s32 s21, s4  }
0x9e: {  	[timem:s8], [sflag:s22] =	dma.local [hbm:s6], s20  }
0x9f: {  	_ =	swait.ge [sflag:s22], s20  }
0xa0: {  	s5 =	ssub.s32 $0x0, s20;
	[sflag:s22] =	ssyncset.done $0x0  }
0xa1: {  	[sflag:s22] =	ssyncadd.s32 s5;
	_ =	sdelay $0x1  }
0xa2: {  	s23 =	simm.s32 $0x1B8B  }
0xa3: {  	_ =	swait.ge [sflag:s23], $0x1  }
0xa4: {  	[sflag:s23] =	ssyncset.done $0x0  }
0xa5: {  	s25 =	simm.s32 $0x1B8E;
	s24 =	sld [smem:$0x3FFE];
	[sflag:s23] =	ssyncadd.s32 $0xFFFFFFFF  }
0xa6: {  	s26 =	simm.s32 $execute0_lowered;
	[smem:$0x3FD2] =	sst s25  }
0xa7: {  	s6 =	sshll.u32 s26, $0x1;
	_ =	strace $0x80000046;
	[dreg:$0x1] =	wrdreg $0xFFFFFFFF  }
0xa8: {  	s28 =	simm.s32 $_size_execute0_lowered;
	s4 =	sadd.s32 s4, s6;
	[dreg:$0x0] =	wrdreg $0x0  }
0xa9: {  	s6 =	sshll.u32 s28, $0x1;
	[dreg:$0x2] =	wrdreg s4  }
0xaa: {  	[dreg:$0x3] =	wrdreg s6  }
0xab: {  	[dreg:$0x4] =	wrdreg $0xC0  }
0xac: {  	_ =	task [dreg:s8], $0x5FFFF  }
0xad: {  	[dreg:$0x1] =	wrdreg $0xFFFFFFFF  }
0xae: {  	[dreg:$0x0] =	wrdreg $0x60  }
0xaf: {  	[dreg:$0x2] =	wrdreg s24  }
0xb0: {  	[dreg:$0x3] =	wrdreg s2  }
0xb1: {  	[dreg:$0x4] =	wrdreg s18  }
0xb2: {  	[dreg:$0x5] =	wrdreg $0x9  }
0xb3: {  	_ =	task.clear_ibuf [dreg:s8], $0x6FFFF;
	_ =	strace $0x90000046  }
0xb4: {  	s29 =	simm.s32 $0x9;
	_ =	strace $0x80000048  }
0xb5: {  	_ =	swait.ge [sflag:s29], $0x1  }
0xb6: {  	[sflag:s29] =	ssyncadd.s32 $0xFFFFFFFF  }
0xb7: {  	_ =	strace $0x90000048  }
0xb8: {  	_ =	sfence  }
0xb9: {  	s30 =	sld [smem:$0x0];
	_ =	sdelay $0x2  }
0xba: {  	s31 =	sshll.u32 s1, $0xD;
	s1 =	sshrl.u32 s1, $0x2  }
0xbb: {  	s3 =	sand.u32 $0x4000, s31;
	s1 =	sadd.s32 s1, s30  }
0xbc: {  	s0 =	sor.u32 s3, s0;
	s1 =	sshll.u32 s1, $0x11  }
0xbd: {  	s0 =	sor.u32 s1, s0  }
0xbe: {  	s0 =	sadd.s32 $0x8F2B, s0  }
0xbf: {  	[sflag:s0] =	ssyncadd.remote.s32 $0x1  }
0xc0: {  	_ =	sfence.sel $0xFFFF  }
0xc1: {  	[dreg:$0x0] =	wrdreg $0xFFFFFFFF;
	(pc) =	sbr.abs _section_cstart, $3  }
0xc2: {  	[dreg:$0x1] =	wrdreg $0xFFFFFFFF  }
0xc3: {  	_ =	task.clear_ibuf [dreg:s8], $0x2FFFF;
	_ =	strace $0x9FFFFFFF  }
0xc4: {  	(tm) =	ssettm $0x7FFFFFFF  }
0xc5: {  	_ =	shalt  }
tec
execute0_lowered:
.L_overlay_start_1:
0x0: {  	(tag) =	ssettag $0x1  }
0x1: {  	s0 =	srdreg.scid;
	s1 =	stileid.u32  }
0x2: {  	s2 =	sand.u32 $0x1, s0;
	s21 =	sshll.u32 s1, $0x1  }
0x3: {  	s4 =	sor.u32 s2, s21  }
0x4: {  	s1 =	sand.u32 $0xF, s4  }
0x5: {  	p0 =	slt.s32 s4, $0x1;
	p1 =	sne.s32 s1, $0x0  }
0x6: {  	s3 =	simm.s32 $0x1;
	p0 =	por !p0, !p1  }
0x7: {  	s24 =	rddreg [dreg:$0x0];
	s5 =	smulhi.u32 $0xF0F0F0F1, s4;
	p0 =	por !p0, !p0  }
0x8: {  	s8 =	simm.s32 $0x2;
	s0 =	sshrl.u32 s21, $0x4;
	s3 =	simm.s32 @!p0 $0x0  }
0x9: {  	s14 =	simm.s32 $0x4;
	s22 =	sshrl.u32 s5, $0x4;
	s3 =	ssub.s32 s0, s3  }
0xa: {  	s17 =	simm.s32 $0x9;
	s0 =	smul.u32 $0x11, s22;
	s23 =	sshrl.u32 s3, $0x1  }
0xb: {  	s28 =	ssub.s32 $0x2, s2;
	s6 =	sshll.u32 s3, $0x7;
	s5 =	smul.u32 $0x30E00, s23  }
0xc: {  	s11 =	sshrl.u32 s28, $0x1;
	s7 =	sand.u32 $0x80, s6;
	s6 =	ssub.s32 s4, s0  }
0xd: {  	s13 =	ssub.s32 s28, s11;
	s25 =	sor.u32 s7, s5;
	s5 =	sadd.s32 $0x1, s6  }
0xe: {  	s13 =	smax.u32 s13, $0x1;
	s26 =	smul.u32 $0x5C0, s6;
	p0 =	seq.s32 s5, $0x11  }
0xf: {  	p1 =	slt.u32 s6, $0x4;
	s5 =	simm.s32 @p0 $0x0;
	p0 =	slt.u32 s6, $0xF  }
0x10: {  	s4 =	sshrl.u32 s25, $0x3;
	s0 =	smul.u32 $0x5C00, s5;
	s8 =	simm.s32 @!p0 $0xFFFFFFF1  }
0x11: {  	s9 =	sadd.s32 s4, s24;
	s10 =	smul.u32 $0x5C0, s5;
	s29 =	sadd.s32 s6, s8  }
0x12: {  	p0 =	slt.u32 s6, $0xE;
	s8 =	simm.s32 $0x3;
	s2 =	smul.u32 $0x5C00, s29  }
0x13: {  	s12 =	smul.u32 $0x5C0, s29;
	s8 =	simm.s32 @!p0 $0xFFFFFFF2;
	p0 =	slt.u32 s6, $0xD  }
0x14: {  	s0 =	sshrl.u32 s0, $0x2;
	s30 =	sadd.s32 s6, s8;
	s14 =	simm.s32 @!p0 $0xFFFFFFF3  }
0x15: {  	s8 =	sadd.s32 $0xA00, s9;
	p0 =	slt.u32 s6, $0xC;
	s4 =	smul.u32 $0x5C00, s30  }
0x16: {  	s9 =	simm.s32 $0x6;
	s31 =	smul.u32 $0x5C0, s30;
	s19 =	sadd.s32 s6, s14  }
0x17: {  	s14 =	simm.s32 $0x5;
	s7 =	sadd.s32 s26, s8;
	s10 =	sadd.s32 s10, s8  }
0x18: {  	s12 =	sadd.s32 s12, s8;
	s5 =	smul.u32 $0x5C00, s19;
	[dreg:$0x4] =	wrdreg s7  }
0x19: {  	s15 =	smul.u32 $0x5C0, s19;
	s14 =	simm.s32 @!p0 $0xFFFFFFF4;
	[dreg:$0x5] =	wrdreg s10  }
0x1a: {  	p0 =	slt.u32 s6, $0xB;
	[dreg:$0x6] =	wrdreg s12;
	s7 =	sadd.s32 s6, s14  }
0x1b: {  	s9 =	simm.s32 @!p0 $0xFFFFFFF5;
	p0 =	slt.u32 s6, $0xA;
	s14 =	simm.s32 $0xFFFFFFF7  }
0x1c: {  	s11 =	sadd.s32 s31, s8;
	s16 =	smul.u32 $0x5C0, s7;
	s10 =	sadd.s32 s6, s9  }
0x1d: {  	s9 =	simm.s32 $0x7;
	[dreg:$0x7] =	wrdreg s11;
	s15 =	sadd.s32 s15, s8  }
0x1e: {  	s20 =	smul.u32 $0x5C0, s10;
	s9 =	simm.s32 @!p0 $0xFFFFFFF6;
	p0 =	sgt.u32 s6, $0x8  }
0x1f: {  	[dreg:$0x8] =	wrdreg s15;
	s15 =	simm.s32 $0xB;
	s10 =	smul.u32 $0x5C00, s10  }
0x20: {  	s9 =	sadd.s32 s6, s9;
	s14 =	simm.s32 @!p0 $0x8;
	p0 =	slt.u32 s6, $0x8  }
0x21: {  	s21 =	sadd.s32 s16, s8;
	s16 =	simm.s32 $0xC;
	s18 =	smul.u32 $0x5C0, s9  }
0x22: {  	s14 =	sadd.s32 s6, s14;
	s17 =	simm.s32 @!p0 $0xFFFFFFF8;
	[dreg:$0x9] =	wrdreg s21  }
0x23: {  	s12 =	sadd.s32 s20, s8;
	p0 =	slt.u32 s6, $0x7;
	s19 =	smul.u32 $0x5C0, s14  }
0x24: {  	s11 =	sadd.s32 s6, s17;
	[dreg:$0xa] =	wrdreg s12;
	s12 =	simm.s32 $0xA  }
0x25: {  	s17 =	simm.s32 $0xD;
	s22 =	smul.u32 $0x5C0, s11;
	s23 =	sadd.s32 s18, s8  }
0x26: {  	s12 =	simm.s32 @!p0 $0xFFFFFFF9;
	p0 =	slt.u32 s6, $0x6;
	s17 =	simm.s32 @!p1 $0xFFFFFFFC  }
0x27: {  	s18 =	simm.s32 $0xE;
	s11 =	smul.u32 $0x5C00, s11;
	[dreg:$0xb] =	wrdreg s23  }
0x28: {  	s24 =	sadd.s32 s19, s8;
	s12 =	sadd.s32 s6, s12;
	s15 =	simm.s32 @!p0 $0xFFFFFFFA  }
0x29: {  	p0 =	slt.u32 s6, $0x5;
	s19 =	smul.u32 $0x5C00, s6;
	s20 =	sadd.s32 s6, s17  }
0x2a: {  	[dreg:$0xc] =	wrdreg s24;
	s25 =	sadd.s32 s22, s8;
	s15 =	sadd.s32 s6, s15  }
0x2b: {  	s16 =	simm.s32 @!p0 $0xFFFFFFFB;
	p0 =	slt.u32 s6, $0x3;
	s22 =	smul.u32 $0x5C0, s12  }
0x2c: {  	s24 =	simm.s32 $0xF;
	s26 =	smul.u32 $0x5C0, s20;
	s16 =	sadd.s32 s6, s16  }
0x2d: {  	s18 =	simm.s32 @!p0 $0xFFFFFFFD;
	p0 =	slt.u32 s6, $0x2;
	s23 =	smul.u32 $0x5C0, s15  }
0x2e: {  	[dreg:$0xd] =	wrdreg s25;
	s24 =	simm.s32 @!p0 $0xFFFFFFFE;
	s25 =	smul.u32 $0x5C0, s16  }
0x2f: {  	s21 =	sadd.s32 s6, s18;
	p0 =	seq.s32 s6, $0x0;
	s18 =	sadd.s32 $0xFFFFFFFF, s6  }
0x30: {  	s22 =	sadd.s32 s22, s8;
	s17 =	sadd.s32 s6, s24;
	s28 =	smul.u32 $0x5C0, s21  }
0x31: {  	[dreg:$0xe] =	wrdreg s22;
	s18 =	simm.s32 @p0 $0x10;
	s23 =	sadd.s32 s23, s8  }
0x32: {  	s24 =	sadd.s32 s26, s8;
	s26 =	rddreg [dreg:$0x1];
	s29 =	smul.u32 $0x5C0, s17  }
0x33: {  	s19 =	sshrl.u32 s19, $0x2;
	[dreg:$0xf] =	wrdreg s23;
	s31 =	smul.u32 $0x5C0, s18  }
0x34: {  	s30 =	sadd.s32 s25, s8;
	[dreg:$0x11] =	wrdreg s24;
	s23 =	smul.u32 $0x5C00, s15  }
0x35: {  	s15 =	simm.s32 $0x2;
	[dreg:$0x10] =	wrdreg s30;
	s6 =	sadd.s32 s28, s8  }
0x36: {  	s28 =	sshll.u32 s1, $0x8;
	[dreg:$0x12] =	wrdreg s6;
	s24 =	sadd.s32 s29, s8  }
0x37: {  	s25 =	sadd.s32 s31, s8;
	s8 =	sshllo.u32 s1, $0x1;
	[dreg:$0x13] =	wrdreg s24  }
0x38: {  	s29 =	sadd.s32 $0xC000, s26;
	s31 =	sadd.s32 s26, s28;
	[dreg:$0x14] =	wrdreg s25  }
0x39: {  	s1 =	sshll.u32 s1, $0xA;
	s30 =	sshll.u32 s8, $0x7;
	[dreg:$0x15] =	wrdreg s31  }
0x3a: {  	s22 =	sadd.s32 s28, s29;
	s28 =	sshll.u32 s3, $0xD;
	s3 =	sshll.u32 s3, $0x8  }
0x3b: {  	s8 =	sshll.u32 s8, $0x9;
	s31 =	rddreg [dreg:$0x2];
	s24 =	sshra.s32 s2, $0x2  }
0x3c: {  	s25 =	sshra.s32 s4, $0x2;
	s2 =	sshra.s32 s10, $0x2;
	[dreg:$0x16] =	wrdreg s22  }
0x3d: {  	s6 =	sadd.s32 s26, s30;
	s26 =	sadd.s32 s30, s29;
	s3 =	sand.u32 $0x100, s3  }
0x3e: {  	s22 =	simm.s32 $0x0;
	[dreg:$0x17] =	wrdreg s6;
	s6 =	smul.u32 $0x5C00, s7  }
0x3f: {  	[dreg:$0x18] =	wrdreg s26;
	s7 =	sand.u32 $0xFFFFC000, s28;
	s26 =	smul.u32 $0x5C00, s16  }
0x40: {  	s30 =	sor.u32 $0x80, s3;
	[smem:$0x7FF] =	sst s22;
	s28 =	smul.u32 $0x5C00, s20  }
0x41: {  	s1 =	sor.u32 s1, s7;
	s7 =	sor.u32 s8, s7;
	s8 =	smul.u32 $0x5C00, s9  }
0x42: {  	s16 =	simm.s32 $0x3;
	s20 =	simm.s32 $0x400;
	s9 =	smul.u32 $0x5C00, s14  }
0x43: {  	s29 =	sor.u32 s3, s1;
	s1 =	sor.u32 s30, s1;
	s3 =	sor.u32 s3, s7  }
0x44: {  	s7 =	sor.u32 s30, s7;
	s30 =	smul.u32 $0x5C00, s17;
	s17 =	simm.s32 $0x4  }
0x45: {  	s14 =	sshrl.u32 s29, $0x3;
	s1 =	sshrl.u32 s1, $0x3;
	s3 =	sshrl.u32 s3, $0x3  }
0x46: {  	s7 =	sshrl.u32 s7, $0x3;
	s29 =	smul.u32 $0x5C00, s21;
	s14 =	sadd.s32 s31, s14  }
0x47: {  	s4 =	sshra.s32 s9, $0x2;
	s1 =	sadd.s32 s31, s1;
	[dreg:$0x19] =	wrdreg s14  }
0x48: {  	s9 =	sshra.s32 s28, $0x2;
	s21 =	simm.s32 $0x8000;
	[dreg:$0x1a] =	wrdreg s1  }
0x49: {  	s1 =	sadd.s32 s31, s3;
	s14 =	smul.u32 $0x5C00, s12;
	s3 =	sshra.s32 s8, $0x2  }
0x4a: {  	s8 =	sshra.s32 s26, $0x2;
	[dreg:$0x1b] =	wrdreg s1;
	s1 =	sadd.s32 s31, s7  }
0x4b: {  	s10 =	sshra.s32 s29, $0x2;
	s26 =	simm.s32 $0x0;
	[dreg:$0x1c] =	wrdreg s1  }
0x4c: {  	s7 =	sshra.s32 s23, $0x2;
	_ =	strace $0x80000047;
	[dreg:$0x1d] =	wrdreg s19  }
0x4d: {  	s31 =	smul.u32 $0x5C00, s18;
	s18 =	simm.s32 $0x80;
	[dreg:$0x1e] =	wrdreg s0  }
0x4e: {  	s1 =	sshra.s32 s6, $0x2;
	s6 =	sshra.s32 s14, $0x2;
	[dreg:$0x1f] =	wrdreg s24  }
0x4f: {  	s14 =	simm.s32 $0x1;
	[smem:$0x7FD] =	sst s25;
	s0 =	sshra.s32 s5, $0x2  }
0x50: {  	s5 =	sshra.s32 s11, $0x2;
	s11 =	sshra.s32 s30, $0x2;
	s12 =	sshra.s32 s31, $0x2  }
0x51: {  	s19 =	simm.s32 $0x100;
	s24 =	simm.s32 $0x18700;
	s25 =	simm.s32 $0x1B700  }
.LBB2_1:
0x52: {  	s23 =	rddreg [dreg:$0x4]  }
0x53: {  	s28 =	rddreg [dreg:$0x1d]  }
0x54: {  	s30 =	rddreg [dreg:$0x5]  }
0x55: {  	s31 =	rddreg [dreg:$0x6]  }
0x56: {  	[tilespmem:s28], [sflag:$0x1] =	stream.strided.gather [hbm4b:s23+s18], $0x1700, s19, s18, $0x38;
	[tilespmem:$0x1ED00] =	vst v63  }
0x57: {  	s28 =	rddreg [dreg:$0x1e]  }
0x58: {  	[tilespmem:s28], [sflag:$0x1] =	stream.strided.gather [hbm4b:s30+s18], $0x1700, s19, s18, $0x38;
	[tilespmem:$0x1ED00] =	vst v63  }
0x59: {  	s28 =	rddreg [dreg:$0x1f]  }
0x5a: {  	[tilespmem:s28], [sflag:$0x1] =	stream.strided.gather [hbm4b:s31+s18], $0x1700, s19, s18, $0x38;
	[tilespmem:$0x1ED00] =	vst v63  }
0x5b: {  	s28 =	sld [smem:$0x7FD];
	_ =	sdelay $0x1  }
0x5c: {  	s30 =	rddreg [dreg:$0x7]  }
0x5d: {  	[tilespmem:s28], [sflag:$0x1] =	stream.strided.gather [hbm4b:s30+s18], $0x1700, s19, s18, $0x38;
	[tilespmem:$0x1ED00] =	vst v63  }
0x5e: {  	s31 =	rddreg [dreg:$0x8]  }
0x5f: {  	[tilespmem:s0], [sflag:$0x1] =	stream.strided.gather [hbm4b:s31+s18], $0x1700, s19, s18, $0x38;
	[tilespmem:$0x1ED00] =	vst v63  }
0x60: {  	s30 =	rddreg [dreg:$0x9]  }
0x61: {  	[tilespmem:s1], [sflag:$0x1] =	stream.strided.gather [hbm4b:s30+s18], $0x1700, s19, s18, $0x38;
	[tilespmem:$0x1ED00] =	vst v63  }
0x62: {  	s31 =	rddreg [dreg:$0xa]  }
0x63: {  	[tilespmem:s2], [sflag:$0x1] =	stream.strided.gather [hbm4b:s31+s18], $0x1700, s19, s18, $0x38;
	[tilespmem:$0x1ED00] =	vst v63  }
0x64: {  	s30 =	rddreg [dreg:$0xb]  }
0x65: {  	[tilespmem:s3], [sflag:$0x1] =	stream.strided.gather [hbm4b:s30+s18], $0x1700, s19, s18, $0x38;
	[tilespmem:$0x1ED00] =	vst v63  }
0x66: {  	s31 =	rddreg [dreg:$0xc]  }
0x67: {  	[tilespmem:s4], [sflag:$0x1] =	stream.strided.gather [hbm4b:s31+s18], $0x1700, s19, s18, $0x38;
	[tilespmem:$0x1ED00] =	vst v63  }
0x68: {  	s30 =	rddreg [dreg:$0xd]  }
0x69: {  	[tilespmem:s5], [sflag:$0x1] =	stream.strided.gather [hbm4b:s30+s18], $0x1700, s19, s18, $0x38;
	[tilespmem:$0x1ED00] =	vst v63  }
0x6a: {  	s31 =	rddreg [dreg:$0xe]  }
0x6b: {  	[tilespmem:s6], [sflag:$0x1] =	stream.strided.gather [hbm4b:s31+s18], $0x1700, s19, s18, $0x38;
	[tilespmem:$0x1ED00] =	vst v63  }
0x6c: {  	s30 =	rddreg [dreg:$0xf]  }
0x6d: {  	[tilespmem:s7], [sflag:$0x1] =	stream.strided.gather [hbm4b:s30+s18], $0x1700, s19, s18, $0x38;
	[tilespmem:$0x1ED00] =	vst v63  }
0x6e: {  	s31 =	rddreg [dreg:$0x10]  }
0x6f: {  	[tilespmem:s8], [sflag:$0x1] =	stream.strided.gather [hbm4b:s31+s18], $0x1700, s19, s18, $0x38;
	[tilespmem:$0x1ED00] =	vst v63  }
0x70: {  	s30 =	rddreg [dreg:$0x11]  }
0x71: {  	[tilespmem:s9], [sflag:$0x1] =	stream.strided.gather [hbm4b:s30+s18], $0x1700, s19, s18, $0x38;
	[tilespmem:$0x1ED00] =	vst v63  }
0x72: {  	s31 =	rddreg [dreg:$0x12]  }
0x73: {  	[tilespmem:s10], [sflag:$0x1] =	stream.strided.gather [hbm4b:s31+s18], $0x1700, s19, s18, $0x38;
	[tilespmem:$0x1ED00] =	vst v63  }
0x74: {  	s30 =	rddreg [dreg:$0x13]  }
0x75: {  	[tilespmem:s11], [sflag:$0x1] =	stream.strided.gather [hbm4b:s30+s18], $0x1700, s19, s18, $0x38;
	[tilespmem:$0x1ED00] =	vst v63  }
0x76: {  	s31 =	rddreg [dreg:$0x14]  }
0x77: {  	[tilespmem:s12], [sflag:$0x1] =	stream.strided.gather [hbm4b:s31+s18], $0x1700, s19, s18, $0x38;
	[tilespmem:$0x1ED00] =	vst v63  }
0x78: {  	s30 =	rddreg [dreg:$0x15]  }
0x79: {  	[tilespmem:s24], [sflag:$0x2] =	stream.strided.gather [hbm4b:s30+s20], $0x3000, s21, s20, $0x38;
	[tilespmem:$0x1ED00] =	vst v63  }
0x7a: {  	s31 =	rddreg [dreg:$0x16]  }
0x7b: {  	[tilespmem:s25], [sflag:$0x3] =	stream.strided.gather [hbm4b:s31+s20], $0x3400, s21, s20, $0x38;
	[tilespmem:$0x1ED00] =	vst v63  }
0x7c: {  	_ =	swait.ge [sflag:s14], $0x1700  }
0x7d: {  	[sflag:s14] =	ssyncset.done $0x0  }
0x7e: {  	[sflag:s14] =	ssyncadd.s32 $0xFFFFE900  }
0x7f: {  	_ =	swait.ge [sflag:s14], $0x1700  }
0x80: {  	[sflag:s14] =	ssyncset.done $0x0  }
0x81: {  	[sflag:s14] =	ssyncadd.s32 $0xFFFFE900  }
0x82: {  	_ =	swait.ge [sflag:s14], $0x1700  }
0x83: {  	[sflag:s14] =	ssyncset.done $0x0  }
0x84: {  	[sflag:s14] =	ssyncadd.s32 $0xFFFFE900  }
0x85: {  	_ =	swait.ge [sflag:s14], $0x1700  }
0x86: {  	[sflag:s14] =	ssyncset.done $0x0  }
0x87: {  	[sflag:s14] =	ssyncadd.s32 $0xFFFFE900  }
0x88: {  	_ =	swait.ge [sflag:s14], $0x1700  }
0x89: {  	[sflag:s14] =	ssyncset.done $0x0  }
0x8a: {  	[sflag:s14] =	ssyncadd.s32 $0xFFFFE900  }
0x8b: {  	_ =	swait.ge [sflag:s14], $0x1700  }
0x8c: {  	[sflag:s14] =	ssyncset.done $0x0  }
0x8d: {  	[sflag:s14] =	ssyncadd.s32 $0xFFFFE900  }
0x8e: {  	_ =	swait.ge [sflag:s14], $0x1700  }
0x8f: {  	[sflag:s14] =	ssyncset.done $0x0  }
0x90: {  	[sflag:s14] =	ssyncadd.s32 $0xFFFFE900  }
0x91: {  	_ =	swait.ge [sflag:s14], $0x1700  }
0x92: {  	[sflag:s14] =	ssyncset.done $0x0  }
0x93: {  	[sflag:s14] =	ssyncadd.s32 $0xFFFFE900  }
0x94: {  	_ =	swait.ge [sflag:s14], $0x1700  }
0x95: {  	[sflag:s14] =	ssyncset.done $0x0  }
0x96: {  	[sflag:s14] =	ssyncadd.s32 $0xFFFFE900  }
0x97: {  	_ =	swait.ge [sflag:s14], $0x1700  }
0x98: {  	[sflag:s14] =	ssyncset.done $0x0  }
0x99: {  	[sflag:s14] =	ssyncadd.s32 $0xFFFFE900  }
0x9a: {  	_ =	swait.ge [sflag:s14], $0x1700  }
0x9b: {  	[sflag:s14] =	ssyncset.done $0x0  }
0x9c: {  	[sflag:s14] =	ssyncadd.s32 $0xFFFFE900  }
0x9d: {  	_ =	swait.ge [sflag:s14], $0x1700  }
0x9e: {  	[sflag:s14] =	ssyncset.done $0x0  }
0x9f: {  	[sflag:s14] =	ssyncadd.s32 $0xFFFFE900  }
0xa0: {  	_ =	swait.ge [sflag:s14], $0x1700  }
0xa1: {  	[sflag:s14] =	ssyncset.done $0x0  }
0xa2: {  	[sflag:s14] =	ssyncadd.s32 $0xFFFFE900  }
0xa3: {  	_ =	swait.ge [sflag:s14], $0x1700  }
0xa4: {  	[sflag:s14] =	ssyncset.done $0x0  }
0xa5: {  	[sflag:s14] =	ssyncadd.s32 $0xFFFFE900  }
0xa6: {  	_ =	swait.ge [sflag:s14], $0x1700  }
0xa7: {  	[sflag:s14] =	ssyncset.done $0x0  }
0xa8: {  	[sflag:s14] =	ssyncadd.s32 $0xFFFFE900  }
0xa9: {  	_ =	swait.ge [sflag:s14], $0x1700  }
0xaa: {  	[sflag:s14] =	ssyncset.done $0x0  }
0xab: {  	[sflag:s14] =	ssyncadd.s32 $0xFFFFE900  }
0xac: {  	_ =	swait.ge [sflag:s14], $0x1700  }
0xad: {  	[sflag:s14] =	ssyncset.done $0x0  }
0xae: {  	[sflag:s14] =	ssyncadd.s32 $0xFFFFE900  }
0xaf: {  	_ =	swait.ge [sflag:s15], $0x3000  }
0xb0: {  	[sflag:s15] =	ssyncset.done $0x0  }
0xb1: {  	[sflag:s15] =	ssyncadd.s32 $0xFFFFD000  }
0xb2: {  	_ =	swait.ge [sflag:s16], $0x3400  }
0xb3: {  	[sflag:s16] =	ssyncset.done $0x0  }
0xb4: {  	s29 =	simm.s32 $0x0;
	s28 =	simm.s32 $0x18900;
	[sflag:s16] =	ssyncadd.s32 $0xFFFFCC00  }
.LBB2_2:
0xb5: {  	v0 =	vmov s28;
	_ =	sdelay $0x3  }
0xb6: {  	s23 =	simm.s32 $0x0  }
0xb7: {  	v1 =	vld.idx.msk [tilespmem:v0+s23+$0xFFFFFE00 ss:$0x1], $0xffff  }
0xb8: {  	v2 =	vld.idx.msk [tilespmem:v0+s23+$0xFFFFFE80 ss:$0x1], $0xffff;
	_ =	sdelay $0x1  }
0xb9: {  	v3 =	vld.idx.msk [tilespmem:v0+s23+$0xFFFFFF00 ss:$0x1], $0xffff;
	_ =	sdelay $0x1  }
0xba: {  	v7 =	vld.idx.msk [tilespmem:v0+s23+$0xFFFFFF80 ss:$0x1], $0xffff  }
0xbb: {  	v5 =	vld.idx.msk [tilespmem:v0+s23+$0x0 ss:$0x1], $0xffff  }
0xbc: {  	v4 =	vld.idx.msk [tilespmem:v0+s23+$0x80 ss:$0x1], $0xffff  }
0xbd: {  	v9 =	vld.idx.msk [tilespmem:v1+s22+$0x0], $0xffff  }
0xbe: {  	v8 =	vld.idx.msk [tilespmem:v2+s22+$0x0], $0xffff  }
0xbf: {  	v2 =	vld.idx.msk [tilespmem:v0+s23+$0x100 ss:$0x1], $0xffff  }
0xc0: {  	v6 =	vld.idx.msk [tilespmem:v3+s22+$0x0], $0xffff  }
0xc1: {  	v1 =	vld.idx.msk [tilespmem:v0+s23+$0x180 ss:$0x1], $0xffff  }
0xc2: {  	v11 =	vimm.f32 $0.0e+00;
	s31 =	simm.s32 $0x400;
	v7 =	vld.idx.msk [tilespmem:v7+s22+$0x0], $0xffff;
	v10 =	vshll.u32 v9, $0x10;
	v9 =	vand.u32 $0xFFFF0000, v9  }
0xc3: {  	s30 =	sshll.u32 s29, $0x4;
	v3 =	vld.idx.msk [tilespmem:v0+s31+$0xFFFFFE00 ss:$0x1], $0xffff;
	s23 =	simm.s32 $0x2000;
	v10 =	vadd.f32 v10, v11;
	v9 =	vadd.f32 v9, v11  }
.LBB2_3:
0xc4: {  	p0 =	sne.s32 s23, $0xB000;
	v11 =	vshll.u32 v8, $0x10;
	v8 =	vand.u32 $0xFFFF0000, v8;
	v5 =	vld.idx.msk [tilespmem:v5+s22+$0x0], $0xffff  }
0xc5: {  	v12 =	vld.idx.msk [tilespmem:v0+s31+$0xFFFFFE80 ss:$0x1], $0xffff;
	v10 =	vadd.f32 v11, v10;
	v8 =	vadd.f32 v8, v9  }
0xc6: {  	v9 =	vshll.u32 v6, $0x10;
	v6 =	vand.u32 $0xFFFF0000, v6;
	v4 =	vld.idx.msk [tilespmem:v4+s22+$0x0], $0xffff  }
0xc7: {  	v11 =	vld.idx.msk [tilespmem:v0+s31+$0xFFFFFF00 ss:$0x1], $0xffff;
	v9 =	vadd.f32 v9, v10;
	v6 =	vadd.f32 v6, v8  }
0xc8: {  	v8 =	vshll.u32 v7, $0x10;
	v7 =	vand.u32 $0xFFFF0000, v7;
	v2 =	vld.idx.msk [tilespmem:v2+s22+$0x0], $0xffff  }
0xc9: {  	v10 =	vld.idx.msk [tilespmem:v0+s31+$0xFFFFFF80 ss:$0x1], $0xffff;
	v8 =	vadd.f32 v8, v9;
	v6 =	vadd.f32 v7, v6  }
0xca: {  	v7 =	vshll.u32 v5, $0x10;
	v9 =	vand.u32 $0xFFFF0000, v5;
	v1 =	vld.idx.msk [tilespmem:v1+s22+$0x0], $0xffff  }
0xcb: {  	v5 =	vld.idx.msk [tilespmem:v0+s31+$0x0 ss:$0x1], $0xffff;
	v7 =	vadd.f32 v7, v8;
	v6 =	vadd.f32 v9, v6  }
0xcc: {  	v8 =	vshll.u32 v4, $0x10;
	v9 =	vand.u32 $0xFFFF0000, v4;
	v3 =	vld.idx.msk [tilespmem:v3+s22+$0x0], $0xffff  }
0xcd: {  	v4 =	vld.idx.msk [tilespmem:v0+s31+$0x80 ss:$0x1], $0xffff;
	v7 =	vadd.f32 v8, v7;
	v6 =	vadd.f32 v9, v6  }
0xce: {  	v9 =	vshll.u32 v2, $0x10;
	v8 =	vld.idx.msk [tilespmem:v12+s22+$0x0], $0xffff;
	v12 =	vand.u32 $0xFFFF0000, v2  }
.Ltmp0:
0xcf: {  	v2 =	vld.idx.msk [tilespmem:v0+s31+$0x100 ss:$0x1], $0xffff;
	v7 =	vadd.f32 v9, v7;
	v9 =	vadd.f32 v12, v6;
	(pc) =	sbr.rel @p0 .LBB2_3-.Ltmp0, $4  }
0xd0: {  	v12 =	vand.u32 $0xFFFF0000, v1;
	v6 =	vld.idx.msk [tilespmem:v11+s22+$0x0], $0xffff;
	v11 =	vshll.u32 v1, $0x10  }
0xd1: {  	v1 =	vld.idx.msk [tilespmem:v0+s31+$0x180 ss:$0x1], $0xffff;
	v11 =	vadd.f32 v11, v7;
	v9 =	vadd.f32 v12, v9  }
0xd2: {  	s31 =	sshra.s32 s23, $0x2;
	v12 =	vshll.u32 v3, $0x10;
	v13 =	vand.u32 $0xFFFF0000, v3;
	v7 =	vld.idx.msk [tilespmem:v10+s22+$0x0], $0xffff  }
0xd3: {  	s23 =	sadd.s32 $0x1000, s23;
	v3 =	vld.idx.msk [tilespmem:v0+s31+$0xFFFFFE00 ss:$0x1], $0xffff;
	v10 =	vadd.f32 v12, v11;
	v9 =	vadd.f32 v13, v9  }
0xd4: {  	_ =	sdelay $0x2  }
0xd5: {  	v11 =	vshll.u32 v8, $0x10  }
0xd6: {  	v32 =	vand.u32 $0xFFFF0000, v8;
	v5 =	vld.idx.msk [tilespmem:v5+s22+$0x0], $0xffff;
	v10 =	vadd.f32 v11, v10  }
0xd7: {  	v33 =	vld.idx.msk [tilespmem:v0+s31+$0xFFFFFE80 ss:$0x1], $0xffff;
	v8 =	vadd.f32 v32, v9;
	v34 =	vshll.u32 v6, $0x10  }
0xd8: {  	v4 =	vld.idx.msk [tilespmem:v4+s22+$0x0], $0xffff;
	v35 =	vand.u32 $0xFFFF0000, v6;
	v9 =	vadd.f32 v34, v10  }
0xd9: {  	v36 =	vld.idx.msk [tilespmem:v0+s31+$0xFFFFFF00 ss:$0x1], $0xffff;
	v6 =	vadd.f32 v35, v8;
	v37 =	vshll.u32 v7, $0x10  }
0xda: {  	v2 =	vld.idx.msk [tilespmem:v2+s22+$0x0], $0xffff;
	v38 =	vand.u32 $0xFFFF0000, v7;
	v8 =	vadd.f32 v37, v9  }
0xdb: {  	v39 =	vld.idx.msk [tilespmem:v0+s31+$0xFFFFFF80 ss:$0x1], $0xffff;
	v6 =	vadd.f32 v38, v6;
	v40 =	vshll.u32 v5, $0x10  }
0xdc: {  	v1 =	vld.idx.msk [tilespmem:v1+s22+$0x0], $0xffff;
	v5 =	vand.u32 $0xFFFF0000, v5;
	v7 =	vadd.f32 v40, v8  }
0xdd: {  	v41 =	vld.idx.msk [tilespmem:v0+s31+$0x0 ss:$0x1], $0xffff;
	v42 =	vshll.u32 v4, $0x10;
	v5 =	vadd.f32 v5, v6  }
0xde: {  	v3 =	vld.idx.msk [tilespmem:v3+s22+$0x0], $0xffff;
	v4 =	vand.u32 $0xFFFF0000, v4;
	v6 =	vadd.f32 v42, v7  }
0xdf: {  	v43 =	vld.idx.msk [tilespmem:v0+s31+$0x80 ss:$0x1], $0xffff;
	v44 =	vshll.u32 v2, $0x10;
	v4 =	vadd.f32 v4, v5  }
0xe0: {  	v2 =	vand.u32 $0xFFFF0000, v2;
	v11 =	vld.idx.msk [tilespmem:v33+s22+$0x0], $0xffff;
	v5 =	vadd.f32 v44, v6  }
0xe1: {  	v45 =	vld.idx.msk [tilespmem:v0+s31+$0x100 ss:$0x1], $0xffff;
	v46 =	vshll.u32 v1, $0x10;
	v2 =	vadd.f32 v2, v4  }
0xe2: {  	v1 =	vand.u32 $0xFFFF0000, v1;
	v10 =	vld.idx.msk [tilespmem:v36+s22+$0x0], $0xffff;
	v4 =	vadd.f32 v46, v5  }
0xe3: {  	v47 =	vld.idx.msk [tilespmem:v0+s31+$0x180 ss:$0x1], $0xffff;
	v48 =	vshll.u32 v3, $0x10;
	v1 =	vadd.f32 v1, v2  }
0xe4: {  	v49 =	vld.idx.msk [tilespmem:v39+s22+$0x0], $0xffff;
	v3 =	vand.u32 $0xFFFF0000, v3;
	v2 =	vadd.f32 v48, v4  }
0xe5: {  	v50 =	vshll.u32 v11, $0x10;
	v1 =	vadd.f32 v3, v1  }
0xe6: {  	v8 =	vld.idx.msk [tilespmem:v41+s22+$0x0], $0xffff;
	v51 =	vand.u32 $0xFFFF0000, v11;
	v2 =	vadd.f32 v50, v2  }
0xe7: {  	v52 =	vshll.u32 v10, $0x10;
	v1 =	vadd.f32 v51, v1  }
0xe8: {  	v7 =	vld.idx.msk [tilespmem:v43+s22+$0x0], $0xffff;
	v53 =	vand.u32 $0xFFFF0000, v10;
	v2 =	vadd.f32 v52, v2  }
0xe9: {  	v54 =	vshll.u32 v49, $0x10;
	v1 =	vadd.f32 v53, v1  }
0xea: {  	v56 =	vld.idx.msk [tilespmem:v45+s22+$0x0], $0xffff;
	v55 =	vand.u32 $0xFFFF0000, v49;
	v2 =	vadd.f32 v54, v2  }
0xeb: {  	v57 =	vshll.u32 v8, $0x10;
	v1 =	vadd.f32 v55, v1  }
0xec: {  	v0 =	vld.idx.msk [tilespmem:v47+s22+$0x0], $0xffff;
	v58 =	vand.u32 $0xFFFF0000, v8;
	v2 =	vadd.f32 v57, v2  }
0xed: {  	v59 =	vshll.u32 v7, $0x10;
	v1 =	vadd.f32 v58, v1  }
0xee: {  	v60 =	vand.u32 $0xFFFF0000, v7;
	v2 =	vadd.f32 v59, v2  }
0xef: {  	s29 =	sadd.s32 $0x1, s29;
	v61 =	vshll.u32 v56, $0x10;
	v1 =	vadd.f32 v60, v1  }
0xf0: {  	p0 =	sne.s32 s29, $0x8;
	v62 =	vand.u32 $0xFFFF0000, v56;
	v2 =	vadd.f32 v61, v2  }
.Ltmp1:
0xf1: {  	v63 =	vshll.u32 v0, $0x10;
	v1 =	vadd.f32 v62, v1;
	(pc) =	sbr.rel @p0 .LBB2_2-.Ltmp1, $4  }
0xf2: {  	v0 =	vand.u32 $0xFFFF0000, v0;
	v2 =	vadd.f32 v63, v2  }
0xf3: {  	v0 =	vadd.f32 v0, v1  }
0xf4: {  	[tilespmem:s30+$0x1EB00] =	vst v2  }
0xf5: {  	s28 =	sadd.s32 $0x10, s28;
	[tilespmem:s30+$0x1EC00] =	vst v0  }
0xf6: {  	s23 =	rddreg [dreg:$0x17];
	s28 =	simm.s32 $0x0;
	s29 =	simm.s32 $0x1B900  }
0xf7: {  	[tilespmem:s24], [sflag:$0x2] =	stream.strided.gather [hbm4b:s23+s20], $0x3000, s21, s20, $0x38;
	[tilespmem:$0x1ED00] =	vst v63  }
.LBB2_6:
0xf8: {  	v0 =	vmov s29;
	_ =	sdelay $0x3  }
0xf9: {  	s23 =	simm.s32 $0x0  }
0xfa: {  	s30 =	sshll.u32 s28, $0x4;
	v1 =	vld.idx.msk [tilespmem:v0+s23+$0xFFFFFE00 ss:$0x1], $0xffff  }
0xfb: {  	v9 =	vld [tilespmem:s30+$0x1EB00]  }
0xfc: {  	v2 =	vld.idx.msk [tilespmem:v0+s23+$0xFFFFFE80 ss:$0x1], $0xffff  }
0xfd: {  	v6 =	vld.idx.msk [tilespmem:v0+s23+$0xFFFFFF00 ss:$0x1], $0xffff  }
0xfe: {  	v11 =	vld [tilespmem:s30+$0x1EC00]  }
0xff: {  	v7 =	vld.idx.msk [tilespmem:v0+s23+$0xFFFFFF80 ss:$0x1], $0xffff  }
0x100: {  	v5 =	vld.idx.msk [tilespmem:v0+s23+$0x0 ss:$0x1], $0xffff  }
0x101: {  	v4 =	vld.idx.msk [tilespmem:v0+s23+$0x80 ss:$0x1], $0xffff  }
0x102: {  	v10 =	vld.idx.msk [tilespmem:v1+s22+$0x0], $0xffff  }
0x103: {  	v3 =	vld.idx.msk [tilespmem:v0+s23+$0x100 ss:$0x1], $0xffff  }
0x104: {  	v8 =	vld.idx.msk [tilespmem:v2+s22+$0x0], $0xffff  }
0x105: {  	v6 =	vld.idx.msk [tilespmem:v6+s22+$0x0], $0xffff  }
0x106: {  	v1 =	vld.idx.msk [tilespmem:v0+s23+$0x180 ss:$0x1], $0xffff  }
0x107: {  	s31 =	simm.s32 $0x400;
	v7 =	vld.idx.msk [tilespmem:v7+s22+$0x0], $0xffff;
	v12 =	vshll.u32 v10, $0x10;
	v13 =	vand.u32 $0xFFFF0000, v10  }
0x108: {  	v2 =	vld.idx.msk [tilespmem:v0+s31+$0xFFFFFE00 ss:$0x1], $0xffff;
	s23 =	simm.s32 $0x2000;
	v10 =	vadd.f32 v12, v9;
	v9 =	vadd.f32 v13, v11  }
.LBB2_7:
0x109: {  	p0 =	sne.s32 s23, $0xC000;
	v11 =	vshll.u32 v8, $0x10;
	v8 =	vand.u32 $0xFFFF0000, v8;
	v5 =	vld.idx.msk [tilespmem:v5+s22+$0x0], $0xffff  }
0x10a: {  	v12 =	vld.idx.msk [tilespmem:v0+s31+$0xFFFFFE80 ss:$0x1], $0xffff;
	v10 =	vadd.f32 v11, v10;
	v8 =	vadd.f32 v8, v9  }
0x10b: {  	v9 =	vshll.u32 v6, $0x10;
	v6 =	vand.u32 $0xFFFF0000, v6;
	v4 =	vld.idx.msk [tilespmem:v4+s22+$0x0], $0xffff  }
0x10c: {  	v11 =	vld.idx.msk [tilespmem:v0+s31+$0xFFFFFF00 ss:$0x1], $0xffff;
	v9 =	vadd.f32 v9, v10;
	v6 =	vadd.f32 v6, v8  }
0x10d: {  	v8 =	vshll.u32 v7, $0x10;
	v7 =	vand.u32 $0xFFFF0000, v7;
	v3 =	vld.idx.msk [tilespmem:v3+s22+$0x0], $0xffff  }
0x10e: {  	v10 =	vld.idx.msk [tilespmem:v0+s31+$0xFFFFFF80 ss:$0x1], $0xffff;
	v8 =	vadd.f32 v8, v9;
	v6 =	vadd.f32 v7, v6  }
0x10f: {  	v7 =	vshll.u32 v5, $0x10;
	v9 =	vand.u32 $0xFFFF0000, v5;
	v1 =	vld.idx.msk [tilespmem:v1+s22+$0x0], $0xffff  }
0x110: {  	v5 =	vld.idx.msk [tilespmem:v0+s31+$0x0 ss:$0x1], $0xffff;
	v7 =	vadd.f32 v7, v8;
	v6 =	vadd.f32 v9, v6  }
0x111: {  	v8 =	vshll.u32 v4, $0x10;
	v9 =	vand.u32 $0xFFFF0000, v4;
	v2 =	vld.idx.msk [tilespmem:v2+s22+$0x0], $0xffff  }
0x112: {  	v4 =	vld.idx.msk [tilespmem:v0+s31+$0x80 ss:$0x1], $0xffff;
	v7 =	vadd.f32 v8, v7;
	v6 =	vadd.f32 v9, v6  }
0x113: {  	v9 =	vshll.u32 v3, $0x10;
	v8 =	vld.idx.msk [tilespmem:v12+s22+$0x0], $0xffff;
	v12 =	vand.u32 $0xFFFF0000, v3  }
.Ltmp2:
0x114: {  	v3 =	vld.idx.msk [tilespmem:v0+s31+$0x100 ss:$0x1], $0xffff;
	v7 =	vadd.f32 v9, v7;
	v9 =	vadd.f32 v12, v6;
	(pc) =	sbr.rel @p0 .LBB2_7-.Ltmp2, $4  }
0x115: {  	v12 =	vand.u32 $0xFFFF0000, v1;
	v6 =	vld.idx.msk [tilespmem:v11+s22+$0x0], $0xffff;
	v11 =	vshll.u32 v1, $0x10  }
0x116: {  	v1 =	vld.idx.msk [tilespmem:v0+s31+$0x180 ss:$0x1], $0xffff;
	v11 =	vadd.f32 v11, v7;
	v9 =	vadd.f32 v12, v9  }
0x117: {  	s31 =	sshra.s32 s23, $0x2;
	v12 =	vshll.u32 v2, $0x10;
	v13 =	vand.u32 $0xFFFF0000, v2;
	v7 =	vld.idx.msk [tilespmem:v10+s22+$0x0], $0xffff  }
0x118: {  	s23 =	sadd.s32 $0x1000, s23;
	v2 =	vld.idx.msk [tilespmem:v0+s31+$0xFFFFFE00 ss:$0x1], $0xffff;
	v10 =	vadd.f32 v12, v11;
	v9 =	vadd.f32 v13, v9  }
0x119: {  	_ =	sdelay $0x2  }
0x11a: {  	v11 =	vshll.u32 v8, $0x10  }
0x11b: {  	v32 =	vand.u32 $0xFFFF0000, v8;
	v5 =	vld.idx.msk [tilespmem:v5+s22+$0x0], $0xffff;
	v10 =	vadd.f32 v11, v10  }
0x11c: {  	v33 =	vld.idx.msk [tilespmem:v0+s31+$0xFFFFFE80 ss:$0x1], $0xffff;
	v8 =	vadd.f32 v32, v9;
	v34 =	vshll.u32 v6, $0x10  }
0x11d: {  	v4 =	vld.idx.msk [tilespmem:v4+s22+$0x0], $0xffff;
	v35 =	vand.u32 $0xFFFF0000, v6;
	v9 =	vadd.f32 v34, v10  }
0x11e: {  	v36 =	vld.idx.msk [tilespmem:v0+s31+$0xFFFFFF00 ss:$0x1], $0xffff;
	v6 =	vadd.f32 v35, v8;
	v37 =	vshll.u32 v7, $0x10  }
0x11f: {  	v3 =	vld.idx.msk [tilespmem:v3+s22+$0x0], $0xffff;
	v38 =	vand.u32 $0xFFFF0000, v7;
	v8 =	vadd.f32 v37, v9  }
0x120: {  	v39 =	vld.idx.msk [tilespmem:v0+s31+$0xFFFFFF80 ss:$0x1], $0xffff;
	v6 =	vadd.f32 v38, v6;
	v40 =	vshll.u32 v5, $0x10  }
0x121: {  	v1 =	vld.idx.msk [tilespmem:v1+s22+$0x0], $0xffff;
	v5 =	vand.u32 $0xFFFF0000, v5;
	v7 =	vadd.f32 v40, v8  }
0x122: {  	v41 =	vld.idx.msk [tilespmem:v0+s31+$0x0 ss:$0x1], $0xffff;
	v42 =	vshll.u32 v4, $0x10;
	v5 =	vadd.f32 v5, v6  }
0x123: {  	v2 =	vld.idx.msk [tilespmem:v2+s22+$0x0], $0xffff;
	v4 =	vand.u32 $0xFFFF0000, v4;
	v6 =	vadd.f32 v42, v7  }
0x124: {  	v43 =	vld.idx.msk [tilespmem:v0+s31+$0x80 ss:$0x1], $0xffff;
	v44 =	vshll.u32 v3, $0x10;
	v4 =	vadd.f32 v4, v5  }
0x125: {  	v3 =	vand.u32 $0xFFFF0000, v3;
	v11 =	vld.idx.msk [tilespmem:v33+s22+$0x0], $0xffff;
	v5 =	vadd.f32 v44, v6  }
0x126: {  	v45 =	vld.idx.msk [tilespmem:v0+s31+$0x100 ss:$0x1], $0xffff;
	v46 =	vshll.u32 v1, $0x10;
	v3 =	vadd.f32 v3, v4  }
0x127: {  	v1 =	vand.u32 $0xFFFF0000, v1;
	v10 =	vld.idx.msk [tilespmem:v36+s22+$0x0], $0xffff;
	v4 =	vadd.f32 v46, v5  }
0x128: {  	v47 =	vld.idx.msk [tilespmem:v0+s31+$0x180 ss:$0x1], $0xffff;
	v48 =	vshll.u32 v2, $0x10;
	v1 =	vadd.f32 v1, v3  }
0x129: {  	v49 =	vld.idx.msk [tilespmem:v39+s22+$0x0], $0xffff;
	v2 =	vand.u32 $0xFFFF0000, v2;
	v3 =	vadd.f32 v48, v4  }
0x12a: {  	v50 =	vshll.u32 v11, $0x10;
	v1 =	vadd.f32 v2, v1  }
0x12b: {  	v8 =	vld.idx.msk [tilespmem:v41+s22+$0x0], $0xffff;
	v51 =	vand.u32 $0xFFFF0000, v11;
	v2 =	vadd.f32 v50, v3  }
0x12c: {  	v52 =	vshll.u32 v10, $0x10;
	v1 =	vadd.f32 v51, v1  }
0x12d: {  	v7 =	vld.idx.msk [tilespmem:v43+s22+$0x0], $0xffff;
	v53 =	vand.u32 $0xFFFF0000, v10;
	v2 =	vadd.f32 v52, v2  }
0x12e: {  	v54 =	vshll.u32 v49, $0x10;
	v1 =	vadd.f32 v53, v1  }
0x12f: {  	v56 =	vld.idx.msk [tilespmem:v45+s22+$0x0], $0xffff;
	v55 =	vand.u32 $0xFFFF0000, v49;
	v2 =	vadd.f32 v54, v2  }
0x130: {  	v57 =	vshll.u32 v8, $0x10;
	v1 =	vadd.f32 v55, v1  }
0x131: {  	v0 =	vld.idx.msk [tilespmem:v47+s22+$0x0], $0xffff;
	v58 =	vand.u32 $0xFFFF0000, v8;
	v2 =	vadd.f32 v57, v2  }
0x132: {  	v59 =	vshll.u32 v7, $0x10;
	v1 =	vadd.f32 v58, v1  }
0x133: {  	v60 =	vand.u32 $0xFFFF0000, v7;
	v2 =	vadd.f32 v59, v2  }
0x134: {  	s28 =	sadd.s32 $0x1, s28;
	v61 =	vshll.u32 v56, $0x10;
	v1 =	vadd.f32 v60, v1  }
0x135: {  	p0 =	sne.s32 s28, $0x8;
	v62 =	vand.u32 $0xFFFF0000, v56;
	v2 =	vadd.f32 v61, v2  }
.Ltmp3:
0x136: {  	v63 =	vshll.u32 v0, $0x10;
	v1 =	vadd.f32 v62, v1;
	(pc) =	sbr.rel @p0 .LBB2_6-.Ltmp3, $4  }
0x137: {  	v0 =	vand.u32 $0xFFFF0000, v0;
	v2 =	vadd.f32 v63, v2  }
0x138: {  	v0 =	vadd.f32 v0, v1  }
0x139: {  	[tilespmem:s30+$0x1EB00] =	vst v2  }
0x13a: {  	s29 =	sadd.s32 $0x10, s29;
	[tilespmem:s30+$0x1EC00] =	vst v0  }
0x13b: {  	s23 =	rddreg [dreg:$0x18]  }
0x13c: {  	[tilespmem:s25], [sflag:$0x3] =	stream.strided.gather [hbm4b:s23+s20], $0x3400, s21, s20, $0x38;
	[tilespmem:$0x1ED00] =	vst v63  }
0x13d: {  	s28 =	simm.s32 $0x0;
	s30 =	rddreg [dreg:$0x19];
	s29 =	simm.s32 $0x1EB00  }
0x13e: {  	[hbm4b:s30+s28] =	stream.linear.scatter [tilespmem:s29], [sflag:$0x4], $0x80, $0x38;
	[tilespmem:$0x1ED00] =	vst v63  }
0x13f: {  	s31 =	rddreg [dreg:$0x1a];
	s29 =	simm.s32 $0x1EC00  }
0x140: {  	[hbm4b:s31+s28] =	stream.linear.scatter [tilespmem:s29], [sflag:$0x4], $0x80, $0x38;
	[tilespmem:$0x1ED00] =	vst v63  }
0x141: {  	_ =	swait.ge [sflag:s15], $0x3000  }
0x142: {  	[sflag:s15] =	ssyncset.done $0x0  }
0x143: {  	[sflag:s15] =	ssyncadd.s32 $0xFFFFD000  }
0x144: {  	_ =	swait.ge [sflag:s16], $0x3400  }
0x145: {  	[sflag:s16] =	ssyncset.done $0x0  }
0x146: {  	s29 =	simm.s32 $0x18900;
	[sflag:s16] =	ssyncadd.s32 $0xFFFFCC00  }
.LBB2_10:
0x147: {  	v0 =	vmov s29;
	_ =	sdelay $0x3  }
0x148: {  	s23 =	simm.s32 $0x0  }
0x149: {  	v1 =	vld.idx.msk [tilespmem:v0+s23+$0xFFFFFE00 ss:$0x1], $0xffff  }
0x14a: {  	v2 =	vld.idx.msk [tilespmem:v0+s23+$0xFFFFFE80 ss:$0x1], $0xffff;
	_ =	sdelay $0x1  }
0x14b: {  	v3 =	vld.idx.msk [tilespmem:v0+s23+$0xFFFFFF00 ss:$0x1], $0xffff;
	_ =	sdelay $0x1  }
0x14c: {  	v7 =	vld.idx.msk [tilespmem:v0+s23+$0xFFFFFF80 ss:$0x1], $0xffff  }
0x14d: {  	v5 =	vld.idx.msk [tilespmem:v0+s23+$0x0 ss:$0x1], $0xffff  }
0x14e: {  	v4 =	vld.idx.msk [tilespmem:v0+s23+$0x80 ss:$0x1], $0xffff  }
0x14f: {  	v9 =	vld.idx.msk [tilespmem:v1+s22+$0x0], $0xffff  }
0x150: {  	v8 =	vld.idx.msk [tilespmem:v2+s22+$0x0], $0xffff  }
0x151: {  	v2 =	vld.idx.msk [tilespmem:v0+s23+$0x100 ss:$0x1], $0xffff  }
0x152: {  	v6 =	vld.idx.msk [tilespmem:v3+s22+$0x0], $0xffff  }
0x153: {  	v1 =	vld.idx.msk [tilespmem:v0+s23+$0x180 ss:$0x1], $0xffff  }
0x154: {  	v11 =	vimm.f32 $0.0e+00;
	s31 =	simm.s32 $0x400;
	v7 =	vld.idx.msk [tilespmem:v7+s22+$0x0], $0xffff;
	v10 =	vshll.u32 v9, $0x10;
	v9 =	vand.u32 $0xFFFF0000, v9  }
0x155: {  	s30 =	sshll.u32 s28, $0x4;
	v3 =	vld.idx.msk [tilespmem:v0+s31+$0xFFFFFE00 ss:$0x1], $0xffff;
	s23 =	simm.s32 $0x2000;
	v10 =	vadd.f32 v10, v11;
	v9 =	vadd.f32 v9, v11  }
.LBB2_11:
0x156: {  	p0 =	sne.s32 s23, $0xB000;
	v11 =	vshll.u32 v8, $0x10;
	v8 =	vand.u32 $0xFFFF0000, v8;
	v5 =	vld.idx.msk [tilespmem:v5+s22+$0x0], $0xffff  }
0x157: {  	v12 =	vld.idx.msk [tilespmem:v0+s31+$0xFFFFFE80 ss:$0x1], $0xffff;
	v10 =	vadd.f32 v11, v10;
	v8 =	vadd.f32 v8, v9  }
0x158: {  	v9 =	vshll.u32 v6, $0x10;
	v6 =	vand.u32 $0xFFFF0000, v6;
	v4 =	vld.idx.msk [tilespmem:v4+s22+$0x0], $0xffff  }
0x159: {  	v11 =	vld.idx.msk [tilespmem:v0+s31+$0xFFFFFF00 ss:$0x1], $0xffff;
	v9 =	vadd.f32 v9, v10;
	v6 =	vadd.f32 v6, v8  }
0x15a: {  	v8 =	vshll.u32 v7, $0x10;
	v7 =	vand.u32 $0xFFFF0000, v7;
	v2 =	vld.idx.msk [tilespmem:v2+s22+$0x0], $0xffff  }
0x15b: {  	v10 =	vld.idx.msk [tilespmem:v0+s31+$0xFFFFFF80 ss:$0x1], $0xffff;
	v8 =	vadd.f32 v8, v9;
	v6 =	vadd.f32 v7, v6  }
0x15c: {  	v7 =	vshll.u32 v5, $0x10;
	v9 =	vand.u32 $0xFFFF0000, v5;
	v1 =	vld.idx.msk [tilespmem:v1+s22+$0x0], $0xffff  }
0x15d: {  	v5 =	vld.idx.msk [tilespmem:v0+s31+$0x0 ss:$0x1], $0xffff;
	v7 =	vadd.f32 v7, v8;
	v6 =	vadd.f32 v9, v6  }
0x15e: {  	v8 =	vshll.u32 v4, $0x10;
	v9 =	vand.u32 $0xFFFF0000, v4;
	v3 =	vld.idx.msk [tilespmem:v3+s22+$0x0], $0xffff  }
0x15f: {  	v4 =	vld.idx.msk [tilespmem:v0+s31+$0x80 ss:$0x1], $0xffff;
	v7 =	vadd.f32 v8, v7;
	v6 =	vadd.f32 v9, v6  }
0x160: {  	v9 =	vshll.u32 v2, $0x10;
	v8 =	vld.idx.msk [tilespmem:v12+s22+$0x0], $0xffff;
	v12 =	vand.u32 $0xFFFF0000, v2  }
.Ltmp4:
0x161: {  	v2 =	vld.idx.msk [tilespmem:v0+s31+$0x100 ss:$0x1], $0xffff;
	v7 =	vadd.f32 v9, v7;
	v9 =	vadd.f32 v12, v6;
	(pc) =	sbr.rel @p0 .LBB2_11-.Ltmp4, $4  }
0x162: {  	v12 =	vand.u32 $0xFFFF0000, v1;
	v6 =	vld.idx.msk [tilespmem:v11+s22+$0x0], $0xffff;
	v11 =	vshll.u32 v1, $0x10  }
0x163: {  	v1 =	vld.idx.msk [tilespmem:v0+s31+$0x180 ss:$0x1], $0xffff;
	v11 =	vadd.f32 v11, v7;
	v9 =	vadd.f32 v12, v9  }
0x164: {  	s31 =	sshra.s32 s23, $0x2;
	v12 =	vshll.u32 v3, $0x10;
	v13 =	vand.u32 $0xFFFF0000, v3;
	v7 =	vld.idx.msk [tilespmem:v10+s22+$0x0], $0xffff  }
0x165: {  	s23 =	sadd.s32 $0x1000, s23;
	v3 =	vld.idx.msk [tilespmem:v0+s31+$0xFFFFFE00 ss:$0x1], $0xffff;
	v10 =	vadd.f32 v12, v11;
	v9 =	vadd.f32 v13, v9  }
0x166: {  	_ =	sdelay $0x2  }
0x167: {  	v11 =	vshll.u32 v8, $0x10  }
0x168: {  	v32 =	vand.u32 $0xFFFF0000, v8;
	v5 =	vld.idx.msk [tilespmem:v5+s22+$0x0], $0xffff;
	v10 =	vadd.f32 v11, v10  }
0x169: {  	v33 =	vld.idx.msk [tilespmem:v0+s31+$0xFFFFFE80 ss:$0x1], $0xffff;
	v8 =	vadd.f32 v32, v9;
	v34 =	vshll.u32 v6, $0x10  }
0x16a: {  	v4 =	vld.idx.msk [tilespmem:v4+s22+$0x0], $0xffff;
	v35 =	vand.u32 $0xFFFF0000, v6;
	v9 =	vadd.f32 v34, v10  }
0x16b: {  	v36 =	vld.idx.msk [tilespmem:v0+s31+$0xFFFFFF00 ss:$0x1], $0xffff;
	v6 =	vadd.f32 v35, v8;
	v37 =	vshll.u32 v7, $0x10  }
0x16c: {  	v2 =	vld.idx.msk [tilespmem:v2+s22+$0x0], $0xffff;
	v38 =	vand.u32 $0xFFFF0000, v7;
	v8 =	vadd.f32 v37, v9  }
0x16d: {  	v39 =	vld.idx.msk [tilespmem:v0+s31+$0xFFFFFF80 ss:$0x1], $0xffff;
	v6 =	vadd.f32 v38, v6;
	v40 =	vshll.u32 v5, $0x10  }
0x16e: {  	v1 =	vld.idx.msk [tilespmem:v1+s22+$0x0], $0xffff;
	v5 =	vand.u32 $0xFFFF0000, v5;
	v7 =	vadd.f32 v40, v8  }
0x16f: {  	v41 =	vld.idx.msk [tilespmem:v0+s31+$0x0 ss:$0x1], $0xffff;
	v42 =	vshll.u32 v4, $0x10;
	v5 =	vadd.f32 v5, v6  }
0x170: {  	v3 =	vld.idx.msk [tilespmem:v3+s22+$0x0], $0xffff;
	v4 =	vand.u32 $0xFFFF0000, v4;
	v6 =	vadd.f32 v42, v7  }
0x171: {  	v43 =	vld.idx.msk [tilespmem:v0+s31+$0x80 ss:$0x1], $0xffff;
	v44 =	vshll.u32 v2, $0x10;
	v4 =	vadd.f32 v4, v5  }
0x172: {  	v2 =	vand.u32 $0xFFFF0000, v2;
	v11 =	vld.idx.msk [tilespmem:v33+s22+$0x0], $0xffff;
	v5 =	vadd.f32 v44, v6  }
0x173: {  	v45 =	vld.idx.msk [tilespmem:v0+s31+$0x100 ss:$0x1], $0xffff;
	v46 =	vshll.u32 v1, $0x10;
	v2 =	vadd.f32 v2, v4  }
0x174: {  	v1 =	vand.u32 $0xFFFF0000, v1;
	v10 =	vld.idx.msk [tilespmem:v36+s22+$0x0], $0xffff;
	v4 =	vadd.f32 v46, v5  }
0x175: {  	v47 =	vld.idx.msk [tilespmem:v0+s31+$0x180 ss:$0x1], $0xffff;
	v48 =	vshll.u32 v3, $0x10;
	v1 =	vadd.f32 v1, v2  }
0x176: {  	v49 =	vld.idx.msk [tilespmem:v39+s22+$0x0], $0xffff;
	v3 =	vand.u32 $0xFFFF0000, v3;
	v2 =	vadd.f32 v48, v4  }
0x177: {  	v50 =	vshll.u32 v11, $0x10;
	v1 =	vadd.f32 v3, v1  }
0x178: {  	v8 =	vld.idx.msk [tilespmem:v41+s22+$0x0], $0xffff;
	v51 =	vand.u32 $0xFFFF0000, v11;
	v2 =	vadd.f32 v50, v2  }
0x179: {  	v52 =	vshll.u32 v10, $0x10;
	v1 =	vadd.f32 v51, v1  }
0x17a: {  	v7 =	vld.idx.msk [tilespmem:v43+s22+$0x0], $0xffff;
	v53 =	vand.u32 $0xFFFF0000, v10;
	v2 =	vadd.f32 v52, v2  }
0x17b: {  	v54 =	vshll.u32 v49, $0x10;
	v1 =	vadd.f32 v53, v1  }
0x17c: {  	v56 =	vld.idx.msk [tilespmem:v45+s22+$0x0], $0xffff;
	v55 =	vand.u32 $0xFFFF0000, v49;
	v2 =	vadd.f32 v54, v2  }
0x17d: {  	v57 =	vshll.u32 v8, $0x10;
	v1 =	vadd.f32 v55, v1  }
0x17e: {  	v0 =	vld.idx.msk [tilespmem:v47+s22+$0x0], $0xffff;
	v58 =	vand.u32 $0xFFFF0000, v8;
	v2 =	vadd.f32 v57, v2  }
0x17f: {  	v59 =	vshll.u32 v7, $0x10;
	v1 =	vadd.f32 v58, v1  }
0x180: {  	v60 =	vand.u32 $0xFFFF0000, v7;
	v2 =	vadd.f32 v59, v2  }
0x181: {  	s28 =	sadd.s32 $0x1, s28;
	v61 =	vshll.u32 v56, $0x10;
	v1 =	vadd.f32 v60, v1  }
0x182: {  	p0 =	sne.s32 s28, $0x8;
	v62 =	vand.u32 $0xFFFF0000, v56;
	v2 =	vadd.f32 v61, v2  }
.Ltmp5:
0x183: {  	v63 =	vshll.u32 v0, $0x10;
	v1 =	vadd.f32 v62, v1;
	(pc) =	sbr.rel @p0 .LBB2_10-.Ltmp5, $4  }
0x184: {  	v0 =	vand.u32 $0xFFFF0000, v0;
	v2 =	vadd.f32 v63, v2  }
0x185: {  	v0 =	vadd.f32 v0, v1  }
0x186: {  	[tilespmem:s30+$0x1EB80] =	vst v2  }
0x187: {  	s29 =	sadd.s32 $0x10, s29;
	[tilespmem:s30+$0x1EC80] =	vst v0  }
0x188: {  	s28 =	simm.s32 $0x0;
	s29 =	simm.s32 $0x1B900  }
.LBB2_14:
0x189: {  	v0 =	vmov s29;
	_ =	sdelay $0x3  }
0x18a: {  	s23 =	simm.s32 $0x0  }
0x18b: {  	s30 =	sshll.u32 s28, $0x4;
	v1 =	vld.idx.msk [tilespmem:v0+s23+$0xFFFFFE00 ss:$0x1], $0xffff  }
0x18c: {  	v9 =	vld [tilespmem:s30+$0x1EB80]  }
0x18d: {  	v2 =	vld.idx.msk [tilespmem:v0+s23+$0xFFFFFE80 ss:$0x1], $0xffff  }
0x18e: {  	v6 =	vld.idx.msk [tilespmem:v0+s23+$0xFFFFFF00 ss:$0x1], $0xffff  }
0x18f: {  	v11 =	vld [tilespmem:s30+$0x1EC80]  }
0x190: {  	v7 =	vld.idx.msk [tilespmem:v0+s23+$0xFFFFFF80 ss:$0x1], $0xffff  }
0x191: {  	v5 =	vld.idx.msk [tilespmem:v0+s23+$0x0 ss:$0x1], $0xffff  }
0x192: {  	v4 =	vld.idx.msk [tilespmem:v0+s23+$0x80 ss:$0x1], $0xffff  }
0x193: {  	v10 =	vld.idx.msk [tilespmem:v1+s22+$0x0], $0xffff  }
0x194: {  	v3 =	vld.idx.msk [tilespmem:v0+s23+$0x100 ss:$0x1], $0xffff  }
0x195: {  	v8 =	vld.idx.msk [tilespmem:v2+s22+$0x0], $0xffff  }
0x196: {  	v6 =	vld.idx.msk [tilespmem:v6+s22+$0x0], $0xffff  }
0x197: {  	v1 =	vld.idx.msk [tilespmem:v0+s23+$0x180 ss:$0x1], $0xffff  }
0x198: {  	s31 =	simm.s32 $0x400;
	v7 =	vld.idx.msk [tilespmem:v7+s22+$0x0], $0xffff;
	v12 =	vshll.u32 v10, $0x10;
	v13 =	vand.u32 $0xFFFF0000, v10  }
0x199: {  	v2 =	vld.idx.msk [tilespmem:v0+s31+$0xFFFFFE00 ss:$0x1], $0xffff;
	s23 =	simm.s32 $0x2000;
	v10 =	vadd.f32 v12, v9;
	v9 =	vadd.f32 v13, v11  }
.LBB2_15:
0x19a: {  	p0 =	sne.s32 s23, $0xC000;
	v11 =	vshll.u32 v8, $0x10;
	v8 =	vand.u32 $0xFFFF0000, v8;
	v5 =	vld.idx.msk [tilespmem:v5+s22+$0x0], $0xffff  }
0x19b: {  	v12 =	vld.idx.msk [tilespmem:v0+s31+$0xFFFFFE80 ss:$0x1], $0xffff;
	v10 =	vadd.f32 v11, v10;
	v8 =	vadd.f32 v8, v9  }
0x19c: {  	v9 =	vshll.u32 v6, $0x10;
	v6 =	vand.u32 $0xFFFF0000, v6;
	v4 =	vld.idx.msk [tilespmem:v4+s22+$0x0], $0xffff  }
0x19d: {  	v11 =	vld.idx.msk [tilespmem:v0+s31+$0xFFFFFF00 ss:$0x1], $0xffff;
	v9 =	vadd.f32 v9, v10;
	v6 =	vadd.f32 v6, v8  }
0x19e: {  	v8 =	vshll.u32 v7, $0x10;
	v7 =	vand.u32 $0xFFFF0000, v7;
	v3 =	vld.idx.msk [tilespmem:v3+s22+$0x0], $0xffff  }
0x19f: {  	v10 =	vld.idx.msk [tilespmem:v0+s31+$0xFFFFFF80 ss:$0x1], $0xffff;
	v8 =	vadd.f32 v8, v9;
	v6 =	vadd.f32 v7, v6  }
0x1a0: {  	v7 =	vshll.u32 v5, $0x10;
	v9 =	vand.u32 $0xFFFF0000, v5;
	v1 =	vld.idx.msk [tilespmem:v1+s22+$0x0], $0xffff  }
0x1a1: {  	v5 =	vld.idx.msk [tilespmem:v0+s31+$0x0 ss:$0x1], $0xffff;
	v7 =	vadd.f32 v7, v8;
	v6 =	vadd.f32 v9, v6  }
0x1a2: {  	v8 =	vshll.u32 v4, $0x10;
	v9 =	vand.u32 $0xFFFF0000, v4;
	v2 =	vld.idx.msk [tilespmem:v2+s22+$0x0], $0xffff  }
0x1a3: {  	v4 =	vld.idx.msk [tilespmem:v0+s31+$0x80 ss:$0x1], $0xffff;
	v7 =	vadd.f32 v8, v7;
	v6 =	vadd.f32 v9, v6  }
0x1a4: {  	v9 =	vshll.u32 v3, $0x10;
	v8 =	vld.idx.msk [tilespmem:v12+s22+$0x0], $0xffff;
	v12 =	vand.u32 $0xFFFF0000, v3  }
.Ltmp6:
0x1a5: {  	v3 =	vld.idx.msk [tilespmem:v0+s31+$0x100 ss:$0x1], $0xffff;
	v7 =	vadd.f32 v9, v7;
	v9 =	vadd.f32 v12, v6;
	(pc) =	sbr.rel @p0 .LBB2_15-.Ltmp6, $4  }
0x1a6: {  	v12 =	vand.u32 $0xFFFF0000, v1;
	v6 =	vld.idx.msk [tilespmem:v11+s22+$0x0], $0xffff;
	v11 =	vshll.u32 v1, $0x10  }
0x1a7: {  	v1 =	vld.idx.msk [tilespmem:v0+s31+$0x180 ss:$0x1], $0xffff;
	v11 =	vadd.f32 v11, v7;
	v9 =	vadd.f32 v12, v9  }
0x1a8: {  	s31 =	sshra.s32 s23, $0x2;
	v12 =	vshll.u32 v2, $0x10;
	v13 =	vand.u32 $0xFFFF0000, v2;
	v7 =	vld.idx.msk [tilespmem:v10+s22+$0x0], $0xffff  }
0x1a9: {  	s23 =	sadd.s32 $0x1000, s23;
	v2 =	vld.idx.msk [tilespmem:v0+s31+$0xFFFFFE00 ss:$0x1], $0xffff;
	v10 =	vadd.f32 v12, v11;
	v9 =	vadd.f32 v13, v9  }
0x1aa: {  	_ =	sdelay $0x2  }
0x1ab: {  	v11 =	vshll.u32 v8, $0x10  }
0x1ac: {  	v32 =	vand.u32 $0xFFFF0000, v8;
	v5 =	vld.idx.msk [tilespmem:v5+s22+$0x0], $0xffff;
	v10 =	vadd.f32 v11, v10  }
0x1ad: {  	v33 =	vld.idx.msk [tilespmem:v0+s31+$0xFFFFFE80 ss:$0x1], $0xffff;
	v8 =	vadd.f32 v32, v9;
	v34 =	vshll.u32 v6, $0x10  }
0x1ae: {  	v4 =	vld.idx.msk [tilespmem:v4+s22+$0x0], $0xffff;
	v35 =	vand.u32 $0xFFFF0000, v6;
	v9 =	vadd.f32 v34, v10  }
0x1af: {  	v36 =	vld.idx.msk [tilespmem:v0+s31+$0xFFFFFF00 ss:$0x1], $0xffff;
	v6 =	vadd.f32 v35, v8;
	v37 =	vshll.u32 v7, $0x10  }
0x1b0: {  	v3 =	vld.idx.msk [tilespmem:v3+s22+$0x0], $0xffff;
	v38 =	vand.u32 $0xFFFF0000, v7;
	v8 =	vadd.f32 v37, v9  }
0x1b1: {  	v39 =	vld.idx.msk [tilespmem:v0+s31+$0xFFFFFF80 ss:$0x1], $0xffff;
	v6 =	vadd.f32 v38, v6;
	v40 =	vshll.u32 v5, $0x10  }
0x1b2: {  	v1 =	vld.idx.msk [tilespmem:v1+s22+$0x0], $0xffff;
	v5 =	vand.u32 $0xFFFF0000, v5;
	v7 =	vadd.f32 v40, v8  }
0x1b3: {  	v41 =	vld.idx.msk [tilespmem:v0+s31+$0x0 ss:$0x1], $0xffff;
	v42 =	vshll.u32 v4, $0x10;
	v5 =	vadd.f32 v5, v6  }
0x1b4: {  	v2 =	vld.idx.msk [tilespmem:v2+s22+$0x0], $0xffff;
	v4 =	vand.u32 $0xFFFF0000, v4;
	v6 =	vadd.f32 v42, v7  }
0x1b5: {  	v43 =	vld.idx.msk [tilespmem:v0+s31+$0x80 ss:$0x1], $0xffff;
	v44 =	vshll.u32 v3, $0x10;
	v4 =	vadd.f32 v4, v5  }
0x1b6: {  	v3 =	vand.u32 $0xFFFF0000, v3;
	v11 =	vld.idx.msk [tilespmem:v33+s22+$0x0], $0xffff;
	v5 =	vadd.f32 v44, v6  }
0x1b7: {  	v45 =	vld.idx.msk [tilespmem:v0+s31+$0x100 ss:$0x1], $0xffff;
	v46 =	vshll.u32 v1, $0x10;
	v3 =	vadd.f32 v3, v4  }
0x1b8: {  	v1 =	vand.u32 $0xFFFF0000, v1;
	v10 =	vld.idx.msk [tilespmem:v36+s22+$0x0], $0xffff;
	v4 =	vadd.f32 v46, v5  }
0x1b9: {  	v47 =	vld.idx.msk [tilespmem:v0+s31+$0x180 ss:$0x1], $0xffff;
	v48 =	vshll.u32 v2, $0x10;
	v1 =	vadd.f32 v1, v3  }
0x1ba: {  	v49 =	vld.idx.msk [tilespmem:v39+s22+$0x0], $0xffff;
	v2 =	vand.u32 $0xFFFF0000, v2;
	v3 =	vadd.f32 v48, v4  }
0x1bb: {  	v50 =	vshll.u32 v11, $0x10;
	v1 =	vadd.f32 v2, v1  }
0x1bc: {  	v8 =	vld.idx.msk [tilespmem:v41+s22+$0x0], $0xffff;
	v51 =	vand.u32 $0xFFFF0000, v11;
	v2 =	vadd.f32 v50, v3  }
0x1bd: {  	v52 =	vshll.u32 v10, $0x10;
	v1 =	vadd.f32 v51, v1  }
0x1be: {  	v7 =	vld.idx.msk [tilespmem:v43+s22+$0x0], $0xffff;
	v53 =	vand.u32 $0xFFFF0000, v10;
	v2 =	vadd.f32 v52, v2  }
0x1bf: {  	v54 =	vshll.u32 v49, $0x10;
	v1 =	vadd.f32 v53, v1  }
0x1c0: {  	v56 =	vld.idx.msk [tilespmem:v45+s22+$0x0], $0xffff;
	v55 =	vand.u32 $0xFFFF0000, v49;
	v2 =	vadd.f32 v54, v2  }
0x1c1: {  	v57 =	vshll.u32 v8, $0x10;
	v1 =	vadd.f32 v55, v1  }
0x1c2: {  	v0 =	vld.idx.msk [tilespmem:v47+s22+$0x0], $0xffff;
	v58 =	vand.u32 $0xFFFF0000, v8;
	v2 =	vadd.f32 v57, v2  }
0x1c3: {  	v59 =	vshll.u32 v7, $0x10;
	v1 =	vadd.f32 v58, v1  }
0x1c4: {  	v60 =	vand.u32 $0xFFFF0000, v7;
	v2 =	vadd.f32 v59, v2  }
0x1c5: {  	s28 =	sadd.s32 $0x1, s28;
	v61 =	vshll.u32 v56, $0x10;
	v1 =	vadd.f32 v60, v1  }
0x1c6: {  	p0 =	sne.s32 s28, $0x8;
	v62 =	vand.u32 $0xFFFF0000, v56;
	v2 =	vadd.f32 v61, v2  }
.Ltmp7:
0x1c7: {  	v63 =	vshll.u32 v0, $0x10;
	v1 =	vadd.f32 v62, v1;
	(pc) =	sbr.rel @p0 .LBB2_14-.Ltmp7, $4  }
0x1c8: {  	v0 =	vand.u32 $0xFFFF0000, v0;
	v2 =	vadd.f32 v63, v2  }
0x1c9: {  	v0 =	vadd.f32 v0, v1  }
0x1ca: {  	[tilespmem:s30+$0x1EB80] =	vst v2  }
0x1cb: {  	s29 =	sadd.s32 $0x10, s29;
	[tilespmem:s30+$0x1EC80] =	vst v0  }
0x1cc: {  	s23 =	rddreg [dreg:$0x1b];
	s28 =	simm.s32 $0x1EB80  }
0x1cd: {  	[hbm4b:s23+s22] =	stream.linear.scatter [tilespmem:s28], [sflag:$0x4], $0x80, $0x38;
	[tilespmem:$0x1ED00] =	vst v63  }
0x1ce: {  	s30 =	rddreg [dreg:$0x1c];
	s31 =	simm.s32 $0x1EC80  }
0x1cf: {  	[hbm4b:s30+s22] =	stream.linear.scatter [tilespmem:s31], [sflag:$0x4], $0x80, $0x38;
	[tilespmem:$0x1ED00] =	vst v63  }
0x1d0: {  	_ =	swait.ge [sflag:s17], $0x80  }
0x1d1: {  	[sflag:s17] =	ssyncset.done $0x0  }
0x1d2: {  	[sflag:s17] =	ssyncadd.s32 $0xFFFFFF80  }
0x1d3: {  	_ =	swait.ge [sflag:s17], $0x80  }
0x1d4: {  	[sflag:s17] =	ssyncset.done $0x0  }
0x1d5: {  	s26 =	sadd.s32 $0x1, s26;
	[sflag:s17] =	ssyncadd.s32 $0xFFFFFF80  }
0x1d6: {  	p0 =	sne.s32 s26, s13;
	_ =	swait.ge [sflag:s17], $0x80  }
.Ltmp8:
0x1d7: {  	[sflag:s17] =	ssyncset.done $0x0;
	(pc) =	sbr.rel @p0 .LBB2_1-.Ltmp8, $4  }
0x1d8: {  	[sflag:s17] =	ssyncadd.s32 $0xFFFFFF80  }
0x1d9: {  	_ =	swait.ge [sflag:s17], $0x80  }
0x1da: {  	[sflag:s17] =	ssyncset.done $0x0  }
0x1db: {  	[sflag:s17] =	ssyncadd.s32 $0xFFFFFF80  }
0x1dc: {  	_ =	sfence.sel $0x180000  }
0x1dd: {  	[bflag:$0x0] =	sbarrier.arrive $0xFFFF  }
0x1de: {  	_ =	strace $0x90000047  }
0x1df: {  	s0 =	stileid.u32;
	[bflag:$0x2] =	sbarrier.arrive $0xFFFF  }
0x1e0: {  	p0 =	sne.s32 s0, $0x0;
	s0 =	rddreg [dreg:$0x3]  }
0x1e1: {  	s0 =	sadd.s32 @!p0 $0x100000, s0  }
0x1e2: {  	[sflag:s0] =	ssyncadd.tile.s32 @!p0 $0x1;
	_ =	shalt  }
.Lfunc_end2:
_tile_overlayer_lowered:
.L_overlay_start_2:
0x1e3: {  	(tag) =	ssettag $0x2  }
0x1e4: {  	s0 =	rddreg [dreg:$0x0];
	s2 =	stileid.u32  }
0x1e5: {  	s1 =	rddreg [dreg:$0x1];
	p0 =	sne.s32 s2, $0x0  }
0x1e6: {  	s3 =	rddreg [dreg:$0x2];
	[bflag:$0x3] =	sbarrier.arrive $0xFFFF;
	s2 =	simm.s32 @!p0 $0x1C05  }
0x1e7: {  	[timem:s3], [sflag:s2] =	dma.local @!p0 [hbm:s0], s1  }
0x1e8: {  	s0 =	simm.s32 @!p0 $0x5  }
0x1e9: {  	_ =	swait.ge @!p0 [sflag:s0], s1  }
0x1ea: {  	s1 =	ssub.s32 @!p0 $0x0, s1;
	[sflag:s0] =	ssyncset.done @!p0 $0x0  }
0x1eb: {  	[sflag:s0] =	ssyncadd.s32 @!p0 s1  }
0x1ec: {  	[bflag:$0x3] =	sbarrier.arrive $0xFFFF  }
0x1ed: {  	_ =	shalt  }

</sc_bundles>
